<compile_context>
chip_gen: v7x
topology: tpu7x:2x2x1
jax: 0.10.2.dev20260603
libtpu: 0.0.44.dev20260713+nightly
codegen_flags: <defaults>
</compile_context>

<pallas_src>
import functools

import jax
import jax.numpy as jnp
from jax import lax
from jax.experimental import pallas as pl
from jax.experimental.pallas import tpu as pltpu
from jax.experimental.pallas import tpu_sc as plsc

_N_NODES = 10000
_NODE_DIM = 128
_HIDDEN = 64
_NUM_GRAPHS = 256
_N_EDGES = 320000

_NC = 2
_NS = 16
_NW = _NC * _NS
_K = 128
_EPW = 10240
_CH = _EPW // _K
_E_PAD = _NW * _EPW
_SINK = _N_NODES
_N_ACC = 10240
_STRIPE = _N_ACC // _NS
_DEG_W = 128
_HP = 128
_IBC = 8

_BR = 2000
_GRID = _N_NODES // _BR

_PREC = lax.Precision.HIGHEST

def _mesh():
  return plsc.VectorSubcoreMesh(
      core_axis_name="c", subcore_axis_name="s",
      num_cores=_NC, num_subcores=_NS)


@functools.lru_cache(maxsize=None)
def _make_sc_degree():
  @functools.partial(
      pl.kernel,
      out_type=jax.ShapeDtypeStruct((_NC, _N_ACC, _DEG_W), jnp.float32),
      mesh=_mesh(),
      scratch_types=[
          pltpu.VMEM((_CH, _K), jnp.int32),
          pltpu.VMEM((_K, _DEG_W), jnp.float32),
          pltpu.VMEM_SHARED((_N_ACC, _DEG_W), jnp.float32),
      ],
  )
  def sc_degree(dst_hbm, ones_hbm, zeros_hbm, out_hbm, didx, ones, acc):
    c = lax.axis_index("c")
    s = lax.axis_index("s")
    wid = c * _NS + s
    pltpu.sync_copy(dst_hbm.at[wid], didx)
    pltpu.sync_copy(ones_hbm, ones)
    pltpu.sync_copy(zeros_hbm, acc.at[pl.ds(s * _STRIPE, _STRIPE)])
    plsc.subcore_barrier()

    def step(j, carry):
      pltpu.sync_copy(ones, acc.at[didx.at[j]], add=True)
      return carry

    lax.fori_loop(0, _CH, step, 0)
    plsc.subcore_barrier()
    pltpu.sync_copy(acc.at[pl.ds(s * _STRIPE, _STRIPE)],
                    out_hbm.at[c, pl.ds(s * _STRIPE, _STRIPE)])

  return sc_degree


@functools.lru_cache(maxsize=None)
def _make_sc_aggregate():
  @functools.partial(
      pl.kernel,
      out_type=jax.ShapeDtypeStruct((_NC, _N_ACC, _HP), jnp.float32),
      mesh=_mesh(),
      scratch_types=[
          pltpu.VMEM((_IBC, _K), jnp.int32),
          pltpu.VMEM((_CH, _K), jnp.int32),
          pltpu.VMEM((_K, _HP), jnp.float32),
          pltpu.VMEM((_K, _HP), jnp.float32),
          pltpu.VMEM_SHARED((_N_ACC, _HP), jnp.float32),
          pltpu.SemaphoreType.DMA,
          pltpu.SemaphoreType.DMA,
      ],
  )
  def sc_aggregate(src_hbm, dst_hbm, g_hbm, zeros_hbm, out_hbm,
                   sidx, didx, rows0, rows1, acc, sem0, sem1):
    rows = (rows0, rows1)
    sems = (sem0, sem1)
    c = lax.axis_index("c")
    s = lax.axis_index("s")
    wid = c * _NS + s
    pltpu.sync_copy(dst_hbm.at[wid], didx)
    pltpu.sync_copy(zeros_hbm, acc.at[pl.ds(s * _STRIPE, _STRIPE)])
    plsc.subcore_barrier()

    def block(i, carry):
      j0 = i * _IBC
      pltpu.sync_copy(src_hbm.at[wid, pl.ds(j0, _IBC)], sidx)
      pltpu.make_async_copy(g_hbm.at[sidx.at[0]], rows[0], sems[0]).start()
      pltpu.make_async_copy(g_hbm.at[sidx.at[1]], rows[1], sems[1]).start()
      for jj in range(_IBC):
        r = jj % 2
        pltpu.make_async_copy(g_hbm.at[sidx.at[jj]], rows[r], sems[r]).wait()
        pltpu.sync_copy(rows[r], acc.at[didx.at[j0 + jj]], add=True)
        if jj + 2 < _IBC:
          pltpu.make_async_copy(
              g_hbm.at[sidx.at[jj + 2]], rows[r], sems[r]).start()
      return carry

    lax.fori_loop(0, _CH // _IBC, block, 0)
    plsc.subcore_barrier()
    pltpu.sync_copy(acc.at[pl.ds(s * _STRIPE, _STRIPE)],
                    out_hbm.at[c, pl.ds(s * _STRIPE, _STRIPE)])

  return sc_aggregate


def _tc_encode0_body(x_ref, wn_ref, bn_ref, w1_ref, u1_ref):
  h0 = jnp.maximum(
      jnp.dot(x_ref[...], wn_ref[...], precision=_PREC) + bn_ref[...], 0.0)
  u1_ref[...] = jnp.dot(h0, w1_ref[...], precision=_PREC)


def _make_tc_encode0(interpret=False):
  return pl.pallas_call(
      _tc_encode0_body,
      grid=(_GRID,),
      in_specs=[
          pl.BlockSpec((_BR, _NODE_DIM), lambda i: (i, 0)),
          pl.BlockSpec((_NODE_DIM, _HIDDEN), lambda i: (0, 0)),
          pl.BlockSpec((1, _HIDDEN), lambda i: (0, 0)),
          pl.BlockSpec((_HIDDEN, _HIDDEN), lambda i: (0, 0)),
      ],
      out_specs=pl.BlockSpec((_BR, _HIDDEN), lambda i: (i, 0)),
      out_shape=jax.ShapeDtypeStruct((_N_NODES, _HIDDEN), jnp.float32),
      interpret=interpret,
  )


def _tc_scale_body(deg_ref, u1_ref, g1_ref, dinv_ref):
  deg = deg_ref[0, :, 0:1] + deg_ref[1, :, 0:1] + 1.0
  dinv = lax.rsqrt(jnp.maximum(deg, 1.0))
  g = dinv * u1_ref[...]
  g1_ref[...] = jnp.concatenate(
      [g, jnp.zeros((_BR, _HP - _HIDDEN), g.dtype)], axis=1)
  dinv_ref[...] = dinv


def _make_tc_scale(interpret=False):
  return pl.pallas_call(
      _tc_scale_body,
      grid=(_GRID,),
      in_specs=[
          pl.BlockSpec((_NC, _BR, _DEG_W), lambda i: (0, i, 0)),
          pl.BlockSpec((_BR, _HIDDEN), lambda i: (i, 0)),
      ],
      out_specs=[
          pl.BlockSpec((_BR, _HP), lambda i: (i, 0)),
          pl.BlockSpec((_BR, 1), lambda i: (i, 0)),
      ],
      out_shape=[
          jax.ShapeDtypeStruct((_N_NODES, _HP), jnp.float32),
          jax.ShapeDtypeStruct((_N_NODES, 1), jnp.float32),
      ],
      interpret=interpret,
  )


def _tc_layer_body(ap_ref, g_ref, dinv_ref, b_ref, w_ref, out_ref):
  a = (ap_ref[0, :, 0:_HIDDEN] + ap_ref[1, :, 0:_HIDDEN]
       + g_ref[:, 0:_HIDDEN])
  h = jnp.maximum(dinv_ref[...] * a + b_ref[...], 0.0)
  g = dinv_ref[...] * jnp.dot(h, w_ref[...], precision=_PREC)
  out_ref[...] = jnp.concatenate(
      [g, jnp.zeros((_BR, _HP - _HIDDEN), g.dtype)], axis=1)


def _make_tc_layer(interpret=False):
  return pl.pallas_call(
      _tc_layer_body,
      grid=(_GRID,),
      in_specs=[
          pl.BlockSpec((_NC, _BR, _HP), lambda i: (0, i, 0)),
          pl.BlockSpec((_BR, _HP), lambda i: (i, 0)),
          pl.BlockSpec((_BR, 1), lambda i: (i, 0)),
          pl.BlockSpec((1, _HIDDEN), lambda i: (0, 0)),
          pl.BlockSpec((_HIDDEN, _HIDDEN), lambda i: (0, 0)),
      ],
      out_specs=pl.BlockSpec((_BR, _HP), lambda i: (i, 0)),
      out_shape=jax.ShapeDtypeStruct((_N_NODES, _HP), jnp.float32),
      interpret=interpret,
  )


def _tc_head_body(ap_ref, g_ref, dinv_ref, b_ref, batch_ref,
                  wf1_ref, bf1_ref, wf2_ref, bf2_ref, out_ref, sums, counts):
  i = pl.program_id(0)

  @pl.when(i == 0)
  def _():
    sums[...] = jnp.zeros_like(sums)
    counts[...] = jnp.zeros_like(counts)

  a = (ap_ref[0, :, 0:_HIDDEN] + ap_ref[1, :, 0:_HIDDEN]
       + g_ref[:, 0:_HIDDEN])
  h3 = jnp.maximum(dinv_ref[...] * a + b_ref[...], 0.0)
  iota = lax.broadcasted_iota(jnp.int32, (1, _NUM_GRAPHS), 1).astype(jnp.float32)
  onehot = (batch_ref[...] == iota).astype(jnp.float32)
  dn = (((0,), (0,)), ((), ()))
  sums[...] += lax.dot_general(onehot, h3, dn, precision=_PREC)
  counts[...] += lax.dot_general(
      onehot, jnp.ones((_BR, 1), jnp.float32), dn, precision=_PREC)

  @pl.when(i == _GRID - 1)
  def _():
    pooled = sums[...] / jnp.maximum(counts[...], 1.0)
    z = jnp.maximum(
        jnp.dot(pooled, wf1_ref[...], precision=_PREC) + bf1_ref[...], 0.0)
    out_ref[...] = jnp.dot(z, wf2_ref[...], precision=_PREC) + bf2_ref[...]


def _make_tc_head(interpret=False):
  return pl.pallas_call(
      _tc_head_body,
      grid=(_GRID,),
      in_specs=[
          pl.BlockSpec((_NC, _BR, _HP), lambda i: (0, i, 0)),
          pl.BlockSpec((_BR, _HP), lambda i: (i, 0)),
          pl.BlockSpec((_BR, 1), lambda i: (i, 0)),
          pl.BlockSpec((1, _HIDDEN), lambda i: (0, 0)),
          pl.BlockSpec((_BR, 1), lambda i: (i, 0)),
          pl.BlockSpec((_HIDDEN, _HIDDEN), lambda i: (0, 0)),
          pl.BlockSpec((1, _HIDDEN), lambda i: (0, 0)),
          pl.BlockSpec((_HIDDEN, 1), lambda i: (0, 0)),
          pl.BlockSpec((1, 1), lambda i: (0, 0)),
      ],
      out_specs=pl.BlockSpec((_NUM_GRAPHS, 1), lambda i: (0, 0)),
      out_shape=jax.ShapeDtypeStruct((_NUM_GRAPHS, 1), jnp.float32),
      scratch_shapes=[
          pltpu.VMEM((_NUM_GRAPHS, _HIDDEN), jnp.float32),
          pltpu.VMEM((_NUM_GRAPHS, 1), jnp.float32),
      ],
      interpret=interpret,
  )


_tc_encode0 = _make_tc_encode0()
_tc_scale = _make_tc_scale()
_tc_layer = _make_tc_layer()
_tc_head = _make_tc_head()


def kernel(x, edge_index, batch, W_node, b_node, W1, b1, W2, b2, W3, b3,
           Wf1, bf1, Wf2, bf2):
  _sc_degree = _make_sc_degree()
  _sc_aggregate = _make_sc_aggregate()
  pad = _E_PAD - _N_EDGES
  pad_i = jnp.arange(pad, dtype=jnp.int32)
  src = jnp.concatenate(
      [edge_index[0].astype(jnp.int32), pad_i % _N_NODES]
  ).reshape(_NW, _CH, _K)
  dst = jnp.concatenate(
      [edge_index[1].astype(jnp.int32),
       _SINK + pad_i % (_N_ACC - _N_NODES)]
  ).reshape(_NW, _CH, _K)
  ones_deg = jnp.ones((_K, _DEG_W), jnp.float32)
  zeros_deg = jnp.zeros((_STRIPE, _DEG_W), jnp.float32)
  zeros_agg = jnp.zeros((_STRIPE, _HP), jnp.float32)
  batch_f = batch.astype(jnp.float32).reshape(_N_NODES, 1)

  deg_p = _sc_degree(dst, ones_deg, zeros_deg)
  u1 = _tc_encode0(x, W_node, b_node.reshape(1, _HIDDEN), W1)
  g1, dinv = _tc_scale(deg_p, u1)
  a1 = _sc_aggregate(src, dst, g1, zeros_agg)
  g2 = _tc_layer(a1, g1, dinv, b1.reshape(1, _HIDDEN), W2)
  a2 = _sc_aggregate(src, dst, g2, zeros_agg)
  g3 = _tc_layer(a2, g2, dinv, b2.reshape(1, _HIDDEN), W3)
  a3 = _sc_aggregate(src, dst, g3, zeros_agg)
  out = _tc_head(a3, g3, dinv, b3.reshape(1, _HIDDEN), batch_f,
                 Wf1, bf1.reshape(1, _HIDDEN), Wf2, bf2.reshape(1, 1))
  return out

# --- scband reference (transcript-rebuilt; emitter-appended) ---
"""Pipeline reference for scband-molecular-gcn-87514253623368 (READ-ONLY COPY).

The authoritative reference and input builder live on the scoring server;
editing this copy changes nothing except your own understanding.
"""

import jax, jax.numpy as jnp
import numpy as np

N_NODES = 10000
N_EDGES = 320000
NODE_DIM = 128
HIDDEN = 64
OUT_DIM = 1
NUM_GRAPHS = 256


def setup_inputs(seed: int = 0) -> dict:
    key = jax.random.key(seed)
    ks = jax.random.split(key, 16)
    x = jax.random.normal(ks[0], (N_NODES, NODE_DIM), dtype=jnp.float32)
    edge_index = jax.random.randint(ks[1], (2, N_EDGES), 0, N_NODES, dtype=jnp.int64)
    batch = jnp.sort(jax.random.randint(ks[2], (N_NODES,), 0, NUM_GRAPHS, dtype=jnp.int64))
    def lin(k, fan_in, fan_out):
        bound = 1.0 / np.sqrt(fan_in)
        kw, kb = jax.random.split(k)
        W = jax.random.uniform(kw, (fan_in, fan_out), minval=-bound, maxval=bound, dtype=jnp.float32)
        b = jax.random.uniform(kb, (fan_out,), minval=-bound, maxval=bound, dtype=jnp.float32)
        return W, b
    W_node, b_node = lin(ks[3], NODE_DIM, HIDDEN)
    W1, b1 = lin(ks[4], HIDDEN, HIDDEN)
    W2, b2 = lin(ks[5], HIDDEN, HIDDEN)
    W3, b3 = lin(ks[6], HIDDEN, HIDDEN)
    Wf1, bf1 = lin(ks[7], HIDDEN, HIDDEN)
    Wf2, bf2 = lin(ks[8], HIDDEN, OUT_DIM)
    return {"x": x, "edge_index": edge_index, "batch": batch,
            "W_node": W_node, "b_node": b_node,
            "W1": W1, "b1": b1, "W2": W2, "b2": b2, "W3": W3, "b3": b3,
            "Wf1": Wf1, "bf1": bf1, "Wf2": Wf2, "bf2": bf2}


def _gcn_conv(h, src, dst, W, b, n):
    # PyG GCNConv: add self-loops, symmetric normalization, scatter-add aggregation
    h = h @ W
    deg = jnp.zeros((n,), dtype=h.dtype).at[dst].add(1.0)
    dinv = 1.0 / jnp.sqrt(jnp.maximum(deg, 1.0))
    norm = dinv[src] * dinv[dst]
    msg = norm[:, None] * h[src]
    out = jnp.zeros_like(h).at[dst].add(msg)
    return out + b


def reference(x, edge_index, batch, W_node, b_node, W1, b1, W2, b2, W3, b3, Wf1, bf1, Wf2, bf2):
    n = x.shape[0]
    loop = jnp.arange(n, dtype=edge_index.dtype)
    src = jnp.concatenate([edge_index[0], loop])
    dst = jnp.concatenate([edge_index[1], loop])
    h = jax.nn.relu(x @ W_node + b_node)
    for W, b in ((W1, b1), (W2, b2), (W3, b3)):
        h = jax.nn.relu(_gcn_conv(h, src, dst, W, b, n))
    # global mean pool over graphs
    sums = jax.ops.segment_sum(h, batch, num_segments=NUM_GRAPHS)
    counts = jax.ops.segment_sum(jnp.ones((n,), dtype=h.dtype), batch, num_segments=NUM_GRAPHS)
    pooled = sums / jnp.maximum(counts, 1.0)[:, None]
    # fc head (dropout is identity in eval mode)
    out = jax.nn.relu(pooled @ Wf1 + bf1) @ Wf2 + bf2
    return out

if __name__ == "__main__":
    import jax
    _d = setup_inputs()
    print(jax.jit(kernel)(*tuple(_d.values())))

</pallas_src>

<mosaic_0001>
#map = affine_map<(d0, d1) -> (0, 0, 0)>
#map1 = affine_map<(d0, d1) -> (0, 0)>
module attributes {stable_mosaic.version = 14 : i64} {
  func.func @sc_degree(%arg0: i32, %arg1: i32, %arg2: memref<32x80x128xi32, #tpu.memory_space<hbm>>, %arg3: memref<128x128xf32, #tpu.memory_space<hbm>>, %arg4: memref<640x128xf32, #tpu.memory_space<hbm>>, %arg5: memref<2x10240x128xf32, #tpu.memory_space<hbm>>, %arg6: memref<80x128xi32, #tpu.memory_space<vmem>>, %arg7: memref<128x128xf32, #tpu.memory_space<vmem>>, %arg8: memref<10240x128xf32, #tpu.memory_space<vmem_shared>>) attributes {dimension_semantics = [#tpu.dimension_semantics<core_parallel>, #tpu.dimension_semantics<subcore_parallel>], iteration_bounds = array<i64: 2, 16>, scalar_prefetch = 0 : i64, scratch_operands = 3 : i64, tpu.core_type = #tpu.core_type<sc_vector_subcore>, window_params = [{transform_indices = #map}, {transform_indices = #map1}, {transform_indices = #map1}, {transform_indices = #map}]} {
    %mul3A = arith.constant 16 : i32
    %mul3A_0 = arith.muli %arg0, %mul3A : i32
    %add3A = arith.addi %mul3A_0, %arg1 : i32
    "tpu.region"() ({
      %run_scoped3A = tpu.sem_alloc : memref<!tpu.dma_semaphore, #tpu.memory_space<semaphore_mem>>
      %dma_start3A = arith.constant 0 : i32
      %dma_start3A_13 = arith.constant 0 : i32
      %dma_start3A_14 = tpu.memref_slice %arg2[%add3A, %dma_start3A, %dma_start3A_13] : memref<32x80x128xi32, #tpu.memory_space<hbm>> -> memref<1x80x128xi32, #tpu.memory_space<hbm>>
      %dma_start3A_15 = tpu.memref_squeeze %dma_start3A_14 : memref<1x80x128xi32, #tpu.memory_space<hbm>> -> memref<80x128xi32, #tpu.memory_space<hbm>>
      %dma_start3A_16 = arith.constant 0 : i32
      %dma_start3A_17 = arith.constant 0 : i32
      %dma_start3A_18 = tpu.memref_slice %arg2[%add3A, %dma_start3A_16, %dma_start3A_17] : memref<32x80x128xi32, #tpu.memory_space<hbm>> -> memref<1x80x128xi32, #tpu.memory_space<hbm>>
      %dma_start3A_19 = tpu.memref_squeeze %dma_start3A_18 : memref<1x80x128xi32, #tpu.memory_space<hbm>> -> memref<80x128xi32, #tpu.memory_space<hbm>>
      tpu.enqueue_dma source(%dma_start3A_19 : memref<80x128xi32, #tpu.memory_space<hbm>>) target(%arg6 : memref<80x128xi32, #tpu.memory_space<vmem>>) target_semaphore(%run_scoped3A : memref<!tpu.dma_semaphore, #tpu.memory_space<semaphore_mem>>)
      %dma_wait3A = arith.constant 0 : i32
      %dma_wait3A_20 = arith.constant 0 : i32
      %dma_wait3A_21 = tpu.memref_slice %arg2[%add3A, %dma_wait3A, %dma_wait3A_20] : memref<32x80x128xi32, #tpu.memory_space<hbm>> -> memref<1x80x128xi32, #tpu.memory_space<hbm>>
      %dma_wait3A_22 = tpu.memref_squeeze %dma_wait3A_21 : memref<1x80x128xi32, #tpu.memory_space<hbm>> -> memref<80x128xi32, #tpu.memory_space<hbm>>
      %dma_wait3A_23 = arith.constant 0 : i32
      %dma_wait3A_24 = arith.constant 0 : i32
      %dma_wait3A_25 = tpu.memref_slice %arg2[%add3A, %dma_wait3A_23, %dma_wait3A_24] : memref<32x80x128xi32, #tpu.memory_space<hbm>> -> memref<1x80x128xi32, #tpu.memory_space<hbm>>
      %dma_wait3A_26 = tpu.memref_squeeze %dma_wait3A_25 : memref<1x80x128xi32, #tpu.memory_space<hbm>> -> memref<80x128xi32, #tpu.memory_space<hbm>>
      tpu.wait_dma2 semaphore(%run_scoped3A : memref<!tpu.dma_semaphore, #tpu.memory_space<semaphore_mem>>) src(%dma_wait3A_26 : memref<80x128xi32, #tpu.memory_space<hbm>>) dst(%arg6 : memref<80x128xi32, #tpu.memory_space<vmem>>)
      tpu.yield
    }) : () -> ()
    "tpu.region"() ({
      %run_scoped3A = tpu.sem_alloc : memref<!tpu.dma_semaphore, #tpu.memory_space<semaphore_mem>>
      tpu.enqueue_dma source(%arg3 : memref<128x128xf32, #tpu.memory_space<hbm>>) target(%arg7 : memref<128x128xf32, #tpu.memory_space<vmem>>) target_semaphore(%run_scoped3A : memref<!tpu.dma_semaphore, #tpu.memory_space<semaphore_mem>>)
      tpu.wait_dma2 semaphore(%run_scoped3A : memref<!tpu.dma_semaphore, #tpu.memory_space<semaphore_mem>>) src(%arg3 : memref<128x128xf32, #tpu.memory_space<hbm>>) dst(%arg7 : memref<128x128xf32, #tpu.memory_space<vmem>>)
      tpu.yield
    }) : () -> ()
    %mul3A_1 = arith.constant 640 : i32
    %mul3A_2 = arith.muli %arg1, %mul3A_1 : i32
    "tpu.region"() ({
      %run_scoped3A = tpu.sem_alloc : memref<!tpu.dma_semaphore, #tpu.memory_space<semaphore_mem>>
      %dma_start3A = arith.constant 0 : i32
      %dma_start3A_13 = tpu.memref_slice %arg8[%mul3A_2, %dma_start3A] : memref<10240x128xf32, #tpu.memory_space<vmem_shared>> -> memref<640x128xf32, #tpu.memory_space<vmem_shared>>
      tpu.enqueue_dma source(%arg4 : memref<640x128xf32, #tpu.memory_space<hbm>>) target(%dma_start3A_13 : memref<640x128xf32, #tpu.memory_space<vmem_shared>>) target_semaphore(%run_scoped3A : memref<!tpu.dma_semaphore, #tpu.memory_space<semaphore_mem>>)
      %dma_wait3A = arith.constant 0 : i32
      %dma_wait3A_14 = tpu.memref_slice %arg8[%mul3A_2, %dma_wait3A] : memref<10240x128xf32, #tpu.memory_space<vmem_shared>> -> memref<640x128xf32, #tpu.memory_space<vmem_shared>>
      tpu.wait_dma2 semaphore(%run_scoped3A : memref<!tpu.dma_semaphore, #tpu.memory_space<semaphore_mem>>) src(%arg4 : memref<640x128xf32, #tpu.memory_space<hbm>>) dst(%dma_wait3A_14 : memref<640x128xf32, #tpu.memory_space<vmem_shared>>)
      tpu.yield
    }) : () -> ()
    %barrier3A = arith.constant 0 : index
    tpu.barrier barrier_id(%barrier3A)
    %scan3A = arith.constant 0 : i32
    %scan3A_3 = arith.constant 0 : i32
    %scan3A_4 = arith.constant 80 : i32
    %scan3A_5 = arith.addi %scan3A_3, %scan3A_4 : i32
    %scan3A_6 = arith.constant 1 : i32
    scf.for %scan3A_13 = %scan3A_3 to %scan3A_5 step %scan3A_6  : i32 {
      "tpu.region"() ({
        %run_scoped3A = tpu.sem_alloc : memref<!tpu.dma_semaphore, #tpu.memory_space<semaphore_mem>>
        %dma_start3A = arith.constant 0 : i32
        %dma_start3A_14 = tpu.memref_slice %arg6[%scan3A_13, %dma_start3A] : memref<80x128xi32, #tpu.memory_space<vmem>> -> memref<1x128xi32, #tpu.memory_space<vmem>>
        %dma_start3A_15 = tpu.memref_squeeze %dma_start3A_14 : memref<1x128xi32, #tpu.memory_space<vmem>> -> memref<128xi32, #tpu.memory_space<vmem>>
        %dma_start3A_16 = arith.constant 0 : i32
        %dma_start3A_17 = arith.constant 0 : i32
        %dma_start3A_18 = tpu.memref_slice %arg8[%dma_start3A_16, %dma_start3A_17] : memref<10240x128xf32, #tpu.memory_space<vmem_shared>> -> memref<10240x128xf32, #tpu.memory_space<vmem_shared>>
        tpu.enqueue_indirect_dma source(%arg7 : memref<128x128xf32, #tpu.memory_space<vmem>>) target(%dma_start3A_18 : memref<10240x128xf32, #tpu.memory_space<vmem_shared>>) offsets(%dma_start3A_15 : memref<128xi32, #tpu.memory_space<vmem>>) semaphore(%run_scoped3A : memref<!tpu.dma_semaphore, #tpu.memory_space<semaphore_mem>>) {add = true}
        %dma_wait3A = arith.constant 0 : i32
        %dma_wait3A_19 = tpu.memref_slice %arg6[%scan3A_13, %dma_wait3A] : memref<80x128xi32, #tpu.memory_space<vmem>> -> memref<1x128xi32, #tpu.memory_space<vmem>>
        %dma_wait3A_20 = tpu.memref_squeeze %dma_wait3A_19 : memref<1x128xi32, #tpu.memory_space<vmem>> -> memref<128xi32, #tpu.memory_space<vmem>>
        %dma_wait3A_21 = arith.constant 0 : i32
        %dma_wait3A_22 = arith.constant 0 : i32
        %dma_wait3A_23 = tpu.memref_slice %arg8[%dma_wait3A_21, %dma_wait3A_22] : memref<10240x128xf32, #tpu.memory_space<vmem_shared>> -> memref<10240x128xf32, #tpu.memory_space<vmem_shared>>
        tpu.wait_indirect_dma semaphore(%run_scoped3A : memref<!tpu.dma_semaphore, #tpu.memory_space<semaphore_mem>>) src(%arg7 : memref<128x128xf32, #tpu.memory_space<vmem>>) dst(%dma_wait3A_23 : memref<10240x128xf32, #tpu.memory_space<vmem_shared>>)
        tpu.yield
      }) : () -> ()
    }
    %scan3A_7 = arith.constant 80 : i32
    %barrier3A_8 = arith.constant 0 : index
    tpu.barrier barrier_id(%barrier3A_8)
    %mul3A_9 = arith.constant 640 : i32
    %mul3A_10 = arith.muli %arg1, %mul3A_9 : i32
    %mul3A_11 = arith.constant 640 : i32
    %mul3A_12 = arith.muli %arg1, %mul3A_11 : i32
    "tpu.region"() ({
      %run_scoped3A = tpu.sem_alloc : memref<!tpu.dma_semaphore, #tpu.memory_space<semaphore_mem>>
      %dma_start3A = arith.constant 0 : i32
      %dma_start3A_13 = tpu.memref_slice %arg5[%arg0, %mul3A_12, %dma_start3A] : memref<2x10240x128xf32, #tpu.memory_space<hbm>> -> memref<1x640x128xf32, #tpu.memory_space<hbm>>
      %dma_start3A_14 = tpu.memref_squeeze %dma_start3A_13 : memref<1x640x128xf32, #tpu.memory_space<hbm>> -> memref<640x128xf32, #tpu.memory_space<hbm>>
      %dma_start3A_15 = arith.constant 0 : i32
      %dma_start3A_16 = tpu.memref_slice %arg8[%mul3A_10, %dma_start3A_15] : memref<10240x128xf32, #tpu.memory_space<vmem_shared>> -> memref<640x128xf32, #tpu.memory_space<vmem_shared>>
      tpu.enqueue_dma source(%dma_start3A_16 : memref<640x128xf32, #tpu.memory_space<vmem_shared>>) target(%dma_start3A_14 : memref<640x128xf32, #tpu.memory_space<hbm>>) target_semaphore(%run_scoped3A : memref<!tpu.dma_semaphore, #tpu.memory_space<semaphore_mem>>)
      %dma_wait3A = arith.constant 0 : i32
      %dma_wait3A_17 = tpu.memref_slice %arg5[%arg0, %mul3A_12, %dma_wait3A] : memref<2x10240x128xf32, #tpu.memory_space<hbm>> -> memref<1x640x128xf32, #tpu.memory_space<hbm>>
      %dma_wait3A_18 = tpu.memref_squeeze %dma_wait3A_17 : memref<1x640x128xf32, #tpu.memory_space<hbm>> -> memref<640x128xf32, #tpu.memory_space<hbm>>
      %dma_wait3A_19 = arith.constant 0 : i32
      %dma_wait3A_20 = tpu.memref_slice %arg8[%mul3A_10, %dma_wait3A_19] : memref<10240x128xf32, #tpu.memory_space<vmem_shared>> -> memref<640x128xf32, #tpu.memory_space<vmem_shared>>
      tpu.wait_dma2 semaphore(%run_scoped3A : memref<!tpu.dma_semaphore, #tpu.memory_space<semaphore_mem>>) src(%dma_wait3A_20 : memref<640x128xf32, #tpu.memory_space<vmem_shared>>) dst(%dma_wait3A_18 : memref<640x128xf32, #tpu.memory_space<hbm>>)
      tpu.yield
    }) : () -> ()
    return
  }
}

#map = affine_map<(d0, d1) -> (0, 0, 0)>
#map1 = affine_map<(d0, d1) -> (0, 0)>
module attributes {stable_mosaic.version = 14 : i64} {
  func.func @sc_aggregate(%arg0: i32, %arg1: i32, %arg2: memref<32x80x128xi32, #tpu.memory_space<hbm>>, %arg3: memref<32x80x128xi32, #tpu.memory_space<hbm>>, %arg4: memref<10000x128xf32, #tpu.memory_space<hbm>>, %arg5: memref<640x128xf32, #tpu.memory_space<hbm>>, %arg6: memref<2x10240x128xf32, #tpu.memory_space<hbm>>, %arg7: memref<8x128xi32, #tpu.memory_space<vmem>>, %arg8: memref<80x128xi32, #tpu.memory_space<vmem>>, %arg9: memref<128x128xf32, #tpu.memory_space<vmem>>, %arg10: memref<128x128xf32, #tpu.memory_space<vmem>>, %arg11: memref<10240x128xf32, #tpu.memory_space<vmem_shared>>, %arg12: memref<!tpu.dma_semaphore, #tpu.memory_space<semaphore_mem>>, %arg13: memref<!tpu.dma_semaphore, #tpu.memory_space<semaphore_mem>>) attributes {dimension_semantics = [#tpu.dimension_semantics<core_parallel>, #tpu.dimension_semantics<subcore_parallel>], iteration_bounds = array<i64: 2, 16>, scalar_prefetch = 0 : i64, scratch_operands = 7 : i64, tpu.core_type = #tpu.core_type<sc_vector_subcore>, window_params = [{transform_indices = #map}, {transform_indices = #map}, {transform_indices = #map1}, {transform_indices = #map1}, {transform_indices = #map}]} {
    %mul3A = arith.constant 16 : i32
    %mul3A_0 = arith.muli %arg0, %mul3A : i32
    %add3A = arith.addi %mul3A_0, %arg1 : i32
    "tpu.region"() ({
      %run_scoped3A = tpu.sem_alloc : memref<!tpu.dma_semaphore, #tpu.memory_space<semaphore_mem>>
      %dma_start3A = arith.constant 0 : i32
      %dma_start3A_13 = arith.constant 0 : i32
      %dma_start3A_14 = tpu.memref_slice %arg3[%add3A, %dma_start3A, %dma_start3A_13] : memref<32x80x128xi32, #tpu.memory_space<hbm>> -> memref<1x80x128xi32, #tpu.memory_space<hbm>>
      %dma_start3A_15 = tpu.memref_squeeze %dma_start3A_14 : memref<1x80x128xi32, #tpu.memory_space<hbm>> -> memref<80x128xi32, #tpu.memory_space<hbm>>
      %dma_start3A_16 = arith.constant 0 : i32
      %dma_start3A_17 = arith.constant 0 : i32
      %dma_start3A_18 = tpu.memref_slice %arg3[%add3A, %dma_start3A_16, %dma_start3A_17] : memref<32x80x128xi32, #tpu.memory_space<hbm>> -> memref<1x80x128xi32, #tpu.memory_space<hbm>>
      %dma_start3A_19 = tpu.memref_squeeze %dma_start3A_18 : memref<1x80x128xi32, #tpu.memory_space<hbm>> -> memref<80x128xi32, #tpu.memory_space<hbm>>
      tpu.enqueue_dma source(%dma_start3A_19 : memref<80x128xi32, #tpu.memory_space<hbm>>) target(%arg8 : memref<80x128xi32, #tpu.memory_space<vmem>>) target_semaphore(%run_scoped3A : memref<!tpu.dma_semaphore, #tpu.memory_space<semaphore_mem>>)
      %dma_wait3A = arith.constant 0 : i32
      %dma_wait3A_20 = arith.constant 0 : i32
      %dma_wait3A_21 = tpu.memref_slice %arg3[%add3A, %dma_wait3A, %dma_wait3A_20] : memref<32x80x128xi32, #tpu.memory_space<hbm>> -> memref<1x80x128xi32, #tpu.memory_space<hbm>>
      %dma_wait3A_22 = tpu.memref_squeeze %dma_wait3A_21 : memref<1x80x128xi32, #tpu.memory_space<hbm>> -> memref<80x128xi32, #tpu.memory_space<hbm>>
      %dma_wait3A_23 = arith.constant 0 : i32
      %dma_wait3A_24 = arith.constant 0 : i32
      %dma_wait3A_25 = tpu.memref_slice %arg3[%add3A, %dma_wait3A_23, %dma_wait3A_24] : memref<32x80x128xi32, #tpu.memory_space<hbm>> -> memref<1x80x128xi32, #tpu.memory_space<hbm>>
      %dma_wait3A_26 = tpu.memref_squeeze %dma_wait3A_25 : memref<1x80x128xi32, #tpu.memory_space<hbm>> -> memref<80x128xi32, #tpu.memory_space<hbm>>
      tpu.wait_dma2 semaphore(%run_scoped3A : memref<!tpu.dma_semaphore, #tpu.memory_space<semaphore_mem>>) src(%dma_wait3A_26 : memref<80x128xi32, #tpu.memory_space<hbm>>) dst(%arg8 : memref<80x128xi32, #tpu.memory_space<vmem>>)
      tpu.yield
    }) : () -> ()
    %mul3A_1 = arith.constant 640 : i32
    %mul3A_2 = arith.muli %arg1, %mul3A_1 : i32
    "tpu.region"() ({
      %run_scoped3A = tpu.sem_alloc : memref<!tpu.dma_semaphore, #tpu.memory_space<semaphore_mem>>
      %dma_start3A = arith.constant 0 : i32
      %dma_start3A_13 = tpu.memref_slice %arg11[%mul3A_2, %dma_start3A] : memref<10240x128xf32, #tpu.memory_space<vmem_shared>> -> memref<640x128xf32, #tpu.memory_space<vmem_shared>>
      tpu.enqueue_dma source(%arg5 : memref<640x128xf32, #tpu.memory_space<hbm>>) target(%dma_start3A_13 : memref<640x128xf32, #tpu.memory_space<vmem_shared>>) target_semaphore(%run_scoped3A : memref<!tpu.dma_semaphore, #tpu.memory_space<semaphore_mem>>)
      %dma_wait3A = arith.constant 0 : i32
      %dma_wait3A_14 = tpu.memref_slice %arg11[%mul3A_2, %dma_wait3A] : memref<10240x128xf32, #tpu.memory_space<vmem_shared>> -> memref<640x128xf32, #tpu.memory_space<vmem_shared>>
      tpu.wait_dma2 semaphore(%run_scoped3A : memref<!tpu.dma_semaphore, #tpu.memory_space<semaphore_mem>>) src(%arg5 : memref<640x128xf32, #tpu.memory_space<hbm>>) dst(%dma_wait3A_14 : memref<640x128xf32, #tpu.memory_space<vmem_shared>>)
      tpu.yield
    }) : () -> ()
    %barrier3A = arith.constant 0 : index
    tpu.barrier barrier_id(%barrier3A)
    %scan3A = arith.constant 0 : i32
    %scan3A_3 = arith.constant 0 : i32
    %scan3A_4 = arith.constant 10 : i32
    %scan3A_5 = arith.addi %scan3A_3, %scan3A_4 : i32
    %scan3A_6 = arith.constant 1 : i32
    scf.for %scan3A_13 = %scan3A_3 to %scan3A_5 step %scan3A_6  : i32 {
      %mul3A_14 = arith.constant 8 : i32
      %mul3A_15 = arith.muli %scan3A_13, %mul3A_14 : i32
      "tpu.region"() ({
        %run_scoped3A = tpu.sem_alloc : memref<!tpu.dma_semaphore, #tpu.memory_space<semaphore_mem>>
        %dma_start3A_142 = arith.constant 0 : i32
        %dma_start3A_143 = tpu.memref_slice %arg2[%add3A, %mul3A_15, %dma_start3A_142] : memref<32x80x128xi32, #tpu.memory_space<hbm>> -> memref<1x8x128xi32, #tpu.memory_space<hbm>>
        %dma_start3A_144 = tpu.memref_squeeze %dma_start3A_143 : memref<1x8x128xi32, #tpu.memory_space<hbm>> -> memref<8x128xi32, #tpu.memory_space<hbm>>
        %dma_start3A_145 = arith.constant 0 : i32
        %dma_start3A_146 = tpu.memref_slice %arg2[%add3A, %mul3A_15, %dma_start3A_145] : memref<32x80x128xi32, #tpu.memory_space<hbm>> -> memref<1x8x128xi32, #tpu.memory_space<hbm>>
        %dma_start3A_147 = tpu.memref_squeeze %dma_start3A_146 : memref<1x8x128xi32, #tpu.memory_space<hbm>> -> memref<8x128xi32, #tpu.memory_space<hbm>>
        tpu.enqueue_dma source(%dma_start3A_147 : memref<8x128xi32, #tpu.memory_space<hbm>>) target(%arg7 : memref<8x128xi32, #tpu.memory_space<vmem>>) target_semaphore(%run_scoped3A : memref<!tpu.dma_semaphore, #tpu.memory_space<semaphore_mem>>)
        %dma_wait3A_148 = arith.constant 0 : i32
        %dma_wait3A_149 = tpu.memref_slice %arg2[%add3A, %mul3A_15, %dma_wait3A_148] : memref<32x80x128xi32, #tpu.memory_space<hbm>> -> memref<1x8x128xi32, #tpu.memory_space<hbm>>
        %dma_wait3A_150 = tpu.memref_squeeze %dma_wait3A_149 : memref<1x8x128xi32, #tpu.memory_space<hbm>> -> memref<8x128xi32, #tpu.memory_space<hbm>>
        %dma_wait3A_151 = arith.constant 0 : i32
        %dma_wait3A_152 = tpu.memref_slice %arg2[%add3A, %mul3A_15, %dma_wait3A_151] : memref<32x80x128xi32, #tpu.memory_space<hbm>> -> memref<1x8x128xi32, #tpu.memory_space<hbm>>
        %dma_wait3A_153 = tpu.memref_squeeze %dma_wait3A_152 : memref<1x8x128xi32, #tpu.memory_space<hbm>> -> memref<8x128xi32, #tpu.memory_space<hbm>>
        tpu.wait_dma2 semaphore(%run_scoped3A : memref<!tpu.dma_semaphore, #tpu.memory_space<semaphore_mem>>) src(%dma_wait3A_153 : memref<8x128xi32, #tpu.memory_space<hbm>>) dst(%arg7 : memref<8x128xi32, #tpu.memory_space<vmem>>)
        tpu.yield
      }) : () -> ()
      %dma_start3A = arith.constant 0 : i32
      %dma_start3A_16 = arith.constant 0 : i32
      %dma_start3A_17 = tpu.memref_slice %arg7[%dma_start3A, %dma_start3A_16] : memref<8x128xi32, #tpu.memory_space<vmem>> -> memref<1x128xi32, #tpu.memory_space<vmem>>
      %dma_start3A_18 = tpu.memref_squeeze %dma_start3A_17 : memref<1x128xi32, #tpu.memory_space<vmem>> -> memref<128xi32, #tpu.memory_space<vmem>>
      %dma_start3A_19 = arith.constant 0 : i32
      %dma_start3A_20 = arith.constant 0 : i32
      %dma_start3A_21 = tpu.memref_slice %arg4[%dma_start3A_19, %dma_start3A_20] : memref<10000x128xf32, #tpu.memory_space<hbm>> -> memref<10000x128xf32, #tpu.memory_space<hbm>>
      tpu.enqueue_indirect_dma source(%dma_start3A_21 : memref<10000x128xf32, #tpu.memory_space<hbm>>) target(%arg9 : memref<128x128xf32, #tpu.memory_space<vmem>>) offsets(%dma_start3A_18 : memref<128xi32, #tpu.memory_space<vmem>>) semaphore(%arg12 : memref<!tpu.dma_semaphore, #tpu.memory_space<semaphore_mem>>)
      %dma_start3A_22 = arith.constant 1 : i32
      %dma_start3A_23 = arith.constant 0 : i32
      %dma_start3A_24 = tpu.memref_slice %arg7[%dma_start3A_22, %dma_start3A_23] : memref<8x128xi32, #tpu.memory_space<vmem>> -> memref<1x128xi32, #tpu.memory_space<vmem>>
      %dma_start3A_25 = tpu.memref_squeeze %dma_start3A_24 : memref<1x128xi32, #tpu.memory_space<vmem>> -> memref<128xi32, #tpu.memory_space<vmem>>
      %dma_start3A_26 = arith.constant 0 : i32
      %dma_start3A_27 = arith.constant 0 : i32
      %dma_start3A_28 = tpu.memref_slice %arg4[%dma_start3A_26, %dma_start3A_27] : memref<10000x128xf32, #tpu.memory_space<hbm>> -> memref<10000x128xf32, #tpu.memory_space<hbm>>
      tpu.enqueue_indirect_dma source(%dma_start3A_28 : memref<10000x128xf32, #tpu.memory_space<hbm>>) target(%arg10 : memref<128x128xf32, #tpu.memory_space<vmem>>) offsets(%dma_start3A_25 : memref<128xi32, #tpu.memory_space<vmem>>) semaphore(%arg13 : memref<!tpu.dma_semaphore, #tpu.memory_space<semaphore_mem>>)
      %dma_wait3A = arith.constant 0 : i32
      %dma_wait3A_29 = arith.constant 0 : i32
      %dma_wait3A_30 = tpu.memref_slice %arg7[%dma_wait3A, %dma_wait3A_29] : memref<8x128xi32, #tpu.memory_space<vmem>> -> memref<1x128xi32, #tpu.memory_space<vmem>>
      %dma_wait3A_31 = tpu.memref_squeeze %dma_wait3A_30 : memref<1x128xi32, #tpu.memory_space<vmem>> -> memref<128xi32, #tpu.memory_space<vmem>>
      %dma_wait3A_32 = arith.constant 0 : i32
      %dma_wait3A_33 = arith.constant 0 : i32
      %dma_wait3A_34 = tpu.memref_slice %arg4[%dma_wait3A_32, %dma_wait3A_33] : memref<10000x128xf32, #tpu.memory_space<hbm>> -> memref<10000x128xf32, #tpu.memory_space<hbm>>
      tpu.wait_indirect_dma semaphore(%arg12 : memref<!tpu.dma_semaphore, #tpu.memory_space<semaphore_mem>>) src(%dma_wait3A_34 : memref<10000x128xf32, #tpu.memory_space<hbm>>) dst(%arg9 : memref<128x128xf32, #tpu.memory_space<vmem>>)
      %add3A_35 = arith.constant 0 : i32
      %add3A_36 = arith.addi %mul3A_15, %add3A_35 : i32
      "tpu.region"() ({
        %run_scoped3A = tpu.sem_alloc : memref<!tpu.dma_semaphore, #tpu.memory_space<semaphore_mem>>
        %dma_start3A_142 = arith.constant 0 : i32
        %dma_start3A_143 = tpu.memref_slice %arg8[%add3A_36, %dma_start3A_142] : memref<80x128xi32, #tpu.memory_space<vmem>> -> memref<1x128xi32, #tpu.memory_space<vmem>>
        %dma_start3A_144 = tpu.memref_squeeze %dma_start3A_143 : memref<1x128xi32, #tpu.memory_space<vmem>> -> memref<128xi32, #tpu.memory_space<vmem>>
        %dma_start3A_145 = arith.constant 0 : i32
        %dma_start3A_146 = arith.constant 0 : i32
        %dma_start3A_147 = tpu.memref_slice %arg11[%dma_start3A_145, %dma_start3A_146] : memref<10240x128xf32, #tpu.memory_space<vmem_shared>> -> memref<10240x128xf32, #tpu.memory_space<vmem_shared>>
        tpu.enqueue_indirect_dma source(%arg9 : memref<128x128xf32, #tpu.memory_space<vmem>>) target(%dma_start3A_147 : memref<10240x128xf32, #tpu.memory_space<vmem_shared>>) offsets(%dma_start3A_144 : memref<128xi32, #tpu.memory_space<vmem>>) semaphore(%run_scoped3A : memref<!tpu.dma_semaphore, #tpu.memory_space<semaphore_mem>>) {add = true}
        %dma_wait3A_148 = arith.constant 0 : i32
        %dma_wait3A_149 = tpu.memref_slice %arg8[%add3A_36, %dma_wait3A_148] : memref<80x128xi32, #tpu.memory_space<vmem>> -> memref<1x128xi32, #tpu.memory_space<vmem>>
        %dma_wait3A_150 = tpu.memref_squeeze %dma_wait3A_149 : memref<1x128xi32, #tpu.memory_space<vmem>> -> memref<128xi32, #tpu.memory_space<vmem>>
        %dma_wait3A_151 = arith.constant 0 : i32
        %dma_wait3A_152 = arith.constant 0 : i32
        %dma_wait3A_153 = tpu.memref_slice %arg11[%dma_wait3A_151, %dma_wait3A_152] : memref<10240x128xf32, #tpu.memory_space<vmem_shared>> -> memref<10240x128xf32, #tpu.memory_space<vmem_shared>>
        tpu.wait_indirect_dma semaphore(%run_scoped3A : memref<!tpu.dma_semaphore, #tpu.memory_space<semaphore_mem>>) src(%arg9 : memref<128x128xf32, #tpu.memory_space<vmem>>) dst(%dma_wait3A_153 : memref<10240x128xf32, #tpu.memory_space<vmem_shared>>)
        tpu.yield
      }) : () -> ()
      %dma_start3A_37 = arith.constant 2 : i32
      %dma_start3A_38 = arith.constant 0 : i32
      %dma_start3A_39 = tpu.memref_slice %arg7[%dma_start3A_37, %dma_start3A_38] : memref<8x128xi32, #tpu.memory_space<vmem>> -> memref<1x128xi32, #tpu.memory_space<vmem>>
      %dma_start3A_40 = tpu.memref_squeeze %dma_start3A_39 : memref<1x128xi32, #tpu.memory_space<vmem>> -> memref<128xi32, #tpu.memory_space<vmem>>
      %dma_start3A_41 = arith.constant 0 : i32
      %dma_start3A_42 = arith.constant 0 : i32
      %dma_start3A_43 = tpu.memref_slice %arg4[%dma_start3A_41, %dma_start3A_42] : memref<10000x128xf32, #tpu.memory_space<hbm>> -> memref<10000x128xf32, #tpu.memory_space<hbm>>
      tpu.enqueue_indirect_dma source(%dma_start3A_43 : memref<10000x128xf32, #tpu.memory_space<hbm>>) target(%arg9 : memref<128x128xf32, #tpu.memory_space<vmem>>) offsets(%dma_start3A_40 : memref<128xi32, #tpu.memory_space<vmem>>) semaphore(%arg12 : memref<!tpu.dma_semaphore, #tpu.memory_space<semaphore_mem>>)
      %dma_wait3A_44 = arith.constant 1 : i32
      %dma_wait3A_45 = arith.constant 0 : i32
      %dma_wait3A_46 = tpu.memref_slice %arg7[%dma_wait3A_44, %dma_wait3A_45] : memref<8x128xi32, #tpu.memory_space<vmem>> -> memref<1x128xi32, #tpu.memory_space<vmem>>
      %dma_wait3A_47 = tpu.memref_squeeze %dma_wait3A_46 : memref<1x128xi32, #tpu.memory_space<vmem>> -> memref<128xi32, #tpu.memory_space<vmem>>
      %dma_wait3A_48 = arith.constant 0 : i32
      %dma_wait3A_49 = arith.constant 0 : i32
      %dma_wait3A_50 = tpu.memref_slice %arg4[%dma_wait3A_48, %dma_wait3A_49] : memref<10000x128xf32, #tpu.memory_space<hbm>> -> memref<10000x128xf32, #tpu.memory_space<hbm>>
      tpu.wait_indirect_dma semaphore(%arg13 : memref<!tpu.dma_semaphore, #tpu.memory_space<semaphore_mem>>) src(%dma_wait3A_50 : memref<10000x128xf32, #tpu.memory_space<hbm>>) dst(%arg10 : memref<128x128xf32, #tpu.memory_space<vmem>>)
      %add3A_51 = arith.constant 1 : i32
      %add3A_52 = arith.addi %mul3A_15, %add3A_51 : i32
      "tpu.region"() ({
        %run_scoped3A = tpu.sem_alloc : memref<!tpu.dma_semaphore, #tpu.memory_space<semaphore_mem>>
        %dma_start3A_142 = arith.constant 0 : i32
        %dma_start3A_143 = tpu.memref_slice %arg8[%add3A_52, %dma_start3A_142] : memref<80x128xi32, #tpu.memory_space<vmem>> -> memref<1x128xi32, #tpu.memory_space<vmem>>
        %dma_start3A_144 = tpu.memref_squeeze %dma_start3A_143 : memref<1x128xi32, #tpu.memory_space<vmem>> -> memref<128xi32, #tpu.memory_space<vmem>>
        %dma_start3A_145 = arith.constant 0 : i32
        %dma_start3A_146 = arith.constant 0 : i32
        %dma_start3A_147 = tpu.memref_slice %arg11[%dma_start3A_145, %dma_start3A_146] : memref<10240x128xf32, #tpu.memory_space<vmem_shared>> -> memref<10240x128xf32, #tpu.memory_space<vmem_shared>>
        tpu.enqueue_indirect_dma source(%arg10 : memref<128x128xf32, #tpu.memory_space<vmem>>) target(%dma_start3A_147 : memref<10240x128xf32, #tpu.memory_space<vmem_shared>>) offsets(%dma_start3A_144 : memref<128xi32, #tpu.memory_space<vmem>>) semaphore(%run_scoped3A : memref<!tpu.dma_semaphore, #tpu.memory_space<semaphore_mem>>) {add = true}
        %dma_wait3A_148 = arith.constant 0 : i32
        %dma_wait3A_149 = tpu.memref_slice %arg8[%add3A_52, %dma_wait3A_148] : memref<80x128xi32, #tpu.memory_space<vmem>> -> memref<1x128xi32, #tpu.memory_space<vmem>>
        %dma_wait3A_150 = tpu.memref_squeeze %dma_wait3A_149 : memref<1x128xi32, #tpu.memory_space<vmem>> -> memref<128xi32, #tpu.memory_space<vmem>>
        %dma_wait3A_151 = arith.constant 0 : i32
        %dma_wait3A_152 = arith.constant 0 : i32
        %dma_wait3A_153 = tpu.memref_slice %arg11[%dma_wait3A_151, %dma_wait3A_152] : memref<10240x128xf32, #tpu.memory_space<vmem_shared>> -> memref<10240x128xf32, #tpu.memory_space<vmem_shared>>
        tpu.wait_indirect_dma semaphore(%run_scoped3A : memref<!tpu.dma_semaphore, #tpu.memory_space<semaphore_mem>>) src(%arg10 : memref<128x128xf32, #tpu.memory_space<vmem>>) dst(%dma_wait3A_153 : memref<10240x128xf32, #tpu.memory_space<vmem_shared>>)
        tpu.yield
      }) : () -> ()
      %dma_start3A_53 = arith.constant 3 : i32
      %dma_start3A_54 = arith.constant 0 : i32
      %dma_start3A_55 = tpu.memref_slice %arg7[%dma_start3A_53, %dma_start3A_54] : memref<8x128xi32, #tpu.memory_space<vmem>> -> memref<1x128xi32, #tpu.memory_space<vmem>>
      %dma_start3A_56 = tpu.memref_squeeze %dma_start3A_55 : memref<1x128xi32, #tpu.memory_space<vmem>> -> memref<128xi32, #tpu.memory_space<vmem>>
      %dma_start3A_57 = arith.constant 0 : i32
      %dma_start3A_58 = arith.constant 0 : i32
      %dma_start3A_59 = tpu.memref_slice %arg4[%dma_start3A_57, %dma_start3A_58] : memref<10000x128xf32, #tpu.memory_space<hbm>> -> memref<10000x128xf32, #tpu.memory_space<hbm>>
      tpu.enqueue_indirect_dma source(%dma_start3A_59 : memref<10000x128xf32, #tpu.memory_space<hbm>>) target(%arg10 : memref<128x128xf32, #tpu.memory_space<vmem>>) offsets(%dma_start3A_56 : memref<128xi32, #tpu.memory_space<vmem>>) semaphore(%arg13 : memref<!tpu.dma_semaphore, #tpu.memory_space<semaphore_mem>>)
      %dma_wait3A_60 = arith.constant 2 : i32
      %dma_wait3A_61 = arith.constant 0 : i32
      %dma_wait3A_62 = tpu.memref_slice %arg7[%dma_wait3A_60, %dma_wait3A_61] : memref<8x128xi32, #tpu.memory_space<vmem>> -> memref<1x128xi32, #tpu.memory_space<vmem>>
      %dma_wait3A_63 = tpu.memref_squeeze %dma_wait3A_62 : memref<1x128xi32, #tpu.memory_space<vmem>> -> memref<128xi32, #tpu.memory_space<vmem>>
      %dma_wait3A_64 = arith.constant 0 : i32
      %dma_wait3A_65 = arith.constant 0 : i32
      %dma_wait3A_66 = tpu.memref_slice %arg4[%dma_wait3A_64, %dma_wait3A_65] : memref<10000x128xf32, #tpu.memory_space<hbm>> -> memref<10000x128xf32, #tpu.memory_space<hbm>>
      tpu.wait_indirect_dma semaphore(%arg12 : memref<!tpu.dma_semaphore, #tpu.memory_space<semaphore_mem>>) src(%dma_wait3A_66 : memref<10000x128xf32, #tpu.memory_space<hbm>>) dst(%arg9 : memref<128x128xf32, #tpu.memory_space<vmem>>)
      %add3A_67 = arith.constant 2 : i32
      %add3A_68 = arith.addi %mul3A_15, %add3A_67 : i32
      "tpu.region"() ({
        %run_scoped3A = tpu.sem_alloc : memref<!tpu.dma_semaphore, #tpu.memory_space<semaphore_mem>>
        %dma_start3A_142 = arith.constant 0 : i32
        %dma_start3A_143 = tpu.memref_slice %arg8[%add3A_68, %dma_start3A_142] : memref<80x128xi32, #tpu.memory_space<vmem>> -> memref<1x128xi32, #tpu.memory_space<vmem>>
        %dma_start3A_144 = tpu.memref_squeeze %dma_start3A_143 : memref<1x128xi32, #tpu.memory_space<vmem>> -> memref<128xi32, #tpu.memory_space<vmem>>
        %dma_start3A_145 = arith.constant 0 : i32
        %dma_start3A_146 = arith.constant 0 : i32
        %dma_start3A_147 = tpu.memref_slice %arg11[%dma_start3A_145, %dma_start3A_146] : memref<10240x128xf32, #tpu.memory_space<vmem_shared>> -> memref<10240x128xf32, #tpu.memory_space<vmem_shared>>
        tpu.enqueue_indirect_dma source(%arg9 : memref<128x128xf32, #tpu.memory_space<vmem>>) target(%dma_start3A_147 : memref<10240x128xf32, #tpu.memory_space<vmem_shared>>) offsets(%dma_start3A_144 : memref<128xi32, #tpu.memory_space<vmem>>) semaphore(%run_scoped3A : memref<!tpu.dma_semaphore, #tpu.memory_space<semaphore_mem>>) {add = true}
        %dma_wait3A_148 = arith.constant 0 : i32
        %dma_wait3A_149 = tpu.memref_slice %arg8[%add3A_68, %dma_wait3A_148] : memref<80x128xi32, #tpu.memory_space<vmem>> -> memref<1x128xi32, #tpu.memory_space<vmem>>
        %dma_wait3A_150 = tpu.memref_squeeze %dma_wait3A_149 : memref<1x128xi32, #tpu.memory_space<vmem>> -> memref<128xi32, #tpu.memory_space<vmem>>
        %dma_wait3A_151 = arith.constant 0 : i32
        %dma_wait3A_152 = arith.constant 0 : i32
        %dma_wait3A_153 = tpu.memref_slice %arg11[%dma_wait3A_151, %dma_wait3A_152] : memref<10240x128xf32, #tpu.memory_space<vmem_shared>> -> memref<10240x128xf32, #tpu.memory_space<vmem_shared>>
        tpu.wait_indirect_dma semaphore(%run_scoped3A : memref<!tpu.dma_semaphore, #tpu.memory_space<semaphore_mem>>) src(%arg9 : memref<128x128xf32, #tpu.memory_space<vmem>>) dst(%dma_wait3A_153 : memref<10240x128xf32, #tpu.memory_space<vmem_shared>>)
        tpu.yield
      }) : () -> ()
      %dma_start3A_69 = arith.constant 4 : i32
      %dma_start3A_70 = arith.constant 0 : i32
      %dma_start3A_71 = tpu.memref_slice %arg7[%dma_start3A_69, %dma_start3A_70] : memref<8x128xi32, #tpu.memory_space<vmem>> -> memref<1x128xi32, #tpu.memory_space<vmem>>
      %dma_start3A_72 = tpu.memref_squeeze %dma_start3A_71 : memref<1x128xi32, #tpu.memory_space<vmem>> -> memref<128xi32, #tpu.memory_space<vmem>>
      %dma_start3A_73 = arith.constant 0 : i32
      %dma_start3A_74 = arith.constant 0 : i32
      %dma_start3A_75 = tpu.memref_slice %arg4[%dma_start3A_73, %dma_start3A_74] : memref<10000x128xf32, #tpu.memory_space<hbm>> -> memref<10000x128xf32, #tpu.memory_space<hbm>>
      tpu.enqueue_indirect_dma source(%dma_start3A_75 : memref<10000x128xf32, #tpu.memory_space<hbm>>) target(%arg9 : memref<128x128xf32, #tpu.memory_space<vmem>>) offsets(%dma_start3A_72 : memref<128xi32, #tpu.memory_space<vmem>>) semaphore(%arg12 : memref<!tpu.dma_semaphore, #tpu.memory_space<semaphore_mem>>)
      %dma_wait3A_76 = arith.constant 3 : i32
      %dma_wait3A_77 = arith.constant 0 : i32
      %dma_wait3A_78 = tpu.memref_slice %arg7[%dma_wait3A_76, %dma_wait3A_77] : memref<8x128xi32, #tpu.memory_space<vmem>> -> memref<1x128xi32, #tpu.memory_space<vmem>>
      %dma_wait3A_79 = tpu.memref_squeeze %dma_wait3A_78 : memref<1x128xi32, #tpu.memory_space<vmem>> -> memref<128xi32, #tpu.memory_space<vmem>>
      %dma_wait3A_80 = arith.constant 0 : i32
      %dma_wait3A_81 = arith.constant 0 : i32
      %dma_wait3A_82 = tpu.memref_slice %arg4[%dma_wait3A_80, %dma_wait3A_81] : memref<10000x128xf32, #tpu.memory_space<hbm>> -> memref<10000x128xf32, #tpu.memory_space<hbm>>
      tpu.wait_indirect_dma semaphore(%arg13 : memref<!tpu.dma_semaphore, #tpu.memory_space<semaphore_mem>>) src(%dma_wait3A_82 : memref<10000x128xf32, #tpu.memory_space<hbm>>) dst(%arg10 : memref<128x128xf32, #tpu.memory_space<vmem>>)
      %add3A_83 = arith.constant 3 : i32
      %add3A_84 = arith.addi %mul3A_15, %add3A_83 : i32
      "tpu.region"() ({
        %run_scoped3A = tpu.sem_alloc : memref<!tpu.dma_semaphore, #tpu.memory_space<semaphore_mem>>
        %dma_start3A_142 = arith.constant 0 : i32
        %dma_start3A_143 = tpu.memref_slice %arg8[%add3A_84, %dma_start3A_142] : memref<80x128xi32, #tpu.memory_space<vmem>> -> memref<1x128xi32, #tpu.memory_space<vmem>>
        %dma_start3A_144 = tpu.memref_squeeze %dma_start3A_143 : memref<1x128xi32, #tpu.memory_space<vmem>> -> memref<128xi32, #tpu.memory_space<vmem>>
        %dma_start3A_145 = arith.constant 0 : i32
        %dma_start3A_146 = arith.constant 0 : i32
        %dma_start3A_147 = tpu.memref_slice %arg11[%dma_start3A_145, %dma_start3A_146] : memref<10240x128xf32, #tpu.memory_space<vmem_shared>> -> memref<10240x128xf32, #tpu.memory_space<vmem_shared>>
        tpu.enqueue_indirect_dma source(%arg10 : memref<128x128xf32, #tpu.memory_space<vmem>>) target(%dma_start3A_147 : memref<10240x128xf32, #tpu.memory_space<vmem_shared>>) offsets(%dma_start3A_144 : memref<128xi32, #tpu.memory_space<vmem>>) semaphore(%run_scoped3A : memref<!tpu.dma_semaphore, #tpu.memory_space<semaphore_mem>>) {add = true}
        %dma_wait3A_148 = arith.constant 0 : i32
        %dma_wait3A_149 = tpu.memref_slice %arg8[%add3A_84, %dma_wait3A_148] : memref<80x128xi32, #tpu.memory_space<vmem>> -> memref<1x128xi32, #tpu.memory_space<vmem>>
        %dma_wait3A_150 = tpu.memref_squeeze %dma_wait3A_149 : memref<1x128xi32, #tpu.memory_space<vmem>> -> memref<128xi32, #tpu.memory_space<vmem>>
        %dma_wait3A_151 = arith.constant 0 : i32
        %dma_wait3A_152 = arith.constant 0 : i32
        %dma_wait3A_153 = tpu.memref_slice %arg11[%dma_wait3A_151, %dma_wait3A_152] : memref<10240x128xf32, #tpu.memory_space<vmem_shared>> -> memref<10240x128xf32, #tpu.memory_space<vmem_shared>>
        tpu.wait_indirect_dma semaphore(%run_scoped3A : memref<!tpu.dma_semaphore, #tpu.memory_space<semaphore_mem>>) src(%arg10 : memref<128x128xf32, #tpu.memory_space<vmem>>) dst(%dma_wait3A_153 : memref<10240x128xf32, #tpu.memory_space<vmem_shared>>)
        tpu.yield
      }) : () -> ()
      %dma_start3A_85 = arith.constant 5 : i32
      %dma_start3A_86 = arith.constant 0 : i32
      %dma_start3A_87 = tpu.memref_slice %arg7[%dma_start3A_85, %dma_start3A_86] : memref<8x128xi32, #tpu.memory_space<vmem>> -> memref<1x128xi32, #tpu.memory_space<vmem>>
      %dma_start3A_88 = tpu.memref_squeeze %dma_start3A_87 : memref<1x128xi32, #tpu.memory_space<vmem>> -> memref<128xi32, #tpu.memory_space<vmem>>
      %dma_start3A_89 = arith.constant 0 : i32
      %dma_start3A_90 = arith.constant 0 : i32
      %dma_start3A_91 = tpu.memref_slice %arg4[%dma_start3A_89, %dma_start3A_90] : memref<10000x128xf32, #tpu.memory_space<hbm>> -> memref<10000x128xf32, #tpu.memory_space<hbm>>
      tpu.enqueue_indirect_dma source(%dma_start3A_91 : memref<10000x128xf32, #tpu.memory_space<hbm>>) target(%arg10 : memref<128x128xf32, #tpu.memory_space<vmem>>) offsets(%dma_start3A_88 : memref<128xi32, #tpu.memory_space<vmem>>) semaphore(%arg13 : memref<!tpu.dma_semaphore, #tpu.memory_space<semaphore_mem>>)
      %dma_wait3A_92 = arith.constant 4 : i32
      %dma_wait3A_93 = arith.constant 0 : i32
      %dma_wait3A_94 = tpu.memref_slice %arg7[%dma_wait3A_92, %dma_wait3A_93] : memref<8x128xi32, #tpu.memory_space<vmem>> -> memref<1x128xi32, #tpu.memory_space<vmem>>
      %dma_wait3A_95 = tpu.memref_squeeze %dma_wait3A_94 : memref<1x128xi32, #tpu.memory_space<vmem>> -> memref<128xi32, #tpu.memory_space<vmem>>
      %dma_wait3A_96 = arith.constant 0 : i32
      %dma_wait3A_97 = arith.constant 0 : i32
      %dma_wait3A_98 = tpu.memref_slice %arg4[%dma_wait3A_96, %dma_wait3A_97] : memref<10000x128xf32, #tpu.memory_space<hbm>> -> memref<10000x128xf32, #tpu.memory_space<hbm>>
      tpu.wait_indirect_dma semaphore(%arg12 : memref<!tpu.dma_semaphore, #tpu.memory_space<semaphore_mem>>) src(%dma_wait3A_98 : memref<10000x128xf32, #tpu.memory_space<hbm>>) dst(%arg9 : memref<128x128xf32, #tpu.memory_space<vmem>>)
      %add3A_99 = arith.constant 4 : i32
      %add3A_100 = arith.addi %mul3A_15, %add3A_99 : i32
      "tpu.region"() ({
        %run_scoped3A = tpu.sem_alloc : memref<!tpu.dma_semaphore, #tpu.memory_space<semaphore_mem>>
        %dma_start3A_142 = arith.constant 0 : i32
        %dma_start3A_143 = tpu.memref_slice %arg8[%add3A_100, %dma_start3A_142] : memref<80x128xi32, #tpu.memory_space<vmem>> -> memref<1x128xi32, #tpu.memory_space<vmem>>
        %dma_start3A_144 = tpu.memref_squeeze %dma_start3A_143 : memref<1x128xi32, #tpu.memory_space<vmem>> -> memref<128xi32, #tpu.memory_space<vmem>>
        %dma_start3A_145 = arith.constant 0 : i32
        %dma_start3A_146 = arith.constant 0 : i32
        %dma_start3A_147 = tpu.memref_slice %arg11[%dma_start3A_145, %dma_start3A_146] : memref<10240x128xf32, #tpu.memory_space<vmem_shared>> -> memref<10240x128xf32, #tpu.memory_space<vmem_shared>>
        tpu.enqueue_indirect_dma source(%arg9 : memref<128x128xf32, #tpu.memory_space<vmem>>) target(%dma_start3A_147 : memref<10240x128xf32, #tpu.memory_space<vmem_shared>>) offsets(%dma_start3A_144 : memref<128xi32, #tpu.memory_space<vmem>>) semaphore(%run_scoped3A : memref<!tpu.dma_semaphore, #tpu.memory_space<semaphore_mem>>) {add = true}
        %dma_wait3A_148 = arith.constant 0 : i32
        %dma_wait3A_149 = tpu.memref_slice %arg8[%add3A_100, %dma_wait3A_148] : memref<80x128xi32, #tpu.memory_space<vmem>> -> memref<1x128xi32, #tpu.memory_space<vmem>>
        %dma_wait3A_150 = tpu.memref_squeeze %dma_wait3A_149 : memref<1x128xi32, #tpu.memory_space<vmem>> -> memref<128xi32, #tpu.memory_space<vmem>>
        %dma_wait3A_151 = arith.constant 0 : i32
        %dma_wait3A_152 = arith.constant 0 : i32
        %dma_wait3A_153 = tpu.memref_slice %arg11[%dma_wait3A_151, %dma_wait3A_152] : memref<10240x128xf32, #tpu.memory_space<vmem_shared>> -> memref<10240x128xf32, #tpu.memory_space<vmem_shared>>
        tpu.wait_indirect_dma semaphore(%run_scoped3A : memref<!tpu.dma_semaphore, #tpu.memory_space<semaphore_mem>>) src(%arg9 : memref<128x128xf32, #tpu.memory_space<vmem>>) dst(%dma_wait3A_153 : memref<10240x128xf32, #tpu.memory_space<vmem_shared>>)
        tpu.yield
      }) : () -> ()
      %dma_start3A_101 = arith.constant 6 : i32
      %dma_start3A_102 = arith.constant 0 : i32
      %dma_start3A_103 = tpu.memref_slice %arg7[%dma_start3A_101, %dma_start3A_102] : memref<8x128xi32, #tpu.memory_space<vmem>> -> memref<1x128xi32, #tpu.memory_space<vmem>>
      %dma_start3A_104 = tpu.memref_squeeze %dma_start3A_103 : memref<1x128xi32, #tpu.memory_space<vmem>> -> memref<128xi32, #tpu.memory_space<vmem>>
      %dma_start3A_105 = arith.constant 0 : i32
      %dma_start3A_106 = arith.constant 0 : i32
      %dma_start3A_107 = tpu.memref_slice %arg4[%dma_start3A_105, %dma_start3A_106] : memref<10000x128xf32, #tpu.memory_space<hbm>> -> memref<10000x128xf32, #tpu.memory_space<hbm>>
      tpu.enqueue_indirect_dma source(%dma_start3A_107 : memref<10000x128xf32, #tpu.memory_space<hbm>>) target(%arg9 : memref<128x128xf32, #tpu.memory_space<vmem>>) offsets(%dma_start3A_104 : memref<128xi32, #tpu.memory_space<vmem>>) semaphore(%arg12 : memref<!tpu.dma_semaphore, #tpu.memory_space<semaphore_mem>>)
      %dma_wait3A_108 = arith.constant 5 : i32
      %dma_wait3A_109 = arith.constant 0 : i32
      %dma_wait3A_110 = tpu.memref_slice %arg7[%dma_wait3A_108, %dma_wait3A_109] : memref<8x128xi32, #tpu.memory_space<vmem>> -> memref<1x128xi32, #tpu.memory_space<vmem>>
      %dma_wait3A_111 = tpu.memref_squeeze %dma_wait3A_110 : memref<1x128xi32, #tpu.memory_space<vmem>> -> memref<128xi32, #tpu.memory_space<vmem>>
      %dma_wait3A_112 = arith.constant 0 : i32
      %dma_wait3A_113 = arith.constant 0 : i32
      %dma_wait3A_114 = tpu.memref_slice %arg4[%dma_wait3A_112, %dma_wait3A_113] : memref<10000x128xf32, #tpu.memory_space<hbm>> -> memref<10000x128xf32, #tpu.memory_space<hbm>>
      tpu.wait_indirect_dma semaphore(%arg13 : memref<!tpu.dma_semaphore, #tpu.memory_space<semaphore_mem>>) src(%dma_wait3A_114 : memref<10000x128xf32, #tpu.memory_space<hbm>>) dst(%arg10 : memref<128x128xf32, #tpu.memory_space<vmem>>)
      %add3A_115 = arith.constant 5 : i32
      %add3A_116 = arith.addi %mul3A_15, %add3A_115 : i32
      "tpu.region"() ({
        %run_scoped3A = tpu.sem_alloc : memref<!tpu.dma_semaphore, #tpu.memory_space<semaphore_mem>>
        %dma_start3A_142 = arith.constant 0 : i32
        %dma_start3A_143 = tpu.memref_slice %arg8[%add3A_116, %dma_start3A_142] : memref<80x128xi32, #tpu.memory_space<vmem>> -> memref<1x128xi32, #tpu.memory_space<vmem>>
        %dma_start3A_144 = tpu.memref_squeeze %dma_start3A_143 : memref<1x128xi32, #tpu.memory_space<vmem>> -> memref<128xi32, #tpu.memory_space<vmem>>
        %dma_start3A_145 = arith.constant 0 : i32
        %dma_start3A_146 = arith.constant 0 : i32
        %dma_start3A_147 = tpu.memref_slice %arg11[%dma_start3A_145, %dma_start3A_146] : memref<10240x128xf32, #tpu.memory_space<vmem_shared>> -> memref<10240x128xf32, #tpu.memory_space<vmem_shared>>
        tpu.enqueue_indirect_dma source(%arg10 : memref<128x128xf32, #tpu.memory_space<vmem>>) target(%dma_start3A_147 : memref<10240x128xf32, #tpu.memory_space<vmem_shared>>) offsets(%dma_start3A_144 : memref<128xi32, #tpu.memory_space<vmem>>) semaphore(%run_scoped3A : memref<!tpu.dma_semaphore, #tpu.memory_space<semaphore_mem>>) {add = true}
        %dma_wait3A_148 = arith.constant 0 : i32
        %dma_wait3A_149 = tpu.memref_slice %arg8[%add3A_116, %dma_wait3A_148] : memref<80x128xi32, #tpu.memory_space<vmem>> -> memref<1x128xi32, #tpu.memory_space<vmem>>
        %dma_wait3A_150 = tpu.memref_squeeze %dma_wait3A_149 : memref<1x128xi32, #tpu.memory_space<vmem>> -> memref<128xi32, #tpu.memory_space<vmem>>
        %dma_wait3A_151 = arith.constant 0 : i32
        %dma_wait3A_152 = arith.constant 0 : i32
        %dma_wait3A_153 = tpu.memref_slice %arg11[%dma_wait3A_151, %dma_wait3A_152] : memref<10240x128xf32, #tpu.memory_space<vmem_shared>> -> memref<10240x128xf32, #tpu.memory_space<vmem_shared>>
        tpu.wait_indirect_dma semaphore(%run_scoped3A : memref<!tpu.dma_semaphore, #tpu.memory_space<semaphore_mem>>) src(%arg10 : memref<128x128xf32, #tpu.memory_space<vmem>>) dst(%dma_wait3A_153 : memref<10240x128xf32, #tpu.memory_space<vmem_shared>>)
        tpu.yield
      }) : () -> ()
      %dma_start3A_117 = arith.constant 7 : i32
      %dma_start3A_118 = arith.constant 0 : i32
      %dma_start3A_119 = tpu.memref_slice %arg7[%dma_start3A_117, %dma_start3A_118] : memref<8x128xi32, #tpu.memory_space<vmem>> -> memref<1x128xi32, #tpu.memory_space<vmem>>
      %dma_start3A_120 = tpu.memref_squeeze %dma_start3A_119 : memref<1x128xi32, #tpu.memory_space<vmem>> -> memref<128xi32, #tpu.memory_space<vmem>>
      %dma_start3A_121 = arith.constant 0 : i32
      %dma_start3A_122 = arith.constant 0 : i32
      %dma_start3A_123 = tpu.memref_slice %arg4[%dma_start3A_121, %dma_start3A_122] : memref<10000x128xf32, #tpu.memory_space<hbm>> -> memref<10000x128xf32, #tpu.memory_space<hbm>>
      tpu.enqueue_indirect_dma source(%dma_start3A_123 : memref<10000x128xf32, #tpu.memory_space<hbm>>) target(%arg10 : memref<128x128xf32, #tpu.memory_space<vmem>>) offsets(%dma_start3A_120 : memref<128xi32, #tpu.memory_space<vmem>>) semaphore(%arg13 : memref<!tpu.dma_semaphore, #tpu.memory_space<semaphore_mem>>)
      %dma_wait3A_124 = arith.constant 6 : i32
      %dma_wait3A_125 = arith.constant 0 : i32
      %dma_wait3A_126 = tpu.memref_slice %arg7[%dma_wait3A_124, %dma_wait3A_125] : memref<8x128xi32, #tpu.memory_space<vmem>> -> memref<1x128xi32, #tpu.memory_space<vmem>>
      %dma_wait3A_127 = tpu.memref_squeeze %dma_wait3A_126 : memref<1x128xi32, #tpu.memory_space<vmem>> -> memref<128xi32, #tpu.memory_space<vmem>>
      %dma_wait3A_128 = arith.constant 0 : i32
      %dma_wait3A_129 = arith.constant 0 : i32
      %dma_wait3A_130 = tpu.memref_slice %arg4[%dma_wait3A_128, %dma_wait3A_129] : memref<10000x128xf32, #tpu.memory_space<hbm>> -> memref<10000x128xf32, #tpu.memory_space<hbm>>
      tpu.wait_indirect_dma semaphore(%arg12 : memref<!tpu.dma_semaphore, #tpu.memory_space<semaphore_mem>>) src(%dma_wait3A_130 : memref<10000x128xf32, #tpu.memory_space<hbm>>) dst(%arg9 : memref<128x128xf32, #tpu.memory_space<vmem>>)
      %add3A_131 = arith.constant 6 : i32
      %add3A_132 = arith.addi %mul3A_15, %add3A_131 : i32
      "tpu.region"() ({
        %run_scoped3A = tpu.sem_alloc : memref<!tpu.dma_semaphore, #tpu.memory_space<semaphore_mem>>
        %dma_start3A_142 = arith.constant 0 : i32
        %dma_start3A_143 = tpu.memref_slice %arg8[%add3A_132, %dma_start3A_142] : memref<80x128xi32, #tpu.memory_space<vmem>> -> memref<1x128xi32, #tpu.memory_space<vmem>>
        %dma_start3A_144 = tpu.memref_squeeze %dma_start3A_143 : memref<1x128xi32, #tpu.memory_space<vmem>> -> memref<128xi32, #tpu.memory_space<vmem>>
        %dma_start3A_145 = arith.constant 0 : i32
        %dma_start3A_146 = arith.constant 0 : i32
        %dma_start3A_147 = tpu.memref_slice %arg11[%dma_start3A_145, %dma_start3A_146] : memref<10240x128xf32, #tpu.memory_space<vmem_shared>> -> memref<10240x128xf32, #tpu.memory_space<vmem_shared>>
        tpu.enqueue_indirect_dma source(%arg9 : memref<128x128xf32, #tpu.memory_space<vmem>>) target(%dma_start3A_147 : memref<10240x128xf32, #tpu.memory_space<vmem_shared>>) offsets(%dma_start3A_144 : memref<128xi32, #tpu.memory_space<vmem>>) semaphore(%run_scoped3A : memref<!tpu.dma_semaphore, #tpu.memory_space<semaphore_mem>>) {add = true}
        %dma_wait3A_148 = arith.constant 0 : i32
        %dma_wait3A_149 = tpu.memref_slice %arg8[%add3A_132, %dma_wait3A_148] : memref<80x128xi32, #tpu.memory_space<vmem>> -> memref<1x128xi32, #tpu.memory_space<vmem>>
        %dma_wait3A_150 = tpu.memref_squeeze %dma_wait3A_149 : memref<1x128xi32, #tpu.memory_space<vmem>> -> memref<128xi32, #tpu.memory_space<vmem>>
        %dma_wait3A_151 = arith.constant 0 : i32
        %dma_wait3A_152 = arith.constant 0 : i32
        %dma_wait3A_153 = tpu.memref_slice %arg11[%dma_wait3A_151, %dma_wait3A_152] : memref<10240x128xf32, #tpu.memory_space<vmem_shared>> -> memref<10240x128xf32, #tpu.memory_space<vmem_shared>>
        tpu.wait_indirect_dma semaphore(%run_scoped3A : memref<!tpu.dma_semaphore, #tpu.memory_space<semaphore_mem>>) src(%arg9 : memref<128x128xf32, #tpu.memory_space<vmem>>) dst(%dma_wait3A_153 : memref<10240x128xf32, #tpu.memory_space<vmem_shared>>)
        tpu.yield
      }) : () -> ()
      %dma_wait3A_133 = arith.constant 7 : i32
      %dma_wait3A_134 = arith.constant 0 : i32
      %dma_wait3A_135 = tpu.memref_slice %arg7[%dma_wait3A_133, %dma_wait3A_134] : memref<8x128xi32, #tpu.memory_space<vmem>> -> memref<1x128xi32, #tpu.memory_space<vmem>>
      %dma_wait3A_136 = tpu.memref_squeeze %dma_wait3A_135 : memref<1x128xi32, #tpu.memory_space<vmem>> -> memref<128xi32, #tpu.memory_space<vmem>>
      %dma_wait3A_137 = arith.constant 0 : i32
      %dma_wait3A_138 = arith.constant 0 : i32
      %dma_wait3A_139 = tpu.memref_slice %arg4[%dma_wait3A_137, %dma_wait3A_138] : memref<10000x128xf32, #tpu.memory_space<hbm>> -> memref<10000x128xf32, #tpu.memory_space<hbm>>
      tpu.wait_indirect_dma semaphore(%arg13 : memref<!tpu.dma_semaphore, #tpu.memory_space<semaphore_mem>>) src(%dma_wait3A_139 : memref<10000x128xf32, #tpu.memory_space<hbm>>) dst(%arg10 : memref<128x128xf32, #tpu.memory_space<vmem>>)
      %add3A_140 = arith.constant 7 : i32
      %add3A_141 = arith.addi %mul3A_15, %add3A_140 : i32
      "tpu.region"() ({
        %run_scoped3A = tpu.sem_alloc : memref<!tpu.dma_semaphore, #tpu.memory_space<semaphore_mem>>
        %dma_start3A_142 = arith.constant 0 : i32
        %dma_start3A_143 = tpu.memref_slice %arg8[%add3A_141, %dma_start3A_142] : memref<80x128xi32, #tpu.memory_space<vmem>> -> memref<1x128xi32, #tpu.memory_space<vmem>>
        %dma_start3A_144 = tpu.memref_squeeze %dma_start3A_143 : memref<1x128xi32, #tpu.memory_space<vmem>> -> memref<128xi32, #tpu.memory_space<vmem>>
        %dma_start3A_145 = arith.constant 0 : i32
        %dma_start3A_146 = arith.constant 0 : i32
        %dma_start3A_147 = tpu.memref_slice %arg11[%dma_start3A_145, %dma_start3A_146] : memref<10240x128xf32, #tpu.memory_space<vmem_shared>> -> memref<10240x128xf32, #tpu.memory_space<vmem_shared>>
        tpu.enqueue_indirect_dma source(%arg10 : memref<128x128xf32, #tpu.memory_space<vmem>>) target(%dma_start3A_147 : memref<10240x128xf32, #tpu.memory_space<vmem_shared>>) offsets(%dma_start3A_144 : memref<128xi32, #tpu.memory_space<vmem>>) semaphore(%run_scoped3A : memref<!tpu.dma_semaphore, #tpu.memory_space<semaphore_mem>>) {add = true}
        %dma_wait3A_148 = arith.constant 0 : i32
        %dma_wait3A_149 = tpu.memref_slice %arg8[%add3A_141, %dma_wait3A_148] : memref<80x128xi32, #tpu.memory_space<vmem>> -> memref<1x128xi32, #tpu.memory_space<vmem>>
        %dma_wait3A_150 = tpu.memref_squeeze %dma_wait3A_149 : memref<1x128xi32, #tpu.memory_space<vmem>> -> memref<128xi32, #tpu.memory_space<vmem>>
        %dma_wait3A_151 = arith.constant 0 : i32
        %dma_wait3A_152 = arith.constant 0 : i32
        %dma_wait3A_153 = tpu.memref_slice %arg11[%dma_wait3A_151, %dma_wait3A_152] : memref<10240x128xf32, #tpu.memory_space<vmem_shared>> -> memref<10240x128xf32, #tpu.memory_space<vmem_shared>>
        tpu.wait_indirect_dma semaphore(%run_scoped3A : memref<!tpu.dma_semaphore, #tpu.memory_space<semaphore_mem>>) src(%arg10 : memref<128x128xf32, #tpu.memory_space<vmem>>) dst(%dma_wait3A_153 : memref<10240x128xf32, #tpu.memory_space<vmem_shared>>)
        tpu.yield
      }) : () -> ()
    }
    %scan3A_7 = arith.constant 10 : i32
    %barrier3A_8 = arith.constant 0 : index
    tpu.barrier barrier_id(%barrier3A_8)
    %mul3A_9 = arith.constant 640 : i32
    %mul3A_10 = arith.muli %arg1, %mul3A_9 : i32
    %mul3A_11 = arith.constant 640 : i32
    %mul3A_12 = arith.muli %arg1, %mul3A_11 : i32
    "tpu.region"() ({
      %run_scoped3A = tpu.sem_alloc : memref<!tpu.dma_semaphore, #tpu.memory_space<semaphore_mem>>
      %dma_start3A = arith.constant 0 : i32
      %dma_start3A_13 = tpu.memref_slice %arg6[%arg0, %mul3A_12, %dma_start3A] : memref<2x10240x128xf32, #tpu.memory_space<hbm>> -> memref<1x640x128xf32, #tpu.memory_space<hbm>>
      %dma_start3A_14 = tpu.memref_squeeze %dma_start3A_13 : memref<1x640x128xf32, #tpu.memory_space<hbm>> -> memref<640x128xf32, #tpu.memory_space<hbm>>
      %dma_start3A_15 = arith.constant 0 : i32
      %dma_start3A_16 = tpu.memref_slice %arg11[%mul3A_10, %dma_start3A_15] : memref<10240x128xf32, #tpu.memory_space<vmem_shared>> -> memref<640x128xf32, #tpu.memory_space<vmem_shared>>
      tpu.enqueue_dma source(%dma_start3A_16 : memref<640x128xf32, #tpu.memory_space<vmem_shared>>) target(%dma_start3A_14 : memref<640x128xf32, #tpu.memory_space<hbm>>) target_semaphore(%run_scoped3A : memref<!tpu.dma_semaphore, #tpu.memory_space<semaphore_mem>>)
      %dma_wait3A = arith.constant 0 : i32
      %dma_wait3A_17 = tpu.memref_slice %arg6[%arg0, %mul3A_12, %dma_wait3A] : memref<2x10240x128xf32, #tpu.memory_space<hbm>> -> memref<1x640x128xf32, #tpu.memory_space<hbm>>
      %dma_wait3A_18 = tpu.memref_squeeze %dma_wait3A_17 : memref<1x640x128xf32, #tpu.memory_space<hbm>> -> memref<640x128xf32, #tpu.memory_space<hbm>>
      %dma_wait3A_19 = arith.constant 0 : i32
      %dma_wait3A_20 = tpu.memref_slice %arg11[%mul3A_10, %dma_wait3A_19] : memref<10240x128xf32, #tpu.memory_space<vmem_shared>> -> memref<640x128xf32, #tpu.memory_space<vmem_shared>>
      tpu.wait_dma2 semaphore(%run_scoped3A : memref<!tpu.dma_semaphore, #tpu.memory_space<semaphore_mem>>) src(%dma_wait3A_20 : memref<640x128xf32, #tpu.memory_space<vmem_shared>>) dst(%dma_wait3A_18 : memref<640x128xf32, #tpu.memory_space<hbm>>)
      tpu.yield
    }) : () -> ()
    return
  }
}

#map = affine_map<(d0, d1) -> (0, 0, 0)>
#map1 = affine_map<(d0, d1) -> (0, 0)>
module attributes {stable_mosaic.version = 14 : i64} {
  func.func @sc_aggregate(%arg0: i32, %arg1: i32, %arg2: memref<32x80x128xi32, #tpu.memory_space<hbm>>, %arg3: memref<32x80x128xi32, #tpu.memory_space<hbm>>, %arg4: memref<10000x128xf32, #tpu.memory_space<hbm>>, %arg5: memref<640x128xf32, #tpu.memory_space<hbm>>, %arg6: memref<2x10240x128xf32, #tpu.memory_space<hbm>>, %arg7: memref<8x128xi32, #tpu.memory_space<vmem>>, %arg8: memref<80x128xi32, #tpu.memory_space<vmem>>, %arg9: memref<128x128xf32, #tpu.memory_space<vmem>>, %arg10: memref<128x128xf32, #tpu.memory_space<vmem>>, %arg11: memref<10240x128xf32, #tpu.memory_space<vmem_shared>>, %arg12: memref<!tpu.dma_semaphore, #tpu.memory_space<semaphore_mem>>, %arg13: memref<!tpu.dma_semaphore, #tpu.memory_space<semaphore_mem>>) attributes {dimension_semantics = [#tpu.dimension_semantics<core_parallel>, #tpu.dimension_semantics<subcore_parallel>], iteration_bounds = array<i64: 2, 16>, scalar_prefetch = 0 : i64, scratch_operands = 7 : i64, tpu.core_type = #tpu.core_type<sc_vector_subcore>, window_params = [{transform_indices = #map}, {transform_indices = #map}, {transform_indices = #map1}, {transform_indices = #map1}, {transform_indices = #map}]} {
    %mul3A = arith.constant 16 : i32
    %mul3A_0 = arith.muli %arg0, %mul3A : i32
    %add3A = arith.addi %mul3A_0, %arg1 : i32
    "tpu.region"() ({
      %run_scoped3A = tpu.sem_alloc : memref<!tpu.dma_semaphore, #tpu.memory_space<semaphore_mem>>
      %dma_start3A = arith.constant 0 : i32
      %dma_start3A_13 = arith.constant 0 : i32
      %dma_start3A_14 = tpu.memref_slice %arg3[%add3A, %dma_start3A, %dma_start3A_13] : memref<32x80x128xi32, #tpu.memory_space<hbm>> -> memref<1x80x128xi32, #tpu.memory_space<hbm>>
      %dma_start3A_15 = tpu.memref_squeeze %dma_start3A_14 : memref<1x80x128xi32, #tpu.memory_space<hbm>> -> memref<80x128xi32, #tpu.memory_space<hbm>>
      %dma_start3A_16 = arith.constant 0 : i32
      %dma_start3A_17 = arith.constant 0 : i32
      %dma_start3A_18 = tpu.memref_slice %arg3[%add3A, %dma_start3A_16, %dma_start3A_17] : memref<32x80x128xi32, #tpu.memory_space<hbm>> -> memref<1x80x128xi32, #tpu.memory_space<hbm>>
      %dma_start3A_19 = tpu.memref_squeeze %dma_start3A_18 : memref<1x80x128xi32, #tpu.memory_space<hbm>> -> memref<80x128xi32, #tpu.memory_space<hbm>>
      tpu.enqueue_dma source(%dma_start3A_19 : memref<80x128xi32, #tpu.memory_space<hbm>>) target(%arg8 : memref<80x128xi32, #tpu.memory_space<vmem>>) target_semaphore(%run_scoped3A : memref<!tpu.dma_semaphore, #tpu.memory_space<semaphore_mem>>)
      %dma_wait3A = arith.constant 0 : i32
      %dma_wait3A_20 = arith.constant 0 : i32
      %dma_wait3A_21 = tpu.memref_slice %arg3[%add3A, %dma_wait3A, %dma_wait3A_20] : memref<32x80x128xi32, #tpu.memory_space<hbm>> -> memref<1x80x128xi32, #tpu.memory_space<hbm>>
      %dma_wait3A_22 = tpu.memref_squeeze %dma_wait3A_21 : memref<1x80x128xi32, #tpu.memory_space<hbm>> -> memref<80x128xi32, #tpu.memory_space<hbm>>
      %dma_wait3A_23 = arith.constant 0 : i32
      %dma_wait3A_24 = arith.constant 0 : i32
      %dma_wait3A_25 = tpu.memref_slice %arg3[%add3A, %dma_wait3A_23, %dma_wait3A_24] : memref<32x80x128xi32, #tpu.memory_space<hbm>> -> memref<1x80x128xi32, #tpu.memory_space<hbm>>
      %dma_wait3A_26 = tpu.memref_squeeze %dma_wait3A_25 : memref<1x80x128xi32, #tpu.memory_space<hbm>> -> memref<80x128xi32, #tpu.memory_space<hbm>>
      tpu.wait_dma2 semaphore(%run_scoped3A : memref<!tpu.dma_semaphore, #tpu.memory_space<semaphore_mem>>) src(%dma_wait3A_26 : memref<80x128xi32, #tpu.memory_space<hbm>>) dst(%arg8 : memref<80x128xi32, #tpu.memory_space<vmem>>)
      tpu.yield
    }) : () -> ()
    %mul3A_1 = arith.constant 640 : i32
    %mul3A_2 = arith.muli %arg1, %mul3A_1 : i32
    "tpu.region"() ({
      %run_scoped3A = tpu.sem_alloc : memref<!tpu.dma_semaphore, #tpu.memory_space<semaphore_mem>>
      %dma_start3A = arith.constant 0 : i32
      %dma_start3A_13 = tpu.memref_slice %arg11[%mul3A_2, %dma_start3A] : memref<10240x128xf32, #tpu.memory_space<vmem_shared>> -> memref<640x128xf32, #tpu.memory_space<vmem_shared>>
      tpu.enqueue_dma source(%arg5 : memref<640x128xf32, #tpu.memory_space<hbm>>) target(%dma_start3A_13 : memref<640x128xf32, #tpu.memory_space<vmem_shared>>) target_semaphore(%run_scoped3A : memref<!tpu.dma_semaphore, #tpu.memory_space<semaphore_mem>>)
      %dma_wait3A = arith.constant 0 : i32
      %dma_wait3A_14 = tpu.memref_slice %arg11[%mul3A_2, %dma_wait3A] : memref<10240x128xf32, #tpu.memory_space<vmem_shared>> -> memref<640x128xf32, #tpu.memory_space<vmem_shared>>
      tpu.wait_dma2 semaphore(%run_scoped3A : memref<!tpu.dma_semaphore, #tpu.memory_space<semaphore_mem>>) src(%arg5 : memref<640x128xf32, #tpu.memory_space<hbm>>) dst(%dma_wait3A_14 : memref<640x128xf32, #tpu.memory_space<vmem_shared>>)
      tpu.yield
    }) : () -> ()
    %barrier3A = arith.constant 0 : index
    tpu.barrier barrier_id(%barrier3A)
    %scan3A = arith.constant 0 : i32
    %scan3A_3 = arith.constant 0 : i32
    %scan3A_4 = arith.constant 10 : i32
    %scan3A_5 = arith.addi %scan3A_3, %scan3A_4 : i32
    %scan3A_6 = arith.constant 1 : i32
    scf.for %scan3A_13 = %scan3A_3 to %scan3A_5 step %scan3A_6  : i32 {
      %mul3A_14 = arith.constant 8 : i32
      %mul3A_15 = arith.muli %scan3A_13, %mul3A_14 : i32
      "tpu.region"() ({
        %run_scoped3A = tpu.sem_alloc : memref<!tpu.dma_semaphore, #tpu.memory_space<semaphore_mem>>
        %dma_start3A_142 = arith.constant 0 : i32
        %dma_start3A_143 = tpu.memref_slice %arg2[%add3A, %mul3A_15, %dma_start3A_142] : memref<32x80x128xi32, #tpu.memory_space<hbm>> -> memref<1x8x128xi32, #tpu.memory_space<hbm>>
        %dma_start3A_144 = tpu.memref_squeeze %dma_start3A_143 : memref<1x8x128xi32, #tpu.memory_space<hbm>> -> memref<8x128xi32, #tpu.memory_space<hbm>>
        %dma_start3A_145 = arith.constant 0 : i32
        %dma_start3A_146 = tpu.memref_slice %arg2[%add3A, %mul3A_15, %dma_start3A_145] : memref<32x80x128xi32, #tpu.memory_space<hbm>> -> memref<1x8x128xi32, #tpu.memory_space<hbm>>
        %dma_start3A_147 = tpu.memref_squeeze %dma_start3A_146 : memref<1x8x128xi32, #tpu.memory_space<hbm>> -> memref<8x128xi32, #tpu.memory_space<hbm>>
        tpu.enqueue_dma source(%dma_start3A_147 : memref<8x128xi32, #tpu.memory_space<hbm>>) target(%arg7 : memref<8x128xi32, #tpu.memory_space<vmem>>) target_semaphore(%run_scoped3A : memref<!tpu.dma_semaphore, #tpu.memory_space<semaphore_mem>>)
        %dma_wait3A_148 = arith.constant 0 : i32
        %dma_wait3A_149 = tpu.memref_slice %arg2[%add3A, %mul3A_15, %dma_wait3A_148] : memref<32x80x128xi32, #tpu.memory_space<hbm>> -> memref<1x8x128xi32, #tpu.memory_space<hbm>>
        %dma_wait3A_150 = tpu.memref_squeeze %dma_wait3A_149 : memref<1x8x128xi32, #tpu.memory_space<hbm>> -> memref<8x128xi32, #tpu.memory_space<hbm>>
        %dma_wait3A_151 = arith.constant 0 : i32
        %dma_wait3A_152 = tpu.memref_slice %arg2[%add3A, %mul3A_15, %dma_wait3A_151] : memref<32x80x128xi32, #tpu.memory_space<hbm>> -> memref<1x8x128xi32, #tpu.memory_space<hbm>>
        %dma_wait3A_153 = tpu.memref_squeeze %dma_wait3A_152 : memref<1x8x128xi32, #tpu.memory_space<hbm>> -> memref<8x128xi32, #tpu.memory_space<hbm>>
        tpu.wait_dma2 semaphore(%run_scoped3A : memref<!tpu.dma_semaphore, #tpu.memory_space<semaphore_mem>>) src(%dma_wait3A_153 : memref<8x128xi32, #tpu.memory_space<hbm>>) dst(%arg7 : memref<8x128xi32, #tpu.memory_space<vmem>>)
        tpu.yield
      }) : () -> ()
      %dma_start3A = arith.constant 0 : i32
      %dma_start3A_16 = arith.constant 0 : i32
      %dma_start3A_17 = tpu.memref_slice %arg7[%dma_start3A, %dma_start3A_16] : memref<8x128xi32, #tpu.memory_space<vmem>> -> memref<1x128xi32, #tpu.memory_space<vmem>>
      %dma_start3A_18 = tpu.memref_squeeze %dma_start3A_17 : memref<1x128xi32, #tpu.memory_space<vmem>> -> memref<128xi32, #tpu.memory_space<vmem>>
      %dma_start3A_19 = arith.constant 0 : i32
      %dma_start3A_20 = arith.constant 0 : i32
      %dma_start3A_21 = tpu.memref_slice %arg4[%dma_start3A_19, %dma_start3A_20] : memref<10000x128xf32, #tpu.memory_space<hbm>> -> memref<10000x128xf32, #tpu.memory_space<hbm>>
      tpu.enqueue_indirect_dma source(%dma_start3A_21 : memref<10000x128xf32, #tpu.memory_space<hbm>>) target(%arg9 : memref<128x128xf32, #tpu.memory_space<vmem>>) offsets(%dma_start3A_18 : memref<128xi32, #tpu.memory_space<vmem>>) semaphore(%arg12 : memref<!tpu.dma_semaphore, #tpu.memory_space<semaphore_mem>>)
      %dma_start3A_22 = arith.constant 1 : i32
      %dma_start3A_23 = arith.constant 0 : i32
      %dma_start3A_24 = tpu.memref_slice %arg7[%dma_start3A_22, %dma_start3A_23] : memref<8x128xi32, #tpu.memory_space<vmem>> -> memref<1x128xi32, #tpu.memory_space<vmem>>
      %dma_start3A_25 = tpu.memref_squeeze %dma_start3A_24 : memref<1x128xi32, #tpu.memory_space<vmem>> -> memref<128xi32, #tpu.memory_space<vmem>>
      %dma_start3A_26 = arith.constant 0 : i32
      %dma_start3A_27 = arith.constant 0 : i32
      %dma_start3A_28 = tpu.memref_slice %arg4[%dma_start3A_26, %dma_start3A_27] : memref<10000x128xf32, #tpu.memory_space<hbm>> -> memref<10000x128xf32, #tpu.memory_space<hbm>>
      tpu.enqueue_indirect_dma source(%dma_start3A_28 : memref<10000x128xf32, #tpu.memory_space<hbm>>) target(%arg10 : memref<128x128xf32, #tpu.memory_space<vmem>>) offsets(%dma_start3A_25 : memref<128xi32, #tpu.memory_space<vmem>>) semaphore(%arg13 : memref<!tpu.dma_semaphore, #tpu.memory_space<semaphore_mem>>)
      %dma_wait3A = arith.constant 0 : i32
      %dma_wait3A_29 = arith.constant 0 : i32
      %dma_wait3A_30 = tpu.memref_slice %arg7[%dma_wait3A, %dma_wait3A_29] : memref<8x128xi32, #tpu.memory_space<vmem>> -> memref<1x128xi32, #tpu.memory_space<vmem>>
      %dma_wait3A_31 = tpu.memref_squeeze %dma_wait3A_30 : memref<1x128xi32, #tpu.memory_space<vmem>> -> memref<128xi32, #tpu.memory_space<vmem>>
      %dma_wait3A_32 = arith.constant 0 : i32
      %dma_wait3A_33 = arith.constant 0 : i32
      %dma_wait3A_34 = tpu.memref_slice %arg4[%dma_wait3A_32, %dma_wait3A_33] : memref<10000x128xf32, #tpu.memory_space<hbm>> -> memref<10000x128xf32, #tpu.memory_space<hbm>>
      tpu.wait_indirect_dma semaphore(%arg12 : memref<!tpu.dma_semaphore, #tpu.memory_space<semaphore_mem>>) src(%dma_wait3A_34 : memref<10000x128xf32, #tpu.memory_space<hbm>>) dst(%arg9 : memref<128x128xf32, #tpu.memory_space<vmem>>)
      %add3A_35 = arith.constant 0 : i32
      %add3A_36 = arith.addi %mul3A_15, %add3A_35 : i32
      "tpu.region"() ({
        %run_scoped3A = tpu.sem_alloc : memref<!tpu.dma_semaphore, #tpu.memory_space<semaphore_mem>>
        %dma_start3A_142 = arith.constant 0 : i32
        %dma_start3A_143 = tpu.memref_slice %arg8[%add3A_36, %dma_start3A_142] : memref<80x128xi32, #tpu.memory_space<vmem>> -> memref<1x128xi32, #tpu.memory_space<vmem>>
        %dma_start3A_144 = tpu.memref_squeeze %dma_start3A_143 : memref<1x128xi32, #tpu.memory_space<vmem>> -> memref<128xi32, #tpu.memory_space<vmem>>
        %dma_start3A_145 = arith.constant 0 : i32
        %dma_start3A_146 = arith.constant 0 : i32
        %dma_start3A_147 = tpu.memref_slice %arg11[%dma_start3A_145, %dma_start3A_146] : memref<10240x128xf32, #tpu.memory_space<vmem_shared>> -> memref<10240x128xf32, #tpu.memory_space<vmem_shared>>
        tpu.enqueue_indirect_dma source(%arg9 : memref<128x128xf32, #tpu.memory_space<vmem>>) target(%dma_start3A_147 : memref<10240x128xf32, #tpu.memory_space<vmem_shared>>) offsets(%dma_start3A_144 : memref<128xi32, #tpu.memory_space<vmem>>) semaphore(%run_scoped3A : memref<!tpu.dma_semaphore, #tpu.memory_space<semaphore_mem>>) {add = true}
        %dma_wait3A_148 = arith.constant 0 : i32
        %dma_wait3A_149 = tpu.memref_slice %arg8[%add3A_36, %dma_wait3A_148] : memref<80x128xi32, #tpu.memory_space<vmem>> -> memref<1x128xi32, #tpu.memory_space<vmem>>
        %dma_wait3A_150 = tpu.memref_squeeze %dma_wait3A_149 : memref<1x128xi32, #tpu.memory_space<vmem>> -> memref<128xi32, #tpu.memory_space<vmem>>
        %dma_wait3A_151 = arith.constant 0 : i32
        %dma_wait3A_152 = arith.constant 0 : i32
        %dma_wait3A_153 = tpu.memref_slice %arg11[%dma_wait3A_151, %dma_wait3A_152] : memref<10240x128xf32, #tpu.memory_space<vmem_shared>> -> memref<10240x128xf32, #tpu.memory_space<vmem_shared>>
        tpu.wait_indirect_dma semaphore(%run_scoped3A : memref<!tpu.dma_semaphore, #tpu.memory_space<semaphore_mem>>) src(%arg9 : memref<128x128xf32, #tpu.memory_space<vmem>>) dst(%dma_wait3A_153 : memref<10240x128xf32, #tpu.memory_space<vmem_shared>>)
        tpu.yield
      }) : () -> ()
      %dma_start3A_37 = arith.constant 2 : i32
      %dma_start3A_38 = arith.constant 0 : i32
      %dma_start3A_39 = tpu.memref_slice %arg7[%dma_start3A_37, %dma_start3A_38] : memref<8x128xi32, #tpu.memory_space<vmem>> -> memref<1x128xi32, #tpu.memory_space<vmem>>
      %dma_start3A_40 = tpu.memref_squeeze %dma_start3A_39 : memref<1x128xi32, #tpu.memory_space<vmem>> -> memref<128xi32, #tpu.memory_space<vmem>>
      %dma_start3A_41 = arith.constant 0 : i32
      %dma_start3A_42 = arith.constant 0 : i32
      %dma_start3A_43 = tpu.memref_slice %arg4[%dma_start3A_41, %dma_start3A_42] : memref<10000x128xf32, #tpu.memory_space<hbm>> -> memref<10000x128xf32, #tpu.memory_space<hbm>>
      tpu.enqueue_indirect_dma source(%dma_start3A_43 : memref<10000x128xf32, #tpu.memory_space<hbm>>) target(%arg9 : memref<128x128xf32, #tpu.memory_space<vmem>>) offsets(%dma_start3A_40 : memref<128xi32, #tpu.memory_space<vmem>>) semaphore(%arg12 : memref<!tpu.dma_semaphore, #tpu.memory_space<semaphore_mem>>)
      %dma_wait3A_44 = arith.constant 1 : i32
      %dma_wait3A_45 = arith.constant 0 : i32
      %dma_wait3A_46 = tpu.memref_slice %arg7[%dma_wait3A_44, %dma_wait3A_45] : memref<8x128xi32, #tpu.memory_space<vmem>> -> memref<1x128xi32, #tpu.memory_space<vmem>>
      %dma_wait3A_47 = tpu.memref_squeeze %dma_wait3A_46 : memref<1x128xi32, #tpu.memory_space<vmem>> -> memref<128xi32, #tpu.memory_space<vmem>>
      %dma_wait3A_48 = arith.constant 0 : i32
      %dma_wait3A_49 = arith.constant 0 : i32
      %dma_wait3A_50 = tpu.memref_slice %arg4[%dma_wait3A_48, %dma_wait3A_49] : memref<10000x128xf32, #tpu.memory_space<hbm>> -> memref<10000x128xf32, #tpu.memory_space<hbm>>
      tpu.wait_indirect_dma semaphore(%arg13 : memref<!tpu.dma_semaphore, #tpu.memory_space<semaphore_mem>>) src(%dma_wait3A_50 : memref<10000x128xf32, #tpu.memory_space<hbm>>) dst(%arg10 : memref<128x128xf32, #tpu.memory_space<vmem>>)
      %add3A_51 = arith.constant 1 : i32
      %add3A_52 = arith.addi %mul3A_15, %add3A_51 : i32
      "tpu.region"() ({
        %run_scoped3A = tpu.sem_alloc : memref<!tpu.dma_semaphore, #tpu.memory_space<semaphore_mem>>
        %dma_start3A_142 = arith.constant 0 : i32
        %dma_start3A_143 = tpu.memref_slice %arg8[%add3A_52, %dma_start3A_142] : memref<80x128xi32, #tpu.memory_space<vmem>> -> memref<1x128xi32, #tpu.memory_space<vmem>>
        %dma_start3A_144 = tpu.memref_squeeze %dma_start3A_143 : memref<1x128xi32, #tpu.memory_space<vmem>> -> memref<128xi32, #tpu.memory_space<vmem>>
        %dma_start3A_145 = arith.constant 0 : i32
        %dma_start3A_146 = arith.constant 0 : i32
        %dma_start3A_147 = tpu.memref_slice %arg11[%dma_start3A_145, %dma_start3A_146] : memref<10240x128xf32, #tpu.memory_space<vmem_shared>> -> memref<10240x128xf32, #tpu.memory_space<vmem_shared>>
        tpu.enqueue_indirect_dma source(%arg10 : memref<128x128xf32, #tpu.memory_space<vmem>>) target(%dma_start3A_147 : memref<10240x128xf32, #tpu.memory_space<vmem_shared>>) offsets(%dma_start3A_144 : memref<128xi32, #tpu.memory_space<vmem>>) semaphore(%run_scoped3A : memref<!tpu.dma_semaphore, #tpu.memory_space<semaphore_mem>>) {add = true}
        %dma_wait3A_148 = arith.constant 0 : i32
        %dma_wait3A_149 = tpu.memref_slice %arg8[%add3A_52, %dma_wait3A_148] : memref<80x128xi32, #tpu.memory_space<vmem>> -> memref<1x128xi32, #tpu.memory_space<vmem>>
        %dma_wait3A_150 = tpu.memref_squeeze %dma_wait3A_149 : memref<1x128xi32, #tpu.memory_space<vmem>> -> memref<128xi32, #tpu.memory_space<vmem>>
        %dma_wait3A_151 = arith.constant 0 : i32
        %dma_wait3A_152 = arith.constant 0 : i32
        %dma_wait3A_153 = tpu.memref_slice %arg11[%dma_wait3A_151, %dma_wait3A_152] : memref<10240x128xf32, #tpu.memory_space<vmem_shared>> -> memref<10240x128xf32, #tpu.memory_space<vmem_shared>>
        tpu.wait_indirect_dma semaphore(%run_scoped3A : memref<!tpu.dma_semaphore, #tpu.memory_space<semaphore_mem>>) src(%arg10 : memref<128x128xf32, #tpu.memory_space<vmem>>) dst(%dma_wait3A_153 : memref<10240x128xf32, #tpu.memory_space<vmem_shared>>)
        tpu.yield
      }) : () -> ()
      %dma_start3A_53 = arith.constant 3 : i32
      %dma_start3A_54 = arith.constant 0 : i32
      %dma_start3A_55 = tpu.memref_slice %arg7[%dma_start3A_53, %dma_start3A_54] : memref<8x128xi32, #tpu.memory_space<vmem>> -> memref<1x128xi32, #tpu.memory_space<vmem>>
      %dma_start3A_56 = tpu.memref_squeeze %dma_start3A_55 : memref<1x128xi32, #tpu.memory_space<vmem>> -> memref<128xi32, #tpu.memory_space<vmem>>
      %dma_start3A_57 = arith.constant 0 : i32
      %dma_start3A_58 = arith.constant 0 : i32
      %dma_start3A_59 = tpu.memref_slice %arg4[%dma_start3A_57, %dma_start3A_58] : memref<10000x128xf32, #tpu.memory_space<hbm>> -> memref<10000x128xf32, #tpu.memory_space<hbm>>
      tpu.enqueue_indirect_dma source(%dma_start3A_59 : memref<10000x128xf32, #tpu.memory_space<hbm>>) target(%arg10 : memref<128x128xf32, #tpu.memory_space<vmem>>) offsets(%dma_start3A_56 : memref<128xi32, #tpu.memory_space<vmem>>) semaphore(%arg13 : memref<!tpu.dma_semaphore, #tpu.memory_space<semaphore_mem>>)
      %dma_wait3A_60 = arith.constant 2 : i32
      %dma_wait3A_61 = arith.constant 0 : i32
      %dma_wait3A_62 = tpu.memref_slice %arg7[%dma_wait3A_60, %dma_wait3A_61] : memref<8x128xi32, #tpu.memory_space<vmem>> -> memref<1x128xi32, #tpu.memory_space<vmem>>
      %dma_wait3A_63 = tpu.memref_squeeze %dma_wait3A_62 : memref<1x128xi32, #tpu.memory_space<vmem>> -> memref<128xi32, #tpu.memory_space<vmem>>
      %dma_wait3A_64 = arith.constant 0 : i32
      %dma_wait3A_65 = arith.constant 0 : i32
      %dma_wait3A_66 = tpu.memref_slice %arg4[%dma_wait3A_64, %dma_wait3A_65] : memref<10000x128xf32, #tpu.memory_space<hbm>> -> memref<10000x128xf32, #tpu.memory_space<hbm>>
      tpu.wait_indirect_dma semaphore(%arg12 : memref<!tpu.dma_semaphore, #tpu.memory_space<semaphore_mem>>) src(%dma_wait3A_66 : memref<10000x128xf32, #tpu.memory_space<hbm>>) dst(%arg9 : memref<128x128xf32, #tpu.memory_space<vmem>>)
      %add3A_67 = arith.constant 2 : i32
      %add3A_68 = arith.addi %mul3A_15, %add3A_67 : i32
      "tpu.region"() ({
        %run_scoped3A = tpu.sem_alloc : memref<!tpu.dma_semaphore, #tpu.memory_space<semaphore_mem>>
        %dma_start3A_142 = arith.constant 0 : i32
        %dma_start3A_143 = tpu.memref_slice %arg8[%add3A_68, %dma_start3A_142] : memref<80x128xi32, #tpu.memory_space<vmem>> -> memref<1x128xi32, #tpu.memory_space<vmem>>
        %dma_start3A_144 = tpu.memref_squeeze %dma_start3A_143 : memref<1x128xi32, #tpu.memory_space<vmem>> -> memref<128xi32, #tpu.memory_space<vmem>>
        %dma_start3A_145 = arith.constant 0 : i32
        %dma_start3A_146 = arith.constant 0 : i32
        %dma_start3A_147 = tpu.memref_slice %arg11[%dma_start3A_145, %dma_start3A_146] : memref<10240x128xf32, #tpu.memory_space<vmem_shared>> -> memref<10240x128xf32, #tpu.memory_space<vmem_shared>>
        tpu.enqueue_indirect_dma source(%arg9 : memref<128x128xf32, #tpu.memory_space<vmem>>) target(%dma_start3A_147 : memref<10240x128xf32, #tpu.memory_space<vmem_shared>>) offsets(%dma_start3A_144 : memref<128xi32, #tpu.memory_space<vmem>>) semaphore(%run_scoped3A : memref<!tpu.dma_semaphore, #tpu.memory_space<semaphore_mem>>) {add = true}
        %dma_wait3A_148 = arith.constant 0 : i32
        %dma_wait3A_149 = tpu.memref_slice %arg8[%add3A_68, %dma_wait3A_148] : memref<80x128xi32, #tpu.memory_space<vmem>> -> memref<1x128xi32, #tpu.memory_space<vmem>>
        %dma_wait3A_150 = tpu.memref_squeeze %dma_wait3A_149 : memref<1x128xi32, #tpu.memory_space<vmem>> -> memref<128xi32, #tpu.memory_space<vmem>>
        %dma_wait3A_151 = arith.constant 0 : i32
        %dma_wait3A_152 = arith.constant 0 : i32
        %dma_wait3A_153 = tpu.memref_slice %arg11[%dma_wait3A_151, %dma_wait3A_152] : memref<10240x128xf32, #tpu.memory_space<vmem_shared>> -> memref<10240x128xf32, #tpu.memory_space<vmem_shared>>
        tpu.wait_indirect_dma semaphore(%run_scoped3A : memref<!tpu.dma_semaphore, #tpu.memory_space<semaphore_mem>>) src(%arg9 : memref<128x128xf32, #tpu.memory_space<vmem>>) dst(%dma_wait3A_153 : memref<10240x128xf32, #tpu.memory_space<vmem_shared>>)
        tpu.yield
      }) : () -> ()
      %dma_start3A_69 = arith.constant 4 : i32
      %dma_start3A_70 = arith.constant 0 : i32
      %dma_start3A_71 = tpu.memref_slice %arg7[%dma_start3A_69, %dma_start3A_70] : memref<8x128xi32, #tpu.memory_space<vmem>> -> memref<1x128xi32, #tpu.memory_space<vmem>>
      %dma_start3A_72 = tpu.memref_squeeze %dma_start3A_71 : memref<1x128xi32, #tpu.memory_space<vmem>> -> memref<128xi32, #tpu.memory_space<vmem>>
      %dma_start3A_73 = arith.constant 0 : i32
      %dma_start3A_74 = arith.constant 0 : i32
      %dma_start3A_75 = tpu.memref_slice %arg4[%dma_start3A_73, %dma_start3A_74] : memref<10000x128xf32, #tpu.memory_space<hbm>> -> memref<10000x128xf32, #tpu.memory_space<hbm>>
      tpu.enqueue_indirect_dma source(%dma_start3A_75 : memref<10000x128xf32, #tpu.memory_space<hbm>>) target(%arg9 : memref<128x128xf32, #tpu.memory_space<vmem>>) offsets(%dma_start3A_72 : memref<128xi32, #tpu.memory_space<vmem>>) semaphore(%arg12 : memref<!tpu.dma_semaphore, #tpu.memory_space<semaphore_mem>>)
      %dma_wait3A_76 = arith.constant 3 : i32
      %dma_wait3A_77 = arith.constant 0 : i32
      %dma_wait3A_78 = tpu.memref_slice %arg7[%dma_wait3A_76, %dma_wait3A_77] : memref<8x128xi32, #tpu.memory_space<vmem>> -> memref<1x128xi32, #tpu.memory_space<vmem>>
      %dma_wait3A_79 = tpu.memref_squeeze %dma_wait3A_78 : memref<1x128xi32, #tpu.memory_space<vmem>> -> memref<128xi32, #tpu.memory_space<vmem>>
      %dma_wait3A_80 = arith.constant 0 : i32
      %dma_wait3A_81 = arith.constant 0 : i32
      %dma_wait3A_82 = tpu.memref_slice %arg4[%dma_wait3A_80, %dma_wait3A_81] : memref<10000x128xf32, #tpu.memory_space<hbm>> -> memref<10000x128xf32, #tpu.memory_space<hbm>>
      tpu.wait_indirect_dma semaphore(%arg13 : memref<!tpu.dma_semaphore, #tpu.memory_space<semaphore_mem>>) src(%dma_wait3A_82 : memref<10000x128xf32, #tpu.memory_space<hbm>>) dst(%arg10 : memref<128x128xf32, #tpu.memory_space<vmem>>)
      %add3A_83 = arith.constant 3 : i32
      %add3A_84 = arith.addi %mul3A_15, %add3A_83 : i32
      "tpu.region"() ({
        %run_scoped3A = tpu.sem_alloc : memref<!tpu.dma_semaphore, #tpu.memory_space<semaphore_mem>>
        %dma_start3A_142 = arith.constant 0 : i32
        %dma_start3A_143 = tpu.memref_slice %arg8[%add3A_84, %dma_start3A_142] : memref<80x128xi32, #tpu.memory_space<vmem>> -> memref<1x128xi32, #tpu.memory_space<vmem>>
        %dma_start3A_144 = tpu.memref_squeeze %dma_start3A_143 : memref<1x128xi32, #tpu.memory_space<vmem>> -> memref<128xi32, #tpu.memory_space<vmem>>
        %dma_start3A_145 = arith.constant 0 : i32
        %dma_start3A_146 = arith.constant 0 : i32
        %dma_start3A_147 = tpu.memref_slice %arg11[%dma_start3A_145, %dma_start3A_146] : memref<10240x128xf32, #tpu.memory_space<vmem_shared>> -> memref<10240x128xf32, #tpu.memory_space<vmem_shared>>
        tpu.enqueue_indirect_dma source(%arg10 : memref<128x128xf32, #tpu.memory_space<vmem>>) target(%dma_start3A_147 : memref<10240x128xf32, #tpu.memory_space<vmem_shared>>) offsets(%dma_start3A_144 : memref<128xi32, #tpu.memory_space<vmem>>) semaphore(%run_scoped3A : memref<!tpu.dma_semaphore, #tpu.memory_space<semaphore_mem>>) {add = true}
        %dma_wait3A_148 = arith.constant 0 : i32
        %dma_wait3A_149 = tpu.memref_slice %arg8[%add3A_84, %dma_wait3A_148] : memref<80x128xi32, #tpu.memory_space<vmem>> -> memref<1x128xi32, #tpu.memory_space<vmem>>
        %dma_wait3A_150 = tpu.memref_squeeze %dma_wait3A_149 : memref<1x128xi32, #tpu.memory_space<vmem>> -> memref<128xi32, #tpu.memory_space<vmem>>
        %dma_wait3A_151 = arith.constant 0 : i32
        %dma_wait3A_152 = arith.constant 0 : i32
        %dma_wait3A_153 = tpu.memref_slice %arg11[%dma_wait3A_151, %dma_wait3A_152] : memref<10240x128xf32, #tpu.memory_space<vmem_shared>> -> memref<10240x128xf32, #tpu.memory_space<vmem_shared>>
        tpu.wait_indirect_dma semaphore(%run_scoped3A : memref<!tpu.dma_semaphore, #tpu.memory_space<semaphore_mem>>) src(%arg10 : memref<128x128xf32, #tpu.memory_space<vmem>>) dst(%dma_wait3A_153 : memref<10240x128xf32, #tpu.memory_space<vmem_shared>>)
        tpu.yield
      }) : () -> ()
      %dma_start3A_85 = arith.constant 5 : i32
      %dma_start3A_86 = arith.constant 0 : i32
      %dma_start3A_87 = tpu.memref_slice %arg7[%dma_start3A_85, %dma_start3A_86] : memref<8x128xi32, #tpu.memory_space<vmem>> -> memref<1x128xi32, #tpu.memory_space<vmem>>
      %dma_start3A_88 = tpu.memref_squeeze %dma_start3A_87 : memref<1x128xi32, #tpu.memory_space<vmem>> -> memref<128xi32, #tpu.memory_space<vmem>>
      %dma_start3A_89 = arith.constant 0 : i32
      %dma_start3A_90 = arith.constant 0 : i32
      %dma_start3A_91 = tpu.memref_slice %arg4[%dma_start3A_89, %dma_start3A_90] : memref<10000x128xf32, #tpu.memory_space<hbm>> -> memref<10000x128xf32, #tpu.memory_space<hbm>>
      tpu.enqueue_indirect_dma source(%dma_start3A_91 : memref<10000x128xf32, #tpu.memory_space<hbm>>) target(%arg10 : memref<128x128xf32, #tpu.memory_space<vmem>>) offsets(%dma_start3A_88 : memref<128xi32, #tpu.memory_space<vmem>>) semaphore(%arg13 : memref<!tpu.dma_semaphore, #tpu.memory_space<semaphore_mem>>)
      %dma_wait3A_92 = arith.constant 4 : i32
      %dma_wait3A_93 = arith.constant 0 : i32
      %dma_wait3A_94 = tpu.memref_slice %arg7[%dma_wait3A_92, %dma_wait3A_93] : memref<8x128xi32, #tpu.memory_space<vmem>> -> memref<1x128xi32, #tpu.memory_space<vmem>>
      %dma_wait3A_95 = tpu.memref_squeeze %dma_wait3A_94 : memref<1x128xi32, #tpu.memory_space<vmem>> -> memref<128xi32, #tpu.memory_space<vmem>>
      %dma_wait3A_96 = arith.constant 0 : i32
      %dma_wait3A_97 = arith.constant 0 : i32
      %dma_wait3A_98 = tpu.memref_slice %arg4[%dma_wait3A_96, %dma_wait3A_97] : memref<10000x128xf32, #tpu.memory_space<hbm>> -> memref<10000x128xf32, #tpu.memory_space<hbm>>
      tpu.wait_indirect_dma semaphore(%arg12 : memref<!tpu.dma_semaphore, #tpu.memory_space<semaphore_mem>>) src(%dma_wait3A_98 : memref<10000x128xf32, #tpu.memory_space<hbm>>) dst(%arg9 : memref<128x128xf32, #tpu.memory_space<vmem>>)
      %add3A_99 = arith.constant 4 : i32
      %add3A_100 = arith.addi %mul3A_15, %add3A_99 : i32
      "tpu.region"() ({
        %run_scoped3A = tpu.sem_alloc : memref<!tpu.dma_semaphore, #tpu.memory_space<semaphore_mem>>
        %dma_start3A_142 = arith.constant 0 : i32
        %dma_start3A_143 = tpu.memref_slice %arg8[%add3A_100, %dma_start3A_142] : memref<80x128xi32, #tpu.memory_space<vmem>> -> memref<1x128xi32, #tpu.memory_space<vmem>>
        %dma_start3A_144 = tpu.memref_squeeze %dma_start3A_143 : memref<1x128xi32, #tpu.memory_space<vmem>> -> memref<128xi32, #tpu.memory_space<vmem>>
        %dma_start3A_145 = arith.constant 0 : i32
        %dma_start3A_146 = arith.constant 0 : i32
        %dma_start3A_147 = tpu.memref_slice %arg11[%dma_start3A_145, %dma_start3A_146] : memref<10240x128xf32, #tpu.memory_space<vmem_shared>> -> memref<10240x128xf32, #tpu.memory_space<vmem_shared>>
        tpu.enqueue_indirect_dma source(%arg9 : memref<128x128xf32, #tpu.memory_space<vmem>>) target(%dma_start3A_147 : memref<10240x128xf32, #tpu.memory_space<vmem_shared>>) offsets(%dma_start3A_144 : memref<128xi32, #tpu.memory_space<vmem>>) semaphore(%run_scoped3A : memref<!tpu.dma_semaphore, #tpu.memory_space<semaphore_mem>>) {add = true}
        %dma_wait3A_148 = arith.constant 0 : i32
        %dma_wait3A_149 = tpu.memref_slice %arg8[%add3A_100, %dma_wait3A_148] : memref<80x128xi32, #tpu.memory_space<vmem>> -> memref<1x128xi32, #tpu.memory_space<vmem>>
        %dma_wait3A_150 = tpu.memref_squeeze %dma_wait3A_149 : memref<1x128xi32, #tpu.memory_space<vmem>> -> memref<128xi32, #tpu.memory_space<vmem>>
        %dma_wait3A_151 = arith.constant 0 : i32
        %dma_wait3A_152 = arith.constant 0 : i32
        %dma_wait3A_153 = tpu.memref_slice %arg11[%dma_wait3A_151, %dma_wait3A_152] : memref<10240x128xf32, #tpu.memory_space<vmem_shared>> -> memref<10240x128xf32, #tpu.memory_space<vmem_shared>>
        tpu.wait_indirect_dma semaphore(%run_scoped3A : memref<!tpu.dma_semaphore, #tpu.memory_space<semaphore_mem>>) src(%arg9 : memref<128x128xf32, #tpu.memory_space<vmem>>) dst(%dma_wait3A_153 : memref<10240x128xf32, #tpu.memory_space<vmem_shared>>)
        tpu.yield
      }) : () -> ()
      %dma_start3A_101 = arith.constant 6 : i32
      %dma_start3A_102 = arith.constant 0 : i32
      %dma_start3A_103 = tpu.memref_slice %arg7[%dma_start3A_101, %dma_start3A_102] : memref<8x128xi32, #tpu.memory_space<vmem>> -> memref<1x128xi32, #tpu.memory_space<vmem>>
      %dma_start3A_104 = tpu.memref_squeeze %dma_start3A_103 : memref<1x128xi32, #tpu.memory_space<vmem>> -> memref<128xi32, #tpu.memory_space<vmem>>
      %dma_start3A_105 = arith.constant 0 : i32
      %dma_start3A_106 = arith.constant 0 : i32
      %dma_start3A_107 = tpu.memref_slice %arg4[%dma_start3A_105, %dma_start3A_106] : memref<10000x128xf32, #tpu.memory_space<hbm>> -> memref<10000x128xf32, #tpu.memory_space<hbm>>
      tpu.enqueue_indirect_dma source(%dma_start3A_107 : memref<10000x128xf32, #tpu.memory_space<hbm>>) target(%arg9 : memref<128x128xf32, #tpu.memory_space<vmem>>) offsets(%dma_start3A_104 : memref<128xi32, #tpu.memory_space<vmem>>) semaphore(%arg12 : memref<!tpu.dma_semaphore, #tpu.memory_space<semaphore_mem>>)
      %dma_wait3A_108 = arith.constant 5 : i32
      %dma_wait3A_109 = arith.constant 0 : i32
      %dma_wait3A_110 = tpu.memref_slice %arg7[%dma_wait3A_108, %dma_wait3A_109] : memref<8x128xi32, #tpu.memory_space<vmem>> -> memref<1x128xi32, #tpu.memory_space<vmem>>
      %dma_wait3A_111 = tpu.memref_squeeze %dma_wait3A_110 : memref<1x128xi32, #tpu.memory_space<vmem>> -> memref<128xi32, #tpu.memory_space<vmem>>
      %dma_wait3A_112 = arith.constant 0 : i32
      %dma_wait3A_113 = arith.constant 0 : i32
      %dma_wait3A_114 = tpu.memref_slice %arg4[%dma_wait3A_112, %dma_wait3A_113] : memref<10000x128xf32, #tpu.memory_space<hbm>> -> memref<10000x128xf32, #tpu.memory_space<hbm>>
      tpu.wait_indirect_dma semaphore(%arg13 : memref<!tpu.dma_semaphore, #tpu.memory_space<semaphore_mem>>) src(%dma_wait3A_114 : memref<10000x128xf32, #tpu.memory_space<hbm>>) dst(%arg10 : memref<128x128xf32, #tpu.memory_space<vmem>>)
      %add3A_115 = arith.constant 5 : i32
      %add3A_116 = arith.addi %mul3A_15, %add3A_115 : i32
      "tpu.region"() ({
        %run_scoped3A = tpu.sem_alloc : memref<!tpu.dma_semaphore, #tpu.memory_space<semaphore_mem>>
        %dma_start3A_142 = arith.constant 0 : i32
        %dma_start3A_143 = tpu.memref_slice %arg8[%add3A_116, %dma_start3A_142] : memref<80x128xi32, #tpu.memory_space<vmem>> -> memref<1x128xi32, #tpu.memory_space<vmem>>
        %dma_start3A_144 = tpu.memref_squeeze %dma_start3A_143 : memref<1x128xi32, #tpu.memory_space<vmem>> -> memref<128xi32, #tpu.memory_space<vmem>>
        %dma_start3A_145 = arith.constant 0 : i32
        %dma_start3A_146 = arith.constant 0 : i32
        %dma_start3A_147 = tpu.memref_slice %arg11[%dma_start3A_145, %dma_start3A_146] : memref<10240x128xf32, #tpu.memory_space<vmem_shared>> -> memref<10240x128xf32, #tpu.memory_space<vmem_shared>>
        tpu.enqueue_indirect_dma source(%arg10 : memref<128x128xf32, #tpu.memory_space<vmem>>) target(%dma_start3A_147 : memref<10240x128xf32, #tpu.memory_space<vmem_shared>>) offsets(%dma_start3A_144 : memref<128xi32, #tpu.memory_space<vmem>>) semaphore(%run_scoped3A : memref<!tpu.dma_semaphore, #tpu.memory_space<semaphore_mem>>) {add = true}
        %dma_wait3A_148 = arith.constant 0 : i32
        %dma_wait3A_149 = tpu.memref_slice %arg8[%add3A_116, %dma_wait3A_148] : memref<80x128xi32, #tpu.memory_space<vmem>> -> memref<1x128xi32, #tpu.memory_space<vmem>>
        %dma_wait3A_150 = tpu.memref_squeeze %dma_wait3A_149 : memref<1x128xi32, #tpu.memory_space<vmem>> -> memref<128xi32, #tpu.memory_space<vmem>>
        %dma_wait3A_151 = arith.constant 0 : i32
        %dma_wait3A_152 = arith.constant 0 : i32
        %dma_wait3A_153 = tpu.memref_slice %arg11[%dma_wait3A_151, %dma_wait3A_152] : memref<10240x128xf32, #tpu.memory_space<vmem_shared>> -> memref<10240x128xf32, #tpu.memory_space<vmem_shared>>
        tpu.wait_indirect_dma semaphore(%run_scoped3A : memref<!tpu.dma_semaphore, #tpu.memory_space<semaphore_mem>>) src(%arg10 : memref<128x128xf32, #tpu.memory_space<vmem>>) dst(%dma_wait3A_153 : memref<10240x128xf32, #tpu.memory_space<vmem_shared>>)
        tpu.yield
      }) : () -> ()
      %dma_start3A_117 = arith.constant 7 : i32
      %dma_start3A_118 = arith.constant 0 : i32
      %dma_start3A_119 = tpu.memref_slice %arg7[%dma_start3A_117, %dma_start3A_118] : memref<8x128xi32, #tpu.memory_space<vmem>> -> memref<1x128xi32, #tpu.memory_space<vmem>>
      %dma_start3A_120 = tpu.memref_squeeze %dma_start3A_119 : memref<1x128xi32, #tpu.memory_space<vmem>> -> memref<128xi32, #tpu.memory_space<vmem>>
      %dma_start3A_121 = arith.constant 0 : i32
      %dma_start3A_122 = arith.constant 0 : i32
      %dma_start3A_123 = tpu.memref_slice %arg4[%dma_start3A_121, %dma_start3A_122] : memref<10000x128xf32, #tpu.memory_space<hbm>> -> memref<10000x128xf32, #tpu.memory_space<hbm>>
      tpu.enqueue_indirect_dma source(%dma_start3A_123 : memref<10000x128xf32, #tpu.memory_space<hbm>>) target(%arg10 : memref<128x128xf32, #tpu.memory_space<vmem>>) offsets(%dma_start3A_120 : memref<128xi32, #tpu.memory_space<vmem>>) semaphore(%arg13 : memref<!tpu.dma_semaphore, #tpu.memory_space<semaphore_mem>>)
      %dma_wait3A_124 = arith.constant 6 : i32
      %dma_wait3A_125 = arith.constant 0 : i32
      %dma_wait3A_126 = tpu.memref_slice %arg7[%dma_wait3A_124, %dma_wait3A_125] : memref<8x128xi32, #tpu.memory_space<vmem>> -> memref<1x128xi32, #tpu.memory_space<vmem>>
      %dma_wait3A_127 = tpu.memref_squeeze %dma_wait3A_126 : memref<1x128xi32, #tpu.memory_space<vmem>> -> memref<128xi32, #tpu.memory_space<vmem>>
      %dma_wait3A_128 = arith.constant 0 : i32
      %dma_wait3A_129 = arith.constant 0 : i32
      %dma_wait3A_130 = tpu.memref_slice %arg4[%dma_wait3A_128, %dma_wait3A_129] : memref<10000x128xf32, #tpu.memory_space<hbm>> -> memref<10000x128xf32, #tpu.memory_space<hbm>>
      tpu.wait_indirect_dma semaphore(%arg12 : memref<!tpu.dma_semaphore, #tpu.memory_space<semaphore_mem>>) src(%dma_wait3A_130 : memref<10000x128xf32, #tpu.memory_space<hbm>>) dst(%arg9 : memref<128x128xf32, #tpu.memory_space<vmem>>)
      %add3A_131 = arith.constant 6 : i32
      %add3A_132 = arith.addi %mul3A_15, %add3A_131 : i32
      "tpu.region"() ({
        %run_scoped3A = tpu.sem_alloc : memref<!tpu.dma_semaphore, #tpu.memory_space<semaphore_mem>>
        %dma_start3A_142 = arith.constant 0 : i32
        %dma_start3A_143 = tpu.memref_slice %arg8[%add3A_132, %dma_start3A_142] : memref<80x128xi32, #tpu.memory_space<vmem>> -> memref<1x128xi32, #tpu.memory_space<vmem>>
        %dma_start3A_144 = tpu.memref_squeeze %dma_start3A_143 : memref<1x128xi32, #tpu.memory_space<vmem>> -> memref<128xi32, #tpu.memory_space<vmem>>
        %dma_start3A_145 = arith.constant 0 : i32
        %dma_start3A_146 = arith.constant 0 : i32
        %dma_start3A_147 = tpu.memref_slice %arg11[%dma_start3A_145, %dma_start3A_146] : memref<10240x128xf32, #tpu.memory_space<vmem_shared>> -> memref<10240x128xf32, #tpu.memory_space<vmem_shared>>
        tpu.enqueue_indirect_dma source(%arg9 : memref<128x128xf32, #tpu.memory_space<vmem>>) target(%dma_start3A_147 : memref<10240x128xf32, #tpu.memory_space<vmem_shared>>) offsets(%dma_start3A_144 : memref<128xi32, #tpu.memory_space<vmem>>) semaphore(%run_scoped3A : memref<!tpu.dma_semaphore, #tpu.memory_space<semaphore_mem>>) {add = true}
        %dma_wait3A_148 = arith.constant 0 : i32
        %dma_wait3A_149 = tpu.memref_slice %arg8[%add3A_132, %dma_wait3A_148] : memref<80x128xi32, #tpu.memory_space<vmem>> -> memref<1x128xi32, #tpu.memory_space<vmem>>
        %dma_wait3A_150 = tpu.memref_squeeze %dma_wait3A_149 : memref<1x128xi32, #tpu.memory_space<vmem>> -> memref<128xi32, #tpu.memory_space<vmem>>
        %dma_wait3A_151 = arith.constant 0 : i32
        %dma_wait3A_152 = arith.constant 0 : i32
        %dma_wait3A_153 = tpu.memref_slice %arg11[%dma_wait3A_151, %dma_wait3A_152] : memref<10240x128xf32, #tpu.memory_space<vmem_shared>> -> memref<10240x128xf32, #tpu.memory_space<vmem_shared>>
        tpu.wait_indirect_dma semaphore(%run_scoped3A : memref<!tpu.dma_semaphore, #tpu.memory_space<semaphore_mem>>) src(%arg9 : memref<128x128xf32, #tpu.memory_space<vmem>>) dst(%dma_wait3A_153 : memref<10240x128xf32, #tpu.memory_space<vmem_shared>>)
        tpu.yield
      }) : () -> ()
      %dma_wait3A_133 = arith.constant 7 : i32
      %dma_wait3A_134 = arith.constant 0 : i32
      %dma_wait3A_135 = tpu.memref_slice %arg7[%dma_wait3A_133, %dma_wait3A_134] : memref<8x128xi32, #tpu.memory_space<vmem>> -> memref<1x128xi32, #tpu.memory_space<vmem>>
      %dma_wait3A_136 = tpu.memref_squeeze %dma_wait3A_135 : memref<1x128xi32, #tpu.memory_space<vmem>> -> memref<128xi32, #tpu.memory_space<vmem>>
      %dma_wait3A_137 = arith.constant 0 : i32
      %dma_wait3A_138 = arith.constant 0 : i32
      %dma_wait3A_139 = tpu.memref_slice %arg4[%dma_wait3A_137, %dma_wait3A_138] : memref<10000x128xf32, #tpu.memory_space<hbm>> -> memref<10000x128xf32, #tpu.memory_space<hbm>>
      tpu.wait_indirect_dma semaphore(%arg13 : memref<!tpu.dma_semaphore, #tpu.memory_space<semaphore_mem>>) src(%dma_wait3A_139 : memref<10000x128xf32, #tpu.memory_space<hbm>>) dst(%arg10 : memref<128x128xf32, #tpu.memory_space<vmem>>)
      %add3A_140 = arith.constant 7 : i32
      %add3A_141 = arith.addi %mul3A_15, %add3A_140 : i32
      "tpu.region"() ({
        %run_scoped3A = tpu.sem_alloc : memref<!tpu.dma_semaphore, #tpu.memory_space<semaphore_mem>>
        %dma_start3A_142 = arith.constant 0 : i32
        %dma_start3A_143 = tpu.memref_slice %arg8[%add3A_141, %dma_start3A_142] : memref<80x128xi32, #tpu.memory_space<vmem>> -> memref<1x128xi32, #tpu.memory_space<vmem>>
        %dma_start3A_144 = tpu.memref_squeeze %dma_start3A_143 : memref<1x128xi32, #tpu.memory_space<vmem>> -> memref<128xi32, #tpu.memory_space<vmem>>
        %dma_start3A_145 = arith.constant 0 : i32
        %dma_start3A_146 = arith.constant 0 : i32
        %dma_start3A_147 = tpu.memref_slice %arg11[%dma_start3A_145, %dma_start3A_146] : memref<10240x128xf32, #tpu.memory_space<vmem_shared>> -> memref<10240x128xf32, #tpu.memory_space<vmem_shared>>
        tpu.enqueue_indirect_dma source(%arg10 : memref<128x128xf32, #tpu.memory_space<vmem>>) target(%dma_start3A_147 : memref<10240x128xf32, #tpu.memory_space<vmem_shared>>) offsets(%dma_start3A_144 : memref<128xi32, #tpu.memory_space<vmem>>) semaphore(%run_scoped3A : memref<!tpu.dma_semaphore, #tpu.memory_space<semaphore_mem>>) {add = true}
        %dma_wait3A_148 = arith.constant 0 : i32
        %dma_wait3A_149 = tpu.memref_slice %arg8[%add3A_141, %dma_wait3A_148] : memref<80x128xi32, #tpu.memory_space<vmem>> -> memref<1x128xi32, #tpu.memory_space<vmem>>
        %dma_wait3A_150 = tpu.memref_squeeze %dma_wait3A_149 : memref<1x128xi32, #tpu.memory_space<vmem>> -> memref<128xi32, #tpu.memory_space<vmem>>
        %dma_wait3A_151 = arith.constant 0 : i32
        %dma_wait3A_152 = arith.constant 0 : i32
        %dma_wait3A_153 = tpu.memref_slice %arg11[%dma_wait3A_151, %dma_wait3A_152] : memref<10240x128xf32, #tpu.memory_space<vmem_shared>> -> memref<10240x128xf32, #tpu.memory_space<vmem_shared>>
        tpu.wait_indirect_dma semaphore(%run_scoped3A : memref<!tpu.dma_semaphore, #tpu.memory_space<semaphore_mem>>) src(%arg10 : memref<128x128xf32, #tpu.memory_space<vmem>>) dst(%dma_wait3A_153 : memref<10240x128xf32, #tpu.memory_space<vmem_shared>>)
        tpu.yield
      }) : () -> ()
    }
    %scan3A_7 = arith.constant 10 : i32
    %barrier3A_8 = arith.constant 0 : index
    tpu.barrier barrier_id(%barrier3A_8)
    %mul3A_9 = arith.constant 640 : i32
    %mul3A_10 = arith.muli %arg1, %mul3A_9 : i32
    %mul3A_11 = arith.constant 640 : i32
    %mul3A_12 = arith.muli %arg1, %mul3A_11 : i32
    "tpu.region"() ({
      %run_scoped3A = tpu.sem_alloc : memref<!tpu.dma_semaphore, #tpu.memory_space<semaphore_mem>>
      %dma_start3A = arith.constant 0 : i32
      %dma_start3A_13 = tpu.memref_slice %arg6[%arg0, %mul3A_12, %dma_start3A] : memref<2x10240x128xf32, #tpu.memory_space<hbm>> -> memref<1x640x128xf32, #tpu.memory_space<hbm>>
      %dma_start3A_14 = tpu.memref_squeeze %dma_start3A_13 : memref<1x640x128xf32, #tpu.memory_space<hbm>> -> memref<640x128xf32, #tpu.memory_space<hbm>>
      %dma_start3A_15 = arith.constant 0 : i32
      %dma_start3A_16 = tpu.memref_slice %arg11[%mul3A_10, %dma_start3A_15] : memref<10240x128xf32, #tpu.memory_space<vmem_shared>> -> memref<640x128xf32, #tpu.memory_space<vmem_shared>>
      tpu.enqueue_dma source(%dma_start3A_16 : memref<640x128xf32, #tpu.memory_space<vmem_shared>>) target(%dma_start3A_14 : memref<640x128xf32, #tpu.memory_space<hbm>>) target_semaphore(%run_scoped3A : memref<!tpu.dma_semaphore, #tpu.memory_space<semaphore_mem>>)
      %dma_wait3A = arith.constant 0 : i32
      %dma_wait3A_17 = tpu.memref_slice %arg6[%arg0, %mul3A_12, %dma_wait3A] : memref<2x10240x128xf32, #tpu.memory_space<hbm>> -> memref<1x640x128xf32, #tpu.memory_space<hbm>>
      %dma_wait3A_18 = tpu.memref_squeeze %dma_wait3A_17 : memref<1x640x128xf32, #tpu.memory_space<hbm>> -> memref<640x128xf32, #tpu.memory_space<hbm>>
      %dma_wait3A_19 = arith.constant 0 : i32
      %dma_wait3A_20 = tpu.memref_slice %arg11[%mul3A_10, %dma_wait3A_19] : memref<10240x128xf32, #tpu.memory_space<vmem_shared>> -> memref<640x128xf32, #tpu.memory_space<vmem_shared>>
      tpu.wait_dma2 semaphore(%run_scoped3A : memref<!tpu.dma_semaphore, #tpu.memory_space<semaphore_mem>>) src(%dma_wait3A_20 : memref<640x128xf32, #tpu.memory_space<vmem_shared>>) dst(%dma_wait3A_18 : memref<640x128xf32, #tpu.memory_space<hbm>>)
      tpu.yield
    }) : () -> ()
    return
  }
}

#map = affine_map<(d0, d1) -> (0, 0, 0)>
#map1 = affine_map<(d0, d1) -> (0, 0)>
module attributes {stable_mosaic.version = 14 : i64} {
  func.func @sc_aggregate(%arg0: i32, %arg1: i32, %arg2: memref<32x80x128xi32, #tpu.memory_space<hbm>>, %arg3: memref<32x80x128xi32, #tpu.memory_space<hbm>>, %arg4: memref<10000x128xf32, #tpu.memory_space<hbm>>, %arg5: memref<640x128xf32, #tpu.memory_space<hbm>>, %arg6: memref<2x10240x128xf32, #tpu.memory_space<hbm>>, %arg7: memref<8x128xi32, #tpu.memory_space<vmem>>, %arg8: memref<80x128xi32, #tpu.memory_space<vmem>>, %arg9: memref<128x128xf32, #tpu.memory_space<vmem>>, %arg10: memref<128x128xf32, #tpu.memory_space<vmem>>, %arg11: memref<10240x128xf32, #tpu.memory_space<vmem_shared>>, %arg12: memref<!tpu.dma_semaphore, #tpu.memory_space<semaphore_mem>>, %arg13: memref<!tpu.dma_semaphore, #tpu.memory_space<semaphore_mem>>) attributes {dimension_semantics = [#tpu.dimension_semantics<core_parallel>, #tpu.dimension_semantics<subcore_parallel>], iteration_bounds = array<i64: 2, 16>, scalar_prefetch = 0 : i64, scratch_operands = 7 : i64, tpu.core_type = #tpu.core_type<sc_vector_subcore>, window_params = [{transform_indices = #map}, {transform_indices = #map}, {transform_indices = #map1}, {transform_indices = #map1}, {transform_indices = #map}]} {
    %mul3A = arith.constant 16 : i32
    %mul3A_0 = arith.muli %arg0, %mul3A : i32
    %add3A = arith.addi %mul3A_0, %arg1 : i32
    "tpu.region"() ({
      %run_scoped3A = tpu.sem_alloc : memref<!tpu.dma_semaphore, #tpu.memory_space<semaphore_mem>>
      %dma_start3A = arith.constant 0 : i32
      %dma_start3A_13 = arith.constant 0 : i32
      %dma_start3A_14 = tpu.memref_slice %arg3[%add3A, %dma_start3A, %dma_start3A_13] : memref<32x80x128xi32, #tpu.memory_space<hbm>> -> memref<1x80x128xi32, #tpu.memory_space<hbm>>
      %dma_start3A_15 = tpu.memref_squeeze %dma_start3A_14 : memref<1x80x128xi32, #tpu.memory_space<hbm>> -> memref<80x128xi32, #tpu.memory_space<hbm>>
      %dma_start3A_16 = arith.constant 0 : i32
      %dma_start3A_17 = arith.constant 0 : i32
      %dma_start3A_18 = tpu.memref_slice %arg3[%add3A, %dma_start3A_16, %dma_start3A_17] : memref<32x80x128xi32, #tpu.memory_space<hbm>> -> memref<1x80x128xi32, #tpu.memory_space<hbm>>
      %dma_start3A_19 = tpu.memref_squeeze %dma_start3A_18 : memref<1x80x128xi32, #tpu.memory_space<hbm>> -> memref<80x128xi32, #tpu.memory_space<hbm>>
      tpu.enqueue_dma source(%dma_start3A_19 : memref<80x128xi32, #tpu.memory_space<hbm>>) target(%arg8 : memref<80x128xi32, #tpu.memory_space<vmem>>) target_semaphore(%run_scoped3A : memref<!tpu.dma_semaphore, #tpu.memory_space<semaphore_mem>>)
      %dma_wait3A = arith.constant 0 : i32
      %dma_wait3A_20 = arith.constant 0 : i32
      %dma_wait3A_21 = tpu.memref_slice %arg3[%add3A, %dma_wait3A, %dma_wait3A_20] : memref<32x80x128xi32, #tpu.memory_space<hbm>> -> memref<1x80x128xi32, #tpu.memory_space<hbm>>
      %dma_wait3A_22 = tpu.memref_squeeze %dma_wait3A_21 : memref<1x80x128xi32, #tpu.memory_space<hbm>> -> memref<80x128xi32, #tpu.memory_space<hbm>>
      %dma_wait3A_23 = arith.constant 0 : i32
      %dma_wait3A_24 = arith.constant 0 : i32
      %dma_wait3A_25 = tpu.memref_slice %arg3[%add3A, %dma_wait3A_23, %dma_wait3A_24] : memref<32x80x128xi32, #tpu.memory_space<hbm>> -> memref<1x80x128xi32, #tpu.memory_space<hbm>>
      %dma_wait3A_26 = tpu.memref_squeeze %dma_wait3A_25 : memref<1x80x128xi32, #tpu.memory_space<hbm>> -> memref<80x128xi32, #tpu.memory_space<hbm>>
      tpu.wait_dma2 semaphore(%run_scoped3A : memref<!tpu.dma_semaphore, #tpu.memory_space<semaphore_mem>>) src(%dma_wait3A_26 : memref<80x128xi32, #tpu.memory_space<hbm>>) dst(%arg8 : memref<80x128xi32, #tpu.memory_space<vmem>>)
      tpu.yield
    }) : () -> ()
    %mul3A_1 = arith.constant 640 : i32
    %mul3A_2 = arith.muli %arg1, %mul3A_1 : i32
    "tpu.region"() ({
      %run_scoped3A = tpu.sem_alloc : memref<!tpu.dma_semaphore, #tpu.memory_space<semaphore_mem>>
      %dma_start3A = arith.constant 0 : i32
      %dma_start3A_13 = tpu.memref_slice %arg11[%mul3A_2, %dma_start3A] : memref<10240x128xf32, #tpu.memory_space<vmem_shared>> -> memref<640x128xf32, #tpu.memory_space<vmem_shared>>
      tpu.enqueue_dma source(%arg5 : memref<640x128xf32, #tpu.memory_space<hbm>>) target(%dma_start3A_13 : memref<640x128xf32, #tpu.memory_space<vmem_shared>>) target_semaphore(%run_scoped3A : memref<!tpu.dma_semaphore, #tpu.memory_space<semaphore_mem>>)
      %dma_wait3A = arith.constant 0 : i32
      %dma_wait3A_14 = tpu.memref_slice %arg11[%mul3A_2, %dma_wait3A] : memref<10240x128xf32, #tpu.memory_space<vmem_shared>> -> memref<640x128xf32, #tpu.memory_space<vmem_shared>>
      tpu.wait_dma2 semaphore(%run_scoped3A : memref<!tpu.dma_semaphore, #tpu.memory_space<semaphore_mem>>) src(%arg5 : memref<640x128xf32, #tpu.memory_space<hbm>>) dst(%dma_wait3A_14 : memref<640x128xf32, #tpu.memory_space<vmem_shared>>)
      tpu.yield
    }) : () -> ()
    %barrier3A = arith.constant 0 : index
    tpu.barrier barrier_id(%barrier3A)
    %scan3A = arith.constant 0 : i32
    %scan3A_3 = arith.constant 0 : i32
    %scan3A_4 = arith.constant 10 : i32
    %scan3A_5 = arith.addi %scan3A_3, %scan3A_4 : i32
    %scan3A_6 = arith.constant 1 : i32
    scf.for %scan3A_13 = %scan3A_3 to %scan3A_5 step %scan3A_6  : i32 {
      %mul3A_14 = arith.constant 8 : i32
      %mul3A_15 = arith.muli %scan3A_13, %mul3A_14 : i32
      "tpu.region"() ({
        %run_scoped3A = tpu.sem_alloc : memref<!tpu.dma_semaphore, #tpu.memory_space<semaphore_mem>>
        %dma_start3A_142 = arith.constant 0 : i32
        %dma_start3A_143 = tpu.memref_slice %arg2[%add3A, %mul3A_15, %dma_start3A_142] : memref<32x80x128xi32, #tpu.memory_space<hbm>> -> memref<1x8x128xi32, #tpu.memory_space<hbm>>
        %dma_start3A_144 = tpu.memref_squeeze %dma_start3A_143 : memref<1x8x128xi32, #tpu.memory_space<hbm>> -> memref<8x128xi32, #tpu.memory_space<hbm>>
        %dma_start3A_145 = arith.constant 0 : i32
        %dma_start3A_146 = tpu.memref_slice %arg2[%add3A, %mul3A_15, %dma_start3A_145] : memref<32x80x128xi32, #tpu.memory_space<hbm>> -> memref<1x8x128xi32, #tpu.memory_space<hbm>>
        %dma_start3A_147 = tpu.memref_squeeze %dma_start3A_146 : memref<1x8x128xi32, #tpu.memory_space<hbm>> -> memref<8x128xi32, #tpu.memory_space<hbm>>
        tpu.enqueue_dma source(%dma_start3A_147 : memref<8x128xi32, #tpu.memory_space<hbm>>) target(%arg7 : memref<8x128xi32, #tpu.memory_space<vmem>>) target_semaphore(%run_scoped3A : memref<!tpu.dma_semaphore, #tpu.memory_space<semaphore_mem>>)
        %dma_wait3A_148 = arith.constant 0 : i32
        %dma_wait3A_149 = tpu.memref_slice %arg2[%add3A, %mul3A_15, %dma_wait3A_148] : memref<32x80x128xi32, #tpu.memory_space<hbm>> -> memref<1x8x128xi32, #tpu.memory_space<hbm>>
        %dma_wait3A_150 = tpu.memref_squeeze %dma_wait3A_149 : memref<1x8x128xi32, #tpu.memory_space<hbm>> -> memref<8x128xi32, #tpu.memory_space<hbm>>
        %dma_wait3A_151 = arith.constant 0 : i32
        %dma_wait3A_152 = tpu.memref_slice %arg2[%add3A, %mul3A_15, %dma_wait3A_151] : memref<32x80x128xi32, #tpu.memory_space<hbm>> -> memref<1x8x128xi32, #tpu.memory_space<hbm>>
        %dma_wait3A_153 = tpu.memref_squeeze %dma_wait3A_152 : memref<1x8x128xi32, #tpu.memory_space<hbm>> -> memref<8x128xi32, #tpu.memory_space<hbm>>
        tpu.wait_dma2 semaphore(%run_scoped3A : memref<!tpu.dma_semaphore, #tpu.memory_space<semaphore_mem>>) src(%dma_wait3A_153 : memref<8x128xi32, #tpu.memory_space<hbm>>) dst(%arg7 : memref<8x128xi32, #tpu.memory_space<vmem>>)
        tpu.yield
      }) : () -> ()
      %dma_start3A = arith.constant 0 : i32
      %dma_start3A_16 = arith.constant 0 : i32
      %dma_start3A_17 = tpu.memref_slice %arg7[%dma_start3A, %dma_start3A_16] : memref<8x128xi32, #tpu.memory_space<vmem>> -> memref<1x128xi32, #tpu.memory_space<vmem>>
      %dma_start3A_18 = tpu.memref_squeeze %dma_start3A_17 : memref<1x128xi32, #tpu.memory_space<vmem>> -> memref<128xi32, #tpu.memory_space<vmem>>
      %dma_start3A_19 = arith.constant 0 : i32
      %dma_start3A_20 = arith.constant 0 : i32
      %dma_start3A_21 = tpu.memref_slice %arg4[%dma_start3A_19, %dma_start3A_20] : memref<10000x128xf32, #tpu.memory_space<hbm>> -> memref<10000x128xf32, #tpu.memory_space<hbm>>
      tpu.enqueue_indirect_dma source(%dma_start3A_21 : memref<10000x128xf32, #tpu.memory_space<hbm>>) target(%arg9 : memref<128x128xf32, #tpu.memory_space<vmem>>) offsets(%dma_start3A_18 : memref<128xi32, #tpu.memory_space<vmem>>) semaphore(%arg12 : memref<!tpu.dma_semaphore, #tpu.memory_space<semaphore_mem>>)
      %dma_start3A_22 = arith.constant 1 : i32
      %dma_start3A_23 = arith.constant 0 : i32
      %dma_start3A_24 = tpu.memref_slice %arg7[%dma_start3A_22, %dma_start3A_23] : memref<8x128xi32, #tpu.memory_space<vmem>> -> memref<1x128xi32, #tpu.memory_space<vmem>>
      %dma_start3A_25 = tpu.memref_squeeze %dma_start3A_24 : memref<1x128xi32, #tpu.memory_space<vmem>> -> memref<128xi32, #tpu.memory_space<vmem>>
      %dma_start3A_26 = arith.constant 0 : i32
      %dma_start3A_27 = arith.constant 0 : i32
      %dma_start3A_28 = tpu.memref_slice %arg4[%dma_start3A_26, %dma_start3A_27] : memref<10000x128xf32, #tpu.memory_space<hbm>> -> memref<10000x128xf32, #tpu.memory_space<hbm>>
      tpu.enqueue_indirect_dma source(%dma_start3A_28 : memref<10000x128xf32, #tpu.memory_space<hbm>>) target(%arg10 : memref<128x128xf32, #tpu.memory_space<vmem>>) offsets(%dma_start3A_25 : memref<128xi32, #tpu.memory_space<vmem>>) semaphore(%arg13 : memref<!tpu.dma_semaphore, #tpu.memory_space<semaphore_mem>>)
      %dma_wait3A = arith.constant 0 : i32
      %dma_wait3A_29 = arith.constant 0 : i32
      %dma_wait3A_30 = tpu.memref_slice %arg7[%dma_wait3A, %dma_wait3A_29] : memref<8x128xi32, #tpu.memory_space<vmem>> -> memref<1x128xi32, #tpu.memory_space<vmem>>
      %dma_wait3A_31 = tpu.memref_squeeze %dma_wait3A_30 : memref<1x128xi32, #tpu.memory_space<vmem>> -> memref<128xi32, #tpu.memory_space<vmem>>
      %dma_wait3A_32 = arith.constant 0 : i32
      %dma_wait3A_33 = arith.constant 0 : i32
      %dma_wait3A_34 = tpu.memref_slice %arg4[%dma_wait3A_32, %dma_wait3A_33] : memref<10000x128xf32, #tpu.memory_space<hbm>> -> memref<10000x128xf32, #tpu.memory_space<hbm>>
      tpu.wait_indirect_dma semaphore(%arg12 : memref<!tpu.dma_semaphore, #tpu.memory_space<semaphore_mem>>) src(%dma_wait3A_34 : memref<10000x128xf32, #tpu.memory_space<hbm>>) dst(%arg9 : memref<128x128xf32, #tpu.memory_space<vmem>>)
      %add3A_35 = arith.constant 0 : i32
      %add3A_36 = arith.addi %mul3A_15, %add3A_35 : i32
      "tpu.region"() ({
        %run_scoped3A = tpu.sem_alloc : memref<!tpu.dma_semaphore, #tpu.memory_space<semaphore_mem>>
        %dma_start3A_142 = arith.constant 0 : i32
        %dma_start3A_143 = tpu.memref_slice %arg8[%add3A_36, %dma_start3A_142] : memref<80x128xi32, #tpu.memory_space<vmem>> -> memref<1x128xi32, #tpu.memory_space<vmem>>
        %dma_start3A_144 = tpu.memref_squeeze %dma_start3A_143 : memref<1x128xi32, #tpu.memory_space<vmem>> -> memref<128xi32, #tpu.memory_space<vmem>>
        %dma_start3A_145 = arith.constant 0 : i32
        %dma_start3A_146 = arith.constant 0 : i32
        %dma_start3A_147 = tpu.memref_slice %arg11[%dma_start3A_145, %dma_start3A_146] : memref<10240x128xf32, #tpu.memory_space<vmem_shared>> -> memref<10240x128xf32, #tpu.memory_space<vmem_shared>>
        tpu.enqueue_indirect_dma source(%arg9 : memref<128x128xf32, #tpu.memory_space<vmem>>) target(%dma_start3A_147 : memref<10240x128xf32, #tpu.memory_space<vmem_shared>>) offsets(%dma_start3A_144 : memref<128xi32, #tpu.memory_space<vmem>>) semaphore(%run_scoped3A : memref<!tpu.dma_semaphore, #tpu.memory_space<semaphore_mem>>) {add = true}
        %dma_wait3A_148 = arith.constant 0 : i32
        %dma_wait3A_149 = tpu.memref_slice %arg8[%add3A_36, %dma_wait3A_148] : memref<80x128xi32, #tpu.memory_space<vmem>> -> memref<1x128xi32, #tpu.memory_space<vmem>>
        %dma_wait3A_150 = tpu.memref_squeeze %dma_wait3A_149 : memref<1x128xi32, #tpu.memory_space<vmem>> -> memref<128xi32, #tpu.memory_space<vmem>>
        %dma_wait3A_151 = arith.constant 0 : i32
        %dma_wait3A_152 = arith.constant 0 : i32
        %dma_wait3A_153 = tpu.memref_slice %arg11[%dma_wait3A_151, %dma_wait3A_152] : memref<10240x128xf32, #tpu.memory_space<vmem_shared>> -> memref<10240x128xf32, #tpu.memory_space<vmem_shared>>
        tpu.wait_indirect_dma semaphore(%run_scoped3A : memref<!tpu.dma_semaphore, #tpu.memory_space<semaphore_mem>>) src(%arg9 : memref<128x128xf32, #tpu.memory_space<vmem>>) dst(%dma_wait3A_153 : memref<10240x128xf32, #tpu.memory_space<vmem_shared>>)
        tpu.yield
      }) : () -> ()
      %dma_start3A_37 = arith.constant 2 : i32
      %dma_start3A_38 = arith.constant 0 : i32
      %dma_start3A_39 = tpu.memref_slice %arg7[%dma_start3A_37, %dma_start3A_38] : memref<8x128xi32, #tpu.memory_space<vmem>> -> memref<1x128xi32, #tpu.memory_space<vmem>>
      %dma_start3A_40 = tpu.memref_squeeze %dma_start3A_39 : memref<1x128xi32, #tpu.memory_space<vmem>> -> memref<128xi32, #tpu.memory_space<vmem>>
      %dma_start3A_41 = arith.constant 0 : i32
      %dma_start3A_42 = arith.constant 0 : i32
      %dma_start3A_43 = tpu.memref_slice %arg4[%dma_start3A_41, %dma_start3A_42] : memref<10000x128xf32, #tpu.memory_space<hbm>> -> memref<10000x128xf32, #tpu.memory_space<hbm>>
      tpu.enqueue_indirect_dma source(%dma_start3A_43 : memref<10000x128xf32, #tpu.memory_space<hbm>>) target(%arg9 : memref<128x128xf32, #tpu.memory_space<vmem>>) offsets(%dma_start3A_40 : memref<128xi32, #tpu.memory_space<vmem>>) semaphore(%arg12 : memref<!tpu.dma_semaphore, #tpu.memory_space<semaphore_mem>>)
      %dma_wait3A_44 = arith.constant 1 : i32
      %dma_wait3A_45 = arith.constant 0 : i32
      %dma_wait3A_46 = tpu.memref_slice %arg7[%dma_wait3A_44, %dma_wait3A_45] : memref<8x128xi32, #tpu.memory_space<vmem>> -> memref<1x128xi32, #tpu.memory_space<vmem>>
      %dma_wait3A_47 = tpu.memref_squeeze %dma_wait3A_46 : memref<1x128xi32, #tpu.memory_space<vmem>> -> memref<128xi32, #tpu.memory_space<vmem>>
      %dma_wait3A_48 = arith.constant 0 : i32
      %dma_wait3A_49 = arith.constant 0 : i32
      %dma_wait3A_50 = tpu.memref_slice %arg4[%dma_wait3A_48, %dma_wait3A_49] : memref<10000x128xf32, #tpu.memory_space<hbm>> -> memref<10000x128xf32, #tpu.memory_space<hbm>>
      tpu.wait_indirect_dma semaphore(%arg13 : memref<!tpu.dma_semaphore, #tpu.memory_space<semaphore_mem>>) src(%dma_wait3A_50 : memref<10000x128xf32, #tpu.memory_space<hbm>>) dst(%arg10 : memref<128x128xf32, #tpu.memory_space<vmem>>)
      %add3A_51 = arith.constant 1 : i32
      %add3A_52 = arith.addi %mul3A_15, %add3A_51 : i32
      "tpu.region"() ({
        %run_scoped3A = tpu.sem_alloc : memref<!tpu.dma_semaphore, #tpu.memory_space<semaphore_mem>>
        %dma_start3A_142 = arith.constant 0 : i32
        %dma_start3A_143 = tpu.memref_slice %arg8[%add3A_52, %dma_start3A_142] : memref<80x128xi32, #tpu.memory_space<vmem>> -> memref<1x128xi32, #tpu.memory_space<vmem>>
        %dma_start3A_144 = tpu.memref_squeeze %dma_start3A_143 : memref<1x128xi32, #tpu.memory_space<vmem>> -> memref<128xi32, #tpu.memory_space<vmem>>
        %dma_start3A_145 = arith.constant 0 : i32
        %dma_start3A_146 = arith.constant 0 : i32
        %dma_start3A_147 = tpu.memref_slice %arg11[%dma_start3A_145, %dma_start3A_146] : memref<10240x128xf32, #tpu.memory_space<vmem_shared>> -> memref<10240x128xf32, #tpu.memory_space<vmem_shared>>
        tpu.enqueue_indirect_dma source(%arg10 : memref<128x128xf32, #tpu.memory_space<vmem>>) target(%dma_start3A_147 : memref<10240x128xf32, #tpu.memory_space<vmem_shared>>) offsets(%dma_start3A_144 : memref<128xi32, #tpu.memory_space<vmem>>) semaphore(%run_scoped3A : memref<!tpu.dma_semaphore, #tpu.memory_space<semaphore_mem>>) {add = true}
        %dma_wait3A_148 = arith.constant 0 : i32
        %dma_wait3A_149 = tpu.memref_slice %arg8[%add3A_52, %dma_wait3A_148] : memref<80x128xi32, #tpu.memory_space<vmem>> -> memref<1x128xi32, #tpu.memory_space<vmem>>
        %dma_wait3A_150 = tpu.memref_squeeze %dma_wait3A_149 : memref<1x128xi32, #tpu.memory_space<vmem>> -> memref<128xi32, #tpu.memory_space<vmem>>
        %dma_wait3A_151 = arith.constant 0 : i32
        %dma_wait3A_152 = arith.constant 0 : i32
        %dma_wait3A_153 = tpu.memref_slice %arg11[%dma_wait3A_151, %dma_wait3A_152] : memref<10240x128xf32, #tpu.memory_space<vmem_shared>> -> memref<10240x128xf32, #tpu.memory_space<vmem_shared>>
        tpu.wait_indirect_dma semaphore(%run_scoped3A : memref<!tpu.dma_semaphore, #tpu.memory_space<semaphore_mem>>) src(%arg10 : memref<128x128xf32, #tpu.memory_space<vmem>>) dst(%dma_wait3A_153 : memref<10240x128xf32, #tpu.memory_space<vmem_shared>>)
        tpu.yield
      }) : () -> ()
      %dma_start3A_53 = arith.constant 3 : i32
      %dma_start3A_54 = arith.constant 0 : i32
      %dma_start3A_55 = tpu.memref_slice %arg7[%dma_start3A_53, %dma_start3A_54] : memref<8x128xi32, #tpu.memory_space<vmem>> -> memref<1x128xi32, #tpu.memory_space<vmem>>
      %dma_start3A_56 = tpu.memref_squeeze %dma_start3A_55 : memref<1x128xi32, #tpu.memory_space<vmem>> -> memref<128xi32, #tpu.memory_space<vmem>>
      %dma_start3A_57 = arith.constant 0 : i32
      %dma_start3A_58 = arith.constant 0 : i32
      %dma_start3A_59 = tpu.memref_slice %arg4[%dma_start3A_57, %dma_start3A_58] : memref<10000x128xf32, #tpu.memory_space<hbm>> -> memref<10000x128xf32, #tpu.memory_space<hbm>>
      tpu.enqueue_indirect_dma source(%dma_start3A_59 : memref<10000x128xf32, #tpu.memory_space<hbm>>) target(%arg10 : memref<128x128xf32, #tpu.memory_space<vmem>>) offsets(%dma_start3A_56 : memref<128xi32, #tpu.memory_space<vmem>>) semaphore(%arg13 : memref<!tpu.dma_semaphore, #tpu.memory_space<semaphore_mem>>)
      %dma_wait3A_60 = arith.constant 2 : i32
      %dma_wait3A_61 = arith.constant 0 : i32
      %dma_wait3A_62 = tpu.memref_slice %arg7[%dma_wait3A_60, %dma_wait3A_61] : memref<8x128xi32, #tpu.memory_space<vmem>> -> memref<1x128xi32, #tpu.memory_space<vmem>>
      %dma_wait3A_63 = tpu.memref_squeeze %dma_wait3A_62 : memref<1x128xi32, #tpu.memory_space<vmem>> -> memref<128xi32, #tpu.memory_space<vmem>>
      %dma_wait3A_64 = arith.constant 0 : i32
      %dma_wait3A_65 = arith.constant 0 : i32
      %dma_wait3A_66 = tpu.memref_slice %arg4[%dma_wait3A_64, %dma_wait3A_65] : memref<10000x128xf32, #tpu.memory_space<hbm>> -> memref<10000x128xf32, #tpu.memory_space<hbm>>
      tpu.wait_indirect_dma semaphore(%arg12 : memref<!tpu.dma_semaphore, #tpu.memory_space<semaphore_mem>>) src(%dma_wait3A_66 : memref<10000x128xf32, #tpu.memory_space<hbm>>) dst(%arg9 : memref<128x128xf32, #tpu.memory_space<vmem>>)
      %add3A_67 = arith.constant 2 : i32
      %add3A_68 = arith.addi %mul3A_15, %add3A_67 : i32
      "tpu.region"() ({
        %run_scoped3A = tpu.sem_alloc : memref<!tpu.dma_semaphore, #tpu.memory_space<semaphore_mem>>
        %dma_start3A_142 = arith.constant 0 : i32
        %dma_start3A_143 = tpu.memref_slice %arg8[%add3A_68, %dma_start3A_142] : memref<80x128xi32, #tpu.memory_space<vmem>> -> memref<1x128xi32, #tpu.memory_space<vmem>>
        %dma_start3A_144 = tpu.memref_squeeze %dma_start3A_143 : memref<1x128xi32, #tpu.memory_space<vmem>> -> memref<128xi32, #tpu.memory_space<vmem>>
        %dma_start3A_145 = arith.constant 0 : i32
        %dma_start3A_146 = arith.constant 0 : i32
        %dma_start3A_147 = tpu.memref_slice %arg11[%dma_start3A_145, %dma_start3A_146] : memref<10240x128xf32, #tpu.memory_space<vmem_shared>> -> memref<10240x128xf32, #tpu.memory_space<vmem_shared>>
        tpu.enqueue_indirect_dma source(%arg9 : memref<128x128xf32, #tpu.memory_space<vmem>>) target(%dma_start3A_147 : memref<10240x128xf32, #tpu.memory_space<vmem_shared>>) offsets(%dma_start3A_144 : memref<128xi32, #tpu.memory_space<vmem>>) semaphore(%run_scoped3A : memref<!tpu.dma_semaphore, #tpu.memory_space<semaphore_mem>>) {add = true}
        %dma_wait3A_148 = arith.constant 0 : i32
        %dma_wait3A_149 = tpu.memref_slice %arg8[%add3A_68, %dma_wait3A_148] : memref<80x128xi32, #tpu.memory_space<vmem>> -> memref<1x128xi32, #tpu.memory_space<vmem>>
        %dma_wait3A_150 = tpu.memref_squeeze %dma_wait3A_149 : memref<1x128xi32, #tpu.memory_space<vmem>> -> memref<128xi32, #tpu.memory_space<vmem>>
        %dma_wait3A_151 = arith.constant 0 : i32
        %dma_wait3A_152 = arith.constant 0 : i32
        %dma_wait3A_153 = tpu.memref_slice %arg11[%dma_wait3A_151, %dma_wait3A_152] : memref<10240x128xf32, #tpu.memory_space<vmem_shared>> -> memref<10240x128xf32, #tpu.memory_space<vmem_shared>>
        tpu.wait_indirect_dma semaphore(%run_scoped3A : memref<!tpu.dma_semaphore, #tpu.memory_space<semaphore_mem>>) src(%arg9 : memref<128x128xf32, #tpu.memory_space<vmem>>) dst(%dma_wait3A_153 : memref<10240x128xf32, #tpu.memory_space<vmem_shared>>)
        tpu.yield
      }) : () -> ()
      %dma_start3A_69 = arith.constant 4 : i32
      %dma_start3A_70 = arith.constant 0 : i32
      %dma_start3A_71 = tpu.memref_slice %arg7[%dma_start3A_69, %dma_start3A_70] : memref<8x128xi32, #tpu.memory_space<vmem>> -> memref<1x128xi32, #tpu.memory_space<vmem>>
      %dma_start3A_72 = tpu.memref_squeeze %dma_start3A_71 : memref<1x128xi32, #tpu.memory_space<vmem>> -> memref<128xi32, #tpu.memory_space<vmem>>
      %dma_start3A_73 = arith.constant 0 : i32
      %dma_start3A_74 = arith.constant 0 : i32
      %dma_start3A_75 = tpu.memref_slice %arg4[%dma_start3A_73, %dma_start3A_74] : memref<10000x128xf32, #tpu.memory_space<hbm>> -> memref<10000x128xf32, #tpu.memory_space<hbm>>
      tpu.enqueue_indirect_dma source(%dma_start3A_75 : memref<10000x128xf32, #tpu.memory_space<hbm>>) target(%arg9 : memref<128x128xf32, #tpu.memory_space<vmem>>) offsets(%dma_start3A_72 : memref<128xi32, #tpu.memory_space<vmem>>) semaphore(%arg12 : memref<!tpu.dma_semaphore, #tpu.memory_space<semaphore_mem>>)
      %dma_wait3A_76 = arith.constant 3 : i32
      %dma_wait3A_77 = arith.constant 0 : i32
      %dma_wait3A_78 = tpu.memref_slice %arg7[%dma_wait3A_76, %dma_wait3A_77] : memref<8x128xi32, #tpu.memory_space<vmem>> -> memref<1x128xi32, #tpu.memory_space<vmem>>
      %dma_wait3A_79 = tpu.memref_squeeze %dma_wait3A_78 : memref<1x128xi32, #tpu.memory_space<vmem>> -> memref<128xi32, #tpu.memory_space<vmem>>
      %dma_wait3A_80 = arith.constant 0 : i32
      %dma_wait3A_81 = arith.constant 0 : i32
      %dma_wait3A_82 = tpu.memref_slice %arg4[%dma_wait3A_80, %dma_wait3A_81] : memref<10000x128xf32, #tpu.memory_space<hbm>> -> memref<10000x128xf32, #tpu.memory_space<hbm>>
      tpu.wait_indirect_dma semaphore(%arg13 : memref<!tpu.dma_semaphore, #tpu.memory_space<semaphore_mem>>) src(%dma_wait3A_82 : memref<10000x128xf32, #tpu.memory_space<hbm>>) dst(%arg10 : memref<128x128xf32, #tpu.memory_space<vmem>>)
      %add3A_83 = arith.constant 3 : i32
      %add3A_84 = arith.addi %mul3A_15, %add3A_83 : i32
      "tpu.region"() ({
        %run_scoped3A = tpu.sem_alloc : memref<!tpu.dma_semaphore, #tpu.memory_space<semaphore_mem>>
        %dma_start3A_142 = arith.constant 0 : i32
        %dma_start3A_143 = tpu.memref_slice %arg8[%add3A_84, %dma_start3A_142] : memref<80x128xi32, #tpu.memory_space<vmem>> -> memref<1x128xi32, #tpu.memory_space<vmem>>
        %dma_start3A_144 = tpu.memref_squeeze %dma_start3A_143 : memref<1x128xi32, #tpu.memory_space<vmem>> -> memref<128xi32, #tpu.memory_space<vmem>>
        %dma_start3A_145 = arith.constant 0 : i32
        %dma_start3A_146 = arith.constant 0 : i32
        %dma_start3A_147 = tpu.memref_slice %arg11[%dma_start3A_145, %dma_start3A_146] : memref<10240x128xf32, #tpu.memory_space<vmem_shared>> -> memref<10240x128xf32, #tpu.memory_space<vmem_shared>>
        tpu.enqueue_indirect_dma source(%arg10 : memref<128x128xf32, #tpu.memory_space<vmem>>) target(%dma_start3A_147 : memref<10240x128xf32, #tpu.memory_space<vmem_shared>>) offsets(%dma_start3A_144 : memref<128xi32, #tpu.memory_space<vmem>>) semaphore(%run_scoped3A : memref<!tpu.dma_semaphore, #tpu.memory_space<semaphore_mem>>) {add = true}
        %dma_wait3A_148 = arith.constant 0 : i32
        %dma_wait3A_149 = tpu.memref_slice %arg8[%add3A_84, %dma_wait3A_148] : memref<80x128xi32, #tpu.memory_space<vmem>> -> memref<1x128xi32, #tpu.memory_space<vmem>>
        %dma_wait3A_150 = tpu.memref_squeeze %dma_wait3A_149 : memref<1x128xi32, #tpu.memory_space<vmem>> -> memref<128xi32, #tpu.memory_space<vmem>>
        %dma_wait3A_151 = arith.constant 0 : i32
        %dma_wait3A_152 = arith.constant 0 : i32
        %dma_wait3A_153 = tpu.memref_slice %arg11[%dma_wait3A_151, %dma_wait3A_152] : memref<10240x128xf32, #tpu.memory_space<vmem_shared>> -> memref<10240x128xf32, #tpu.memory_space<vmem_shared>>
        tpu.wait_indirect_dma semaphore(%run_scoped3A : memref<!tpu.dma_semaphore, #tpu.memory_space<semaphore_mem>>) src(%arg10 : memref<128x128xf32, #tpu.memory_space<vmem>>) dst(%dma_wait3A_153 : memref<10240x128xf32, #tpu.memory_space<vmem_shared>>)
        tpu.yield
      }) : () -> ()
      %dma_start3A_85 = arith.constant 5 : i32
      %dma_start3A_86 = arith.constant 0 : i32
      %dma_start3A_87 = tpu.memref_slice %arg7[%dma_start3A_85, %dma_start3A_86] : memref<8x128xi32, #tpu.memory_space<vmem>> -> memref<1x128xi32, #tpu.memory_space<vmem>>
      %dma_start3A_88 = tpu.memref_squeeze %dma_start3A_87 : memref<1x128xi32, #tpu.memory_space<vmem>> -> memref<128xi32, #tpu.memory_space<vmem>>
      %dma_start3A_89 = arith.constant 0 : i32
      %dma_start3A_90 = arith.constant 0 : i32
      %dma_start3A_91 = tpu.memref_slice %arg4[%dma_start3A_89, %dma_start3A_90] : memref<10000x128xf32, #tpu.memory_space<hbm>> -> memref<10000x128xf32, #tpu.memory_space<hbm>>
      tpu.enqueue_indirect_dma source(%dma_start3A_91 : memref<10000x128xf32, #tpu.memory_space<hbm>>) target(%arg10 : memref<128x128xf32, #tpu.memory_space<vmem>>) offsets(%dma_start3A_88 : memref<128xi32, #tpu.memory_space<vmem>>) semaphore(%arg13 : memref<!tpu.dma_semaphore, #tpu.memory_space<semaphore_mem>>)
      %dma_wait3A_92 = arith.constant 4 : i32
      %dma_wait3A_93 = arith.constant 0 : i32
      %dma_wait3A_94 = tpu.memref_slice %arg7[%dma_wait3A_92, %dma_wait3A_93] : memref<8x128xi32, #tpu.memory_space<vmem>> -> memref<1x128xi32, #tpu.memory_space<vmem>>
      %dma_wait3A_95 = tpu.memref_squeeze %dma_wait3A_94 : memref<1x128xi32, #tpu.memory_space<vmem>> -> memref<128xi32, #tpu.memory_space<vmem>>
      %dma_wait3A_96 = arith.constant 0 : i32
      %dma_wait3A_97 = arith.constant 0 : i32
      %dma_wait3A_98 = tpu.memref_slice %arg4[%dma_wait3A_96, %dma_wait3A_97] : memref<10000x128xf32, #tpu.memory_space<hbm>> -> memref<10000x128xf32, #tpu.memory_space<hbm>>
      tpu.wait_indirect_dma semaphore(%arg12 : memref<!tpu.dma_semaphore, #tpu.memory_space<semaphore_mem>>) src(%dma_wait3A_98 : memref<10000x128xf32, #tpu.memory_space<hbm>>) dst(%arg9 : memref<128x128xf32, #tpu.memory_space<vmem>>)
      %add3A_99 = arith.constant 4 : i32
      %add3A_100 = arith.addi %mul3A_15, %add3A_99 : i32
      "tpu.region"() ({
        %run_scoped3A = tpu.sem_alloc : memref<!tpu.dma_semaphore, #tpu.memory_space<semaphore_mem>>
        %dma_start3A_142 = arith.constant 0 : i32
        %dma_start3A_143 = tpu.memref_slice %arg8[%add3A_100, %dma_start3A_142] : memref<80x128xi32, #tpu.memory_space<vmem>> -> memref<1x128xi32, #tpu.memory_space<vmem>>
        %dma_start3A_144 = tpu.memref_squeeze %dma_start3A_143 : memref<1x128xi32, #tpu.memory_space<vmem>> -> memref<128xi32, #tpu.memory_space<vmem>>
        %dma_start3A_145 = arith.constant 0 : i32
        %dma_start3A_146 = arith.constant 0 : i32
        %dma_start3A_147 = tpu.memref_slice %arg11[%dma_start3A_145, %dma_start3A_146] : memref<10240x128xf32, #tpu.memory_space<vmem_shared>> -> memref<10240x128xf32, #tpu.memory_space<vmem_shared>>
        tpu.enqueue_indirect_dma source(%arg9 : memref<128x128xf32, #tpu.memory_space<vmem>>) target(%dma_start3A_147 : memref<10240x128xf32, #tpu.memory_space<vmem_shared>>) offsets(%dma_start3A_144 : memref<128xi32, #tpu.memory_space<vmem>>) semaphore(%run_scoped3A : memref<!tpu.dma_semaphore, #tpu.memory_space<semaphore_mem>>) {add = true}
        %dma_wait3A_148 = arith.constant 0 : i32
        %dma_wait3A_149 = tpu.memref_slice %arg8[%add3A_100, %dma_wait3A_148] : memref<80x128xi32, #tpu.memory_space<vmem>> -> memref<1x128xi32, #tpu.memory_space<vmem>>
        %dma_wait3A_150 = tpu.memref_squeeze %dma_wait3A_149 : memref<1x128xi32, #tpu.memory_space<vmem>> -> memref<128xi32, #tpu.memory_space<vmem>>
        %dma_wait3A_151 = arith.constant 0 : i32
        %dma_wait3A_152 = arith.constant 0 : i32
        %dma_wait3A_153 = tpu.memref_slice %arg11[%dma_wait3A_151, %dma_wait3A_152] : memref<10240x128xf32, #tpu.memory_space<vmem_shared>> -> memref<10240x128xf32, #tpu.memory_space<vmem_shared>>
        tpu.wait_indirect_dma semaphore(%run_scoped3A : memref<!tpu.dma_semaphore, #tpu.memory_space<semaphore_mem>>) src(%arg9 : memref<128x128xf32, #tpu.memory_space<vmem>>) dst(%dma_wait3A_153 : memref<10240x128xf32, #tpu.memory_space<vmem_shared>>)
        tpu.yield
      }) : () -> ()
      %dma_start3A_101 = arith.constant 6 : i32
      %dma_start3A_102 = arith.constant 0 : i32
      %dma_start3A_103 = tpu.memref_slice %arg7[%dma_start3A_101, %dma_start3A_102] : memref<8x128xi32, #tpu.memory_space<vmem>> -> memref<1x128xi32, #tpu.memory_space<vmem>>
      %dma_start3A_104 = tpu.memref_squeeze %dma_start3A_103 : memref<1x128xi32, #tpu.memory_space<vmem>> -> memref<128xi32, #tpu.memory_space<vmem>>
      %dma_start3A_105 = arith.constant 0 : i32
      %dma_start3A_106 = arith.constant 0 : i32
      %dma_start3A_107 = tpu.memref_slice %arg4[%dma_start3A_105, %dma_start3A_106] : memref<10000x128xf32, #tpu.memory_space<hbm>> -> memref<10000x128xf32, #tpu.memory_space<hbm>>
      tpu.enqueue_indirect_dma source(%dma_start3A_107 : memref<10000x128xf32, #tpu.memory_space<hbm>>) target(%arg9 : memref<128x128xf32, #tpu.memory_space<vmem>>) offsets(%dma_start3A_104 : memref<128xi32, #tpu.memory_space<vmem>>) semaphore(%arg12 : memref<!tpu.dma_semaphore, #tpu.memory_space<semaphore_mem>>)
      %dma_wait3A_108 = arith.constant 5 : i32
      %dma_wait3A_109 = arith.constant 0 : i32
      %dma_wait3A_110 = tpu.memref_slice %arg7[%dma_wait3A_108, %dma_wait3A_109] : memref<8x128xi32, #tpu.memory_space<vmem>> -> memref<1x128xi32, #tpu.memory_space<vmem>>
      %dma_wait3A_111 = tpu.memref_squeeze %dma_wait3A_110 : memref<1x128xi32, #tpu.memory_space<vmem>> -> memref<128xi32, #tpu.memory_space<vmem>>
      %dma_wait3A_112 = arith.constant 0 : i32
      %dma_wait3A_113 = arith.constant 0 : i32
      %dma_wait3A_114 = tpu.memref_slice %arg4[%dma_wait3A_112, %dma_wait3A_113] : memref<10000x128xf32, #tpu.memory_space<hbm>> -> memref<10000x128xf32, #tpu.memory_space<hbm>>
      tpu.wait_indirect_dma semaphore(%arg13 : memref<!tpu.dma_semaphore, #tpu.memory_space<semaphore_mem>>) src(%dma_wait3A_114 : memref<10000x128xf32, #tpu.memory_space<hbm>>) dst(%arg10 : memref<128x128xf32, #tpu.memory_space<vmem>>)
      %add3A_115 = arith.constant 5 : i32
      %add3A_116 = arith.addi %mul3A_15, %add3A_115 : i32
      "tpu.region"() ({
        %run_scoped3A = tpu.sem_alloc : memref<!tpu.dma_semaphore, #tpu.memory_space<semaphore_mem>>
        %dma_start3A_142 = arith.constant 0 : i32
        %dma_start3A_143 = tpu.memref_slice %arg8[%add3A_116, %dma_start3A_142] : memref<80x128xi32, #tpu.memory_space<vmem>> -> memref<1x128xi32, #tpu.memory_space<vmem>>
        %dma_start3A_144 = tpu.memref_squeeze %dma_start3A_143 : memref<1x128xi32, #tpu.memory_space<vmem>> -> memref<128xi32, #tpu.memory_space<vmem>>
        %dma_start3A_145 = arith.constant 0 : i32
        %dma_start3A_146 = arith.constant 0 : i32
        %dma_start3A_147 = tpu.memref_slice %arg11[%dma_start3A_145, %dma_start3A_146] : memref<10240x128xf32, #tpu.memory_space<vmem_shared>> -> memref<10240x128xf32, #tpu.memory_space<vmem_shared>>
        tpu.enqueue_indirect_dma source(%arg10 : memref<128x128xf32, #tpu.memory_space<vmem>>) target(%dma_start3A_147 : memref<10240x128xf32, #tpu.memory_space<vmem_shared>>) offsets(%dma_start3A_144 : memref<128xi32, #tpu.memory_space<vmem>>) semaphore(%run_scoped3A : memref<!tpu.dma_semaphore, #tpu.memory_space<semaphore_mem>>) {add = true}
        %dma_wait3A_148 = arith.constant 0 : i32
        %dma_wait3A_149 = tpu.memref_slice %arg8[%add3A_116, %dma_wait3A_148] : memref<80x128xi32, #tpu.memory_space<vmem>> -> memref<1x128xi32, #tpu.memory_space<vmem>>
        %dma_wait3A_150 = tpu.memref_squeeze %dma_wait3A_149 : memref<1x128xi32, #tpu.memory_space<vmem>> -> memref<128xi32, #tpu.memory_space<vmem>>
        %dma_wait3A_151 = arith.constant 0 : i32
        %dma_wait3A_152 = arith.constant 0 : i32
        %dma_wait3A_153 = tpu.memref_slice %arg11[%dma_wait3A_151, %dma_wait3A_152] : memref<10240x128xf32, #tpu.memory_space<vmem_shared>> -> memref<10240x128xf32, #tpu.memory_space<vmem_shared>>
        tpu.wait_indirect_dma semaphore(%run_scoped3A : memref<!tpu.dma_semaphore, #tpu.memory_space<semaphore_mem>>) src(%arg10 : memref<128x128xf32, #tpu.memory_space<vmem>>) dst(%dma_wait3A_153 : memref<10240x128xf32, #tpu.memory_space<vmem_shared>>)
        tpu.yield
      }) : () -> ()
      %dma_start3A_117 = arith.constant 7 : i32
      %dma_start3A_118 = arith.constant 0 : i32
      %dma_start3A_119 = tpu.memref_slice %arg7[%dma_start3A_117, %dma_start3A_118] : memref<8x128xi32, #tpu.memory_space<vmem>> -> memref<1x128xi32, #tpu.memory_space<vmem>>
      %dma_start3A_120 = tpu.memref_squeeze %dma_start3A_119 : memref<1x128xi32, #tpu.memory_space<vmem>> -> memref<128xi32, #tpu.memory_space<vmem>>
      %dma_start3A_121 = arith.constant 0 : i32
      %dma_start3A_122 = arith.constant 0 : i32
      %dma_start3A_123 = tpu.memref_slice %arg4[%dma_start3A_121, %dma_start3A_122] : memref<10000x128xf32, #tpu.memory_space<hbm>> -> memref<10000x128xf32, #tpu.memory_space<hbm>>
      tpu.enqueue_indirect_dma source(%dma_start3A_123 : memref<10000x128xf32, #tpu.memory_space<hbm>>) target(%arg10 : memref<128x128xf32, #tpu.memory_space<vmem>>) offsets(%dma_start3A_120 : memref<128xi32, #tpu.memory_space<vmem>>) semaphore(%arg13 : memref<!tpu.dma_semaphore, #tpu.memory_space<semaphore_mem>>)
      %dma_wait3A_124 = arith.constant 6 : i32
      %dma_wait3A_125 = arith.constant 0 : i32
      %dma_wait3A_126 = tpu.memref_slice %arg7[%dma_wait3A_124, %dma_wait3A_125] : memref<8x128xi32, #tpu.memory_space<vmem>> -> memref<1x128xi32, #tpu.memory_space<vmem>>
      %dma_wait3A_127 = tpu.memref_squeeze %dma_wait3A_126 : memref<1x128xi32, #tpu.memory_space<vmem>> -> memref<128xi32, #tpu.memory_space<vmem>>
      %dma_wait3A_128 = arith.constant 0 : i32
      %dma_wait3A_129 = arith.constant 0 : i32
      %dma_wait3A_130 = tpu.memref_slice %arg4[%dma_wait3A_128, %dma_wait3A_129] : memref<10000x128xf32, #tpu.memory_space<hbm>> -> memref<10000x128xf32, #tpu.memory_space<hbm>>
      tpu.wait_indirect_dma semaphore(%arg12 : memref<!tpu.dma_semaphore, #tpu.memory_space<semaphore_mem>>) src(%dma_wait3A_130 : memref<10000x128xf32, #tpu.memory_space<hbm>>) dst(%arg9 : memref<128x128xf32, #tpu.memory_space<vmem>>)
      %add3A_131 = arith.constant 6 : i32
      %add3A_132 = arith.addi %mul3A_15, %add3A_131 : i32
      "tpu.region"() ({
        %run_scoped3A = tpu.sem_alloc : memref<!tpu.dma_semaphore, #tpu.memory_space<semaphore_mem>>
        %dma_start3A_142 = arith.constant 0 : i32
        %dma_start3A_143 = tpu.memref_slice %arg8[%add3A_132, %dma_start3A_142] : memref<80x128xi32, #tpu.memory_space<vmem>> -> memref<1x128xi32, #tpu.memory_space<vmem>>
        %dma_start3A_144 = tpu.memref_squeeze %dma_start3A_143 : memref<1x128xi32, #tpu.memory_space<vmem>> -> memref<128xi32, #tpu.memory_space<vmem>>
        %dma_start3A_145 = arith.constant 0 : i32
        %dma_start3A_146 = arith.constant 0 : i32
        %dma_start3A_147 = tpu.memref_slice %arg11[%dma_start3A_145, %dma_start3A_146] : memref<10240x128xf32, #tpu.memory_space<vmem_shared>> -> memref<10240x128xf32, #tpu.memory_space<vmem_shared>>
        tpu.enqueue_indirect_dma source(%arg9 : memref<128x128xf32, #tpu.memory_space<vmem>>) target(%dma_start3A_147 : memref<10240x128xf32, #tpu.memory_space<vmem_shared>>) offsets(%dma_start3A_144 : memref<128xi32, #tpu.memory_space<vmem>>) semaphore(%run_scoped3A : memref<!tpu.dma_semaphore, #tpu.memory_space<semaphore_mem>>) {add = true}
        %dma_wait3A_148 = arith.constant 0 : i32
        %dma_wait3A_149 = tpu.memref_slice %arg8[%add3A_132, %dma_wait3A_148] : memref<80x128xi32, #tpu.memory_space<vmem>> -> memref<1x128xi32, #tpu.memory_space<vmem>>
        %dma_wait3A_150 = tpu.memref_squeeze %dma_wait3A_149 : memref<1x128xi32, #tpu.memory_space<vmem>> -> memref<128xi32, #tpu.memory_space<vmem>>
        %dma_wait3A_151 = arith.constant 0 : i32
        %dma_wait3A_152 = arith.constant 0 : i32
        %dma_wait3A_153 = tpu.memref_slice %arg11[%dma_wait3A_151, %dma_wait3A_152] : memref<10240x128xf32, #tpu.memory_space<vmem_shared>> -> memref<10240x128xf32, #tpu.memory_space<vmem_shared>>
        tpu.wait_indirect_dma semaphore(%run_scoped3A : memref<!tpu.dma_semaphore, #tpu.memory_space<semaphore_mem>>) src(%arg9 : memref<128x128xf32, #tpu.memory_space<vmem>>) dst(%dma_wait3A_153 : memref<10240x128xf32, #tpu.memory_space<vmem_shared>>)
        tpu.yield
      }) : () -> ()
      %dma_wait3A_133 = arith.constant 7 : i32
      %dma_wait3A_134 = arith.constant 0 : i32
      %dma_wait3A_135 = tpu.memref_slice %arg7[%dma_wait3A_133, %dma_wait3A_134] : memref<8x128xi32, #tpu.memory_space<vmem>> -> memref<1x128xi32, #tpu.memory_space<vmem>>
      %dma_wait3A_136 = tpu.memref_squeeze %dma_wait3A_135 : memref<1x128xi32, #tpu.memory_space<vmem>> -> memref<128xi32, #tpu.memory_space<vmem>>
      %dma_wait3A_137 = arith.constant 0 : i32
      %dma_wait3A_138 = arith.constant 0 : i32
      %dma_wait3A_139 = tpu.memref_slice %arg4[%dma_wait3A_137, %dma_wait3A_138] : memref<10000x128xf32, #tpu.memory_space<hbm>> -> memref<10000x128xf32, #tpu.memory_space<hbm>>
      tpu.wait_indirect_dma semaphore(%arg13 : memref<!tpu.dma_semaphore, #tpu.memory_space<semaphore_mem>>) src(%dma_wait3A_139 : memref<10000x128xf32, #tpu.memory_space<hbm>>) dst(%arg10 : memref<128x128xf32, #tpu.memory_space<vmem>>)
      %add3A_140 = arith.constant 7 : i32
      %add3A_141 = arith.addi %mul3A_15, %add3A_140 : i32
      "tpu.region"() ({
        %run_scoped3A = tpu.sem_alloc : memref<!tpu.dma_semaphore, #tpu.memory_space<semaphore_mem>>
        %dma_start3A_142 = arith.constant 0 : i32
        %dma_start3A_143 = tpu.memref_slice %arg8[%add3A_141, %dma_start3A_142] : memref<80x128xi32, #tpu.memory_space<vmem>> -> memref<1x128xi32, #tpu.memory_space<vmem>>
        %dma_start3A_144 = tpu.memref_squeeze %dma_start3A_143 : memref<1x128xi32, #tpu.memory_space<vmem>> -> memref<128xi32, #tpu.memory_space<vmem>>
        %dma_start3A_145 = arith.constant 0 : i32
        %dma_start3A_146 = arith.constant 0 : i32
        %dma_start3A_147 = tpu.memref_slice %arg11[%dma_start3A_145, %dma_start3A_146] : memref<10240x128xf32, #tpu.memory_space<vmem_shared>> -> memref<10240x128xf32, #tpu.memory_space<vmem_shared>>
        tpu.enqueue_indirect_dma source(%arg10 : memref<128x128xf32, #tpu.memory_space<vmem>>) target(%dma_start3A_147 : memref<10240x128xf32, #tpu.memory_space<vmem_shared>>) offsets(%dma_start3A_144 : memref<128xi32, #tpu.memory_space<vmem>>) semaphore(%run_scoped3A : memref<!tpu.dma_semaphore, #tpu.memory_space<semaphore_mem>>) {add = true}
        %dma_wait3A_148 = arith.constant 0 : i32
        %dma_wait3A_149 = tpu.memref_slice %arg8[%add3A_141, %dma_wait3A_148] : memref<80x128xi32, #tpu.memory_space<vmem>> -> memref<1x128xi32, #tpu.memory_space<vmem>>
        %dma_wait3A_150 = tpu.memref_squeeze %dma_wait3A_149 : memref<1x128xi32, #tpu.memory_space<vmem>> -> memref<128xi32, #tpu.memory_space<vmem>>
        %dma_wait3A_151 = arith.constant 0 : i32
        %dma_wait3A_152 = arith.constant 0 : i32
        %dma_wait3A_153 = tpu.memref_slice %arg11[%dma_wait3A_151, %dma_wait3A_152] : memref<10240x128xf32, #tpu.memory_space<vmem_shared>> -> memref<10240x128xf32, #tpu.memory_space<vmem_shared>>
        tpu.wait_indirect_dma semaphore(%run_scoped3A : memref<!tpu.dma_semaphore, #tpu.memory_space<semaphore_mem>>) src(%arg10 : memref<128x128xf32, #tpu.memory_space<vmem>>) dst(%dma_wait3A_153 : memref<10240x128xf32, #tpu.memory_space<vmem_shared>>)
        tpu.yield
      }) : () -> ()
    }
    %scan3A_7 = arith.constant 10 : i32
    %barrier3A_8 = arith.constant 0 : index
    tpu.barrier barrier_id(%barrier3A_8)
    %mul3A_9 = arith.constant 640 : i32
    %mul3A_10 = arith.muli %arg1, %mul3A_9 : i32
    %mul3A_11 = arith.constant 640 : i32
    %mul3A_12 = arith.muli %arg1, %mul3A_11 : i32
    "tpu.region"() ({
      %run_scoped3A = tpu.sem_alloc : memref<!tpu.dma_semaphore, #tpu.memory_space<semaphore_mem>>
      %dma_start3A = arith.constant 0 : i32
      %dma_start3A_13 = tpu.memref_slice %arg6[%arg0, %mul3A_12, %dma_start3A] : memref<2x10240x128xf32, #tpu.memory_space<hbm>> -> memref<1x640x128xf32, #tpu.memory_space<hbm>>
      %dma_start3A_14 = tpu.memref_squeeze %dma_start3A_13 : memref<1x640x128xf32, #tpu.memory_space<hbm>> -> memref<640x128xf32, #tpu.memory_space<hbm>>
      %dma_start3A_15 = arith.constant 0 : i32
      %dma_start3A_16 = tpu.memref_slice %arg11[%mul3A_10, %dma_start3A_15] : memref<10240x128xf32, #tpu.memory_space<vmem_shared>> -> memref<640x128xf32, #tpu.memory_space<vmem_shared>>
      tpu.enqueue_dma source(%dma_start3A_16 : memref<640x128xf32, #tpu.memory_space<vmem_shared>>) target(%dma_start3A_14 : memref<640x128xf32, #tpu.memory_space<hbm>>) target_semaphore(%run_scoped3A : memref<!tpu.dma_semaphore, #tpu.memory_space<semaphore_mem>>)
      %dma_wait3A = arith.constant 0 : i32
      %dma_wait3A_17 = tpu.memref_slice %arg6[%arg0, %mul3A_12, %dma_wait3A] : memref<2x10240x128xf32, #tpu.memory_space<hbm>> -> memref<1x640x128xf32, #tpu.memory_space<hbm>>
      %dma_wait3A_18 = tpu.memref_squeeze %dma_wait3A_17 : memref<1x640x128xf32, #tpu.memory_space<hbm>> -> memref<640x128xf32, #tpu.memory_space<hbm>>
      %dma_wait3A_19 = arith.constant 0 : i32
      %dma_wait3A_20 = tpu.memref_slice %arg11[%mul3A_10, %dma_wait3A_19] : memref<10240x128xf32, #tpu.memory_space<vmem_shared>> -> memref<640x128xf32, #tpu.memory_space<vmem_shared>>
      tpu.wait_dma2 semaphore(%run_scoped3A : memref<!tpu.dma_semaphore, #tpu.memory_space<semaphore_mem>>) src(%dma_wait3A_20 : memref<640x128xf32, #tpu.memory_space<vmem_shared>>) dst(%dma_wait3A_18 : memref<640x128xf32, #tpu.memory_space<hbm>>)
      tpu.yield
    }) : () -> ()
    return
  }
}

module attributes {stable_mosaic.version = 14 : i64} {
  func.func @_tc_encode0_body(%arg0: i32, %arg1: memref<2000x128xf32, #tpu.memory_space<vmem>>, %arg2: memref<128x64xf32, #tpu.memory_space<vmem>>, %arg3: memref<1x64xf32, #tpu.memory_space<vmem>>, %arg4: memref<64x64xf32, #tpu.memory_space<vmem>>, %arg5: memref<2000x64xf32, #tpu.memory_space<vmem>>) attributes {dimension_semantics = [#tpu.dimension_semantics<arbitrary>], iteration_bounds = array<i64: 5>, scalar_prefetch = 0 : i64, scratch_operands = 0 : i64, tpu.core_type = #tpu.core_type<tc>, window_params = [{transform_indices = @transform_0, window_bounds = array<i64: 2000, 128>}, {pipeline_mode = #tpu.pipeline_mode<synchronous>, transform_indices = @transform_1, window_bounds = array<i64: 128, 64>}, {pipeline_mode = #tpu.pipeline_mode<synchronous>, transform_indices = @transform_2, window_bounds = array<i64: 1, 64>}, {pipeline_mode = #tpu.pipeline_mode<synchronous>, transform_indices = @transform_3, window_bounds = array<i64: 64, 64>}, {transform_indices = @transform_4, window_bounds = array<i64: 2000, 64>}]} {
    %get3A = arith.constant 0 : index
    %get3A_0 = arith.constant 0 : index
    %get3A_1 = vector.load %arg1[%get3A, %get3A_0] : memref<2000x128xf32, #tpu.memory_space<vmem>>, vector<2000x128xf32>
    %get3A_2 = arith.constant 0 : index
    %get3A_3 = arith.constant 0 : index
    %get3A_4 = vector.load %arg2[%get3A_2, %get3A_3] : memref<128x64xf32, #tpu.memory_space<vmem>>, vector<128x64xf32>
    %dot_general3A = arith.constant dense<0.000000e+00> : vector<2000x64xf32>
    %dot_general3A_5 = tpu.matmul %get3A_1, %get3A_4, %dot_general3A {dimension_numbers = #tpu.dot_dimension_numbers<[1], [0], [0], [1], [0, 0, 1, 1], [], []>, precision = #tpu.contract_precision<fp32>, transpose_lhs_hint = false} : vector<2000x128xf32>, vector<128x64xf32>, vector<2000x64xf32> -> vector<2000x64xf32>
    %get3A_6 = arith.constant 0 : index
    %get3A_7 = arith.constant 0 : index
    %get3A_8 = vector.load %arg3[%get3A_6, %get3A_7] : memref<1x64xf32, #tpu.memory_space<vmem>>, vector<1x64xf32>
    %add3A = vector.broadcast %get3A_8 : vector<1x64xf32> to vector<2000x64xf32>
    %add3A_9 = arith.addf %dot_general3A_5, %add3A : vector<2000x64xf32>
    %max3A = arith.constant 0.000000e+00 : f32
    %max3A_10 = vector.broadcast %max3A : f32 to vector<2000x64xf32>
    %max3A_11 = arith.maximumf %add3A_9, %max3A_10 : vector<2000x64xf32>
    %get3A_12 = arith.constant 0 : index
    %get3A_13 = arith.constant 0 : index
    %get3A_14 = vector.load %arg4[%get3A_12, %get3A_13] : memref<64x64xf32, #tpu.memory_space<vmem>>, vector<64x64xf32>
    %dot_general3A_15 = arith.constant dense<0.000000e+00> : vector<2000x64xf32>
    %dot_general3A_16 = tpu.matmul %max3A_11, %get3A_14, %dot_general3A_15 {dimension_numbers = #tpu.dot_dimension_numbers<[1], [0], [0], [1], [0, 0, 1, 1], [], []>, precision = #tpu.contract_precision<fp32>, transpose_lhs_hint = false} : vector<2000x64xf32>, vector<64x64xf32>, vector<2000x64xf32> -> vector<2000x64xf32>
    %swap3A = arith.constant 0 : index
    %swap3A_17 = arith.constant 0 : index
    %swap3A_18 = vector.load %arg5[%swap3A, %swap3A_17] : memref<2000x64xf32, #tpu.memory_space<vmem>>, vector<2000x64xf32>
    tpu.vector_store %arg5[%swap3A, %swap3A_17], %dot_general3A_16 {strides = array<i32>} : memref<2000x64xf32, #tpu.memory_space<vmem>>, vector<2000x64xf32>,
    return
  }
  func.func @transform_0(%arg0: i32) -> (i32, i32) {
    %c0_i32 = arith.constant 0 : i32
    %c0_i32_0 = arith.constant 0 : i32
    return %arg0, %c0_i32 : i32, i32
  }
  func.func @transform_1(%arg0: i32) -> (i32, i32) {
    %c0_i32 = arith.constant 0 : i32
    %c0_i32_0 = arith.constant 0 : i32
    %c0_i32_1 = arith.constant 0 : i32
    return %c0_i32, %c0_i32_0 : i32, i32
  }
  func.func @transform_2(%arg0: i32) -> (i32, i32) {
    %c0_i32 = arith.constant 0 : i32
    %c0_i32_0 = arith.constant 0 : i32
    %c0_i32_1 = arith.constant 0 : i32
    return %c0_i32, %c0_i32_0 : i32, i32
  }
  func.func @transform_3(%arg0: i32) -> (i32, i32) {
    %c0_i32 = arith.constant 0 : i32
    %c0_i32_0 = arith.constant 0 : i32
    %c0_i32_1 = arith.constant 0 : i32
    return %c0_i32, %c0_i32_0 : i32, i32
  }
  func.func @transform_4(%arg0: i32) -> (i32, i32) {
    %c0_i32 = arith.constant 0 : i32
    %c0_i32_0 = arith.constant 0 : i32
    return %arg0, %c0_i32 : i32, i32
  }
}

module attributes {stable_mosaic.version = 14 : i64} {
  func.func @_tc_scale_body(%arg0: i32, %arg1: memref<2x2000x128xf32, #tpu.memory_space<vmem>>, %arg2: memref<2000x64xf32, #tpu.memory_space<vmem>>, %arg3: memref<2000x128xf32, #tpu.memory_space<vmem>>, %arg4: memref<2000x1xf32, #tpu.memory_space<vmem>>) attributes {dimension_semantics = [#tpu.dimension_semantics<arbitrary>], iteration_bounds = array<i64: 5>, scalar_prefetch = 0 : i64, scratch_operands = 0 : i64, tpu.core_type = #tpu.core_type<tc>, window_params = [{transform_indices = @transform_0, window_bounds = array<i64: 2, 2000, 128>}, {transform_indices = @transform_1, window_bounds = array<i64: 2000, 64>}, {transform_indices = @transform_2, window_bounds = array<i64: 2000, 128>}, {transform_indices = @transform_3, window_bounds = array<i64: 2000, 1>}]} {
    %get3A = arith.constant 0 : index
    %get3A_0 = arith.constant 0 : index
    %get3A_1 = arith.constant 0 : index
    %get3A_2 = vector.load %arg1[%get3A, %get3A_0, %get3A_1] : memref<2x2000x128xf32, #tpu.memory_space<vmem>>, vector<1x2000x1xf32>
    %get3A_3 = vector.shape_cast %get3A_2 : vector<1x2000x1xf32> to vector<2000x1xf32>
    %get3A_4 = arith.constant 1 : index
    %get3A_5 = arith.constant 0 : index
    %get3A_6 = arith.constant 0 : index
    %get3A_7 = vector.load %arg1[%get3A_4, %get3A_5, %get3A_6] : memref<2x2000x128xf32, #tpu.memory_space<vmem>>, vector<1x2000x1xf32>
    %get3A_8 = vector.shape_cast %get3A_7 : vector<1x2000x1xf32> to vector<2000x1xf32>
    %add3A = arith.addf %get3A_3, %get3A_8 : vector<2000x1xf32>
    %add3A_9 = arith.constant 1.000000e+00 : f32
    %add3A_10 = vector.broadcast %add3A_9 : f32 to vector<2000x1xf32>
    %add3A_11 = arith.addf %add3A, %add3A_10 : vector<2000x1xf32>
    %max3A = arith.constant 1.000000e+00 : f32
    %max3A_12 = vector.broadcast %max3A : f32 to vector<2000x1xf32>
    %max3A_13 = arith.maximumf %add3A_11, %max3A_12 : vector<2000x1xf32>
    %rsqrt3A = math.rsqrt %max3A_13 : vector<2000x1xf32>
    %get3A_14 = arith.constant 0 : index
    %get3A_15 = arith.constant 0 : index
    %get3A_16 = vector.load %arg2[%get3A_14, %get3A_15] : memref<2000x64xf32, #tpu.memory_space<vmem>>, vector<2000x64xf32>
    %mul3A = vector.broadcast %rsqrt3A : vector<2000x1xf32> to vector<2000x64xf32>
    %mul3A_17 = arith.mulf %mul3A, %get3A_16 : vector<2000x64xf32>
    %broadcast_in_dim3A = arith.constant 0.000000e+00 : f32
    %broadcast_in_dim3A_18 = vector.broadcast %broadcast_in_dim3A : f32 to vector<2000x64xf32>
    %concatenate3A = tpu.concatenate %mul3A_17, %broadcast_in_dim3A_18 in 1 : vector<2000x64xf32>, vector<2000x64xf32> -> vector<2000x128xf32>
    %swap3A = arith.constant 0 : index
    %swap3A_19 = arith.constant 0 : index
    %swap3A_20 = vector.load %arg3[%swap3A, %swap3A_19] : memref<2000x128xf32, #tpu.memory_space<vmem>>, vector<2000x128xf32>
    tpu.vector_store %arg3[%swap3A, %swap3A_19], %concatenate3A {strides = array<i32>} : memref<2000x128xf32, #tpu.memory_space<vmem>>, vector<2000x128xf32>,
    %swap3A_21 = arith.constant 0 : index
    %swap3A_22 = arith.constant 0 : index
    %swap3A_23 = vector.load %arg4[%swap3A_21, %swap3A_22] : memref<2000x1xf32, #tpu.memory_space<vmem>>, vector<2000x1xf32>
    tpu.vector_store %arg4[%swap3A_21, %swap3A_22], %rsqrt3A {strides = array<i32>} : memref<2000x1xf32, #tpu.memory_space<vmem>>, vector<2000x1xf32>,
    return
  }
  func.func @transform_0(%arg0: i32) -> (i32, i32, i32) {
    %c0_i32 = arith.constant 0 : i32
    %c0_i32_0 = arith.constant 0 : i32
    %c0_i32_1 = arith.constant 0 : i32
    return %c0_i32, %arg0, %c0_i32_0 : i32, i32, i32
  }
  func.func @transform_1(%arg0: i32) -> (i32, i32) {
    %c0_i32 = arith.constant 0 : i32
    %c0_i32_0 = arith.constant 0 : i32
    return %arg0, %c0_i32 : i32, i32
  }
  func.func @transform_2(%arg0: i32) -> (i32, i32) {
    %c0_i32 = arith.constant 0 : i32
    %c0_i32_0 = arith.constant 0 : i32
    return %arg0, %c0_i32 : i32, i32
  }
  func.func @transform_3(%arg0: i32) -> (i32, i32) {
    %c0_i32 = arith.constant 0 : i32
    %c0_i32_0 = arith.constant 0 : i32
    return %arg0, %c0_i32 : i32, i32
  }
}

module attributes {stable_mosaic.version = 14 : i64} {
  func.func @_tc_layer_body(%arg0: i32, %arg1: memref<2x2000x128xf32, #tpu.memory_space<vmem>>, %arg2: memref<2000x128xf32, #tpu.memory_space<vmem>>, %arg3: memref<2000x1xf32, #tpu.memory_space<vmem>>, %arg4: memref<1x64xf32, #tpu.memory_space<vmem>>, %arg5: memref<64x64xf32, #tpu.memory_space<vmem>>, %arg6: memref<2000x128xf32, #tpu.memory_space<vmem>>) attributes {dimension_semantics = [#tpu.dimension_semantics<arbitrary>], iteration_bounds = array<i64: 5>, scalar_prefetch = 0 : i64, scratch_operands = 0 : i64, tpu.core_type = #tpu.core_type<tc>, window_params = [{transform_indices = @transform_0, window_bounds = array<i64: 2, 2000, 128>}, {transform_indices = @transform_1, window_bounds = array<i64: 2000, 128>}, {transform_indices = @transform_2, window_bounds = array<i64: 2000, 1>}, {pipeline_mode = #tpu.pipeline_mode<synchronous>, transform_indices = @transform_3, window_bounds = array<i64: 1, 64>}, {pipeline_mode = #tpu.pipeline_mode<synchronous>, transform_indices = @transform_4, window_bounds = array<i64: 64, 64>}, {transform_indices = @transform_5, window_bounds = array<i64: 2000, 128>}]} {
    %get3A = arith.constant 0 : index
    %get3A_0 = arith.constant 0 : index
    %get3A_1 = arith.constant 0 : index
    %get3A_2 = vector.load %arg1[%get3A, %get3A_0, %get3A_1] : memref<2x2000x128xf32, #tpu.memory_space<vmem>>, vector<1x2000x64xf32>
    %get3A_3 = vector.shape_cast %get3A_2 : vector<1x2000x64xf32> to vector<2000x64xf32>
    %get3A_4 = arith.constant 1 : index
    %get3A_5 = arith.constant 0 : index
    %get3A_6 = arith.constant 0 : index
    %get3A_7 = vector.load %arg1[%get3A_4, %get3A_5, %get3A_6] : memref<2x2000x128xf32, #tpu.memory_space<vmem>>, vector<1x2000x64xf32>
    %get3A_8 = vector.shape_cast %get3A_7 : vector<1x2000x64xf32> to vector<2000x64xf32>
    %add3A = arith.addf %get3A_3, %get3A_8 : vector<2000x64xf32>
    %get3A_9 = arith.constant 0 : index
    %get3A_10 = arith.constant 0 : index
    %get3A_11 = vector.load %arg2[%get3A_9, %get3A_10] : memref<2000x128xf32, #tpu.memory_space<vmem>>, vector<2000x64xf32>
    %add3A_12 = arith.addf %add3A, %get3A_11 : vector<2000x64xf32>
    %get3A_13 = arith.constant 0 : index
    %get3A_14 = arith.constant 0 : index
    %get3A_15 = vector.load %arg3[%get3A_13, %get3A_14] : memref<2000x1xf32, #tpu.memory_space<vmem>>, vector<2000x1xf32>
    %mul3A = vector.broadcast %get3A_15 : vector<2000x1xf32> to vector<2000x64xf32>
    %mul3A_16 = arith.mulf %mul3A, %add3A_12 : vector<2000x64xf32>
    %get3A_17 = arith.constant 0 : index
    %get3A_18 = arith.constant 0 : index
    %get3A_19 = vector.load %arg4[%get3A_17, %get3A_18] : memref<1x64xf32, #tpu.memory_space<vmem>>, vector<1x64xf32>
    %add3A_20 = vector.broadcast %get3A_19 : vector<1x64xf32> to vector<2000x64xf32>
    %add3A_21 = arith.addf %mul3A_16, %add3A_20 : vector<2000x64xf32>
    %max3A = arith.constant 0.000000e+00 : f32
    %max3A_22 = vector.broadcast %max3A : f32 to vector<2000x64xf32>
    %max3A_23 = arith.maximumf %add3A_21, %max3A_22 : vector<2000x64xf32>
    %get3A_24 = arith.constant 0 : index
    %get3A_25 = arith.constant 0 : index
    %get3A_26 = vector.load %arg3[%get3A_24, %get3A_25] : memref<2000x1xf32, #tpu.memory_space<vmem>>, vector<2000x1xf32>
    %get3A_27 = arith.constant 0 : index
    %get3A_28 = arith.constant 0 : index
    %get3A_29 = vector.load %arg5[%get3A_27, %get3A_28] : memref<64x64xf32, #tpu.memory_space<vmem>>, vector<64x64xf32>
    %dot_general3A = arith.constant dense<0.000000e+00> : vector<2000x64xf32>
    %dot_general3A_30 = tpu.matmul %max3A_23, %get3A_29, %dot_general3A {dimension_numbers = #tpu.dot_dimension_numbers<[1], [0], [0], [1], [0, 0, 1, 1], [], []>, precision = #tpu.contract_precision<fp32>, transpose_lhs_hint = false} : vector<2000x64xf32>, vector<64x64xf32>, vector<2000x64xf32> -> vector<2000x64xf32>
    %mul3A_31 = vector.broadcast %get3A_26 : vector<2000x1xf32> to vector<2000x64xf32>
    %mul3A_32 = arith.mulf %mul3A_31, %dot_general3A_30 : vector<2000x64xf32>
    %broadcast_in_dim3A = arith.constant 0.000000e+00 : f32
    %broadcast_in_dim3A_33 = vector.broadcast %broadcast_in_dim3A : f32 to vector<2000x64xf32>
    %concatenate3A = tpu.concatenate %mul3A_32, %broadcast_in_dim3A_33 in 1 : vector<2000x64xf32>, vector<2000x64xf32> -> vector<2000x128xf32>
    %swap3A = arith.constant 0 : index
    %swap3A_34 = arith.constant 0 : index
    %swap3A_35 = vector.load %arg6[%swap3A, %swap3A_34] : memref<2000x128xf32, #tpu.memory_space<vmem>>, vector<2000x128xf32>
    tpu.vector_store %arg6[%swap3A, %swap3A_34], %concatenate3A {strides = array<i32>} : memref<2000x128xf32, #tpu.memory_space<vmem>>, vector<2000x128xf32>,
    return
  }
  func.func @transform_0(%arg0: i32) -> (i32, i32, i32) {
    %c0_i32 = arith.constant 0 : i32
    %c0_i32_0 = arith.constant 0 : i32
    %c0_i32_1 = arith.constant 0 : i32
    return %c0_i32, %arg0, %c0_i32_0 : i32, i32, i32
  }
  func.func @transform_1(%arg0: i32) -> (i32, i32) {
    %c0_i32 = arith.constant 0 : i32
    %c0_i32_0 = arith.constant 0 : i32
    return %arg0, %c0_i32 : i32, i32
  }
  func.func @transform_2(%arg0: i32) -> (i32, i32) {
    %c0_i32 = arith.constant 0 : i32
    %c0_i32_0 = arith.constant 0 : i32
    return %arg0, %c0_i32 : i32, i32
  }
  func.func @transform_3(%arg0: i32) -> (i32, i32) {
    %c0_i32 = arith.constant 0 : i32
    %c0_i32_0 = arith.constant 0 : i32
    %c0_i32_1 = arith.constant 0 : i32
    return %c0_i32, %c0_i32_0 : i32, i32
  }
  func.func @transform_4(%arg0: i32) -> (i32, i32) {
    %c0_i32 = arith.constant 0 : i32
    %c0_i32_0 = arith.constant 0 : i32
    %c0_i32_1 = arith.constant 0 : i32
    return %c0_i32, %c0_i32_0 : i32, i32
  }
  func.func @transform_5(%arg0: i32) -> (i32, i32) {
    %c0_i32 = arith.constant 0 : i32
    %c0_i32_0 = arith.constant 0 : i32
    return %arg0, %c0_i32 : i32, i32
  }
}

module attributes {stable_mosaic.version = 14 : i64} {
  func.func @_tc_head_body(%arg0: i32, %arg1: memref<2x2000x128xf32, #tpu.memory_space<vmem>>, %arg2: memref<2000x128xf32, #tpu.memory_space<vmem>>, %arg3: memref<2000x1xf32, #tpu.memory_space<vmem>>, %arg4: memref<1x64xf32, #tpu.memory_space<vmem>>, %arg5: memref<2000x1xf32, #tpu.memory_space<vmem>>, %arg6: memref<64x64xf32, #tpu.memory_space<vmem>>, %arg7: memref<1x64xf32, #tpu.memory_space<vmem>>, %arg8: memref<64x1xf32, #tpu.memory_space<vmem>>, %arg9: memref<1x1xf32, #tpu.memory_space<vmem>>, %arg10: memref<256x1xf32, #tpu.memory_space<vmem>>, %arg11: memref<256x64xf32, #tpu.memory_space<vmem>>, %arg12: memref<256x1xf32, #tpu.memory_space<vmem>>) attributes {dimension_semantics = [#tpu.dimension_semantics<arbitrary>], iteration_bounds = array<i64: 5>, scalar_prefetch = 0 : i64, scratch_operands = 2 : i64, tpu.core_type = #tpu.core_type<tc>, window_params = [{transform_indices = @transform_0, window_bounds = array<i64: 2, 2000, 128>}, {transform_indices = @transform_1, window_bounds = array<i64: 2000, 128>}, {transform_indices = @transform_2, window_bounds = array<i64: 2000, 1>}, {pipeline_mode = #tpu.pipeline_mode<synchronous>, transform_indices = @transform_3, window_bounds = array<i64: 1, 64>}, {transform_indices = @transform_4, window_bounds = array<i64: 2000, 1>}, {pipeline_mode = #tpu.pipeline_mode<synchronous>, transform_indices = @transform_5, window_bounds = array<i64: 64, 64>}, {pipeline_mode = #tpu.pipeline_mode<synchronous>, transform_indices = @transform_6, window_bounds = array<i64: 1, 64>}, {pipeline_mode = #tpu.pipeline_mode<synchronous>, transform_indices = @transform_7, window_bounds = array<i64: 64, 1>}, {pipeline_mode = #tpu.pipeline_mode<synchronous>, transform_indices = @transform_8, window_bounds = array<i64: 1, 1>}, {pipeline_mode = #tpu.pipeline_mode<synchronous>, transform_indices = @transform_9, window_bounds = array<i64: 256, 1>}]} {
    %eq3A = arith.constant 0 : i32
    %eq3A_0 = arith.cmpi eq, %arg0, %eq3A : i32
    %convert_element_type3A = arith.extui %eq3A_0 : i1 to i32
    %cond3A = arith.constant 0 : i32
    %cond3A_1 = arith.cmpi ne, %convert_element_type3A, %cond3A : i32
    scf.if %cond3A_1 {
      %broadcast_in_dim3A_57 = arith.constant 0.000000e+00 : f32
      %broadcast_in_dim3A_58 = vector.broadcast %broadcast_in_dim3A_57 : f32 to vector<256x64xf32>
      %swap3A_59 = arith.constant 0 : index
      %swap3A_60 = arith.constant 0 : index
      %swap3A_61 = vector.load %arg11[%swap3A_59, %swap3A_60] : memref<256x64xf32, #tpu.memory_space<vmem>>, vector<256x64xf32>
      tpu.vector_store %arg11[%swap3A_59, %swap3A_60], %broadcast_in_dim3A_58 {strides = array<i32>} : memref<256x64xf32, #tpu.memory_space<vmem>>, vector<256x64xf32>,
      %broadcast_in_dim3A_62 = arith.constant 0.000000e+00 : f32
      %broadcast_in_dim3A_63 = vector.broadcast %broadcast_in_dim3A_62 : f32 to vector<256x1xf32>
      %swap3A_64 = arith.constant 0 : index
      %swap3A_65 = arith.constant 0 : index
      %swap3A_66 = vector.load %arg12[%swap3A_64, %swap3A_65] : memref<256x1xf32, #tpu.memory_space<vmem>>, vector<256x1xf32>
      tpu.vector_store %arg12[%swap3A_64, %swap3A_65], %broadcast_in_dim3A_63 {strides = array<i32>} : memref<256x1xf32, #tpu.memory_space<vmem>>, vector<256x1xf32>,
    } else {
    }
    %get3A = arith.constant 0 : index
    %get3A_2 = arith.constant 0 : index
    %get3A_3 = arith.constant 0 : index
    %get3A_4 = vector.load %arg1[%get3A, %get3A_2, %get3A_3] : memref<2x2000x128xf32, #tpu.memory_space<vmem>>, vector<1x2000x64xf32>
    %get3A_5 = vector.shape_cast %get3A_4 : vector<1x2000x64xf32> to vector<2000x64xf32>
    %get3A_6 = arith.constant 1 : index
    %get3A_7 = arith.constant 0 : index
    %get3A_8 = arith.constant 0 : index
    %get3A_9 = vector.load %arg1[%get3A_6, %get3A_7, %get3A_8] : memref<2x2000x128xf32, #tpu.memory_space<vmem>>, vector<1x2000x64xf32>
    %get3A_10 = vector.shape_cast %get3A_9 : vector<1x2000x64xf32> to vector<2000x64xf32>
    %add3A = arith.addf %get3A_5, %get3A_10 : vector<2000x64xf32>
    %get3A_11 = arith.constant 0 : index
    %get3A_12 = arith.constant 0 : index
    %get3A_13 = vector.load %arg2[%get3A_11, %get3A_12] : memref<2000x128xf32, #tpu.memory_space<vmem>>, vector<2000x64xf32>
    %add3A_14 = arith.addf %add3A, %get3A_13 : vector<2000x64xf32>
    %get3A_15 = arith.constant 0 : index
    %get3A_16 = arith.constant 0 : index
    %get3A_17 = vector.load %arg3[%get3A_15, %get3A_16] : memref<2000x1xf32, #tpu.memory_space<vmem>>, vector<2000x1xf32>
    %mul3A = vector.broadcast %get3A_17 : vector<2000x1xf32> to vector<2000x64xf32>
    %mul3A_18 = arith.mulf %mul3A, %add3A_14 : vector<2000x64xf32>
    %get3A_19 = arith.constant 0 : index
    %get3A_20 = arith.constant 0 : index
    %get3A_21 = vector.load %arg4[%get3A_19, %get3A_20] : memref<1x64xf32, #tpu.memory_space<vmem>>, vector<1x64xf32>
    %add3A_22 = vector.broadcast %get3A_21 : vector<1x64xf32> to vector<2000x64xf32>
    %add3A_23 = arith.addf %mul3A_18, %add3A_22 : vector<2000x64xf32>
    %max3A = arith.constant 0.000000e+00 : f32
    %max3A_24 = vector.broadcast %max3A : f32 to vector<2000x64xf32>
    %max3A_25 = arith.maximumf %add3A_23, %max3A_24 : vector<2000x64xf32>
    %iota3A = tpu.iota {dimensions = array<i32: 1>} : vector<1x256xi32>
    %convert_element_type3A_26 = arith.sitofp %iota3A : vector<1x256xi32> to vector<1x256xf32>
    %get3A_27 = arith.constant 0 : index
    %get3A_28 = arith.constant 0 : index
    %get3A_29 = vector.load %arg5[%get3A_27, %get3A_28] : memref<2000x1xf32, #tpu.memory_space<vmem>>, vector<2000x1xf32>
    %eq3A_30 = vector.broadcast %get3A_29 : vector<2000x1xf32> to vector<2000x256xf32>
    %eq3A_31 = vector.broadcast %convert_element_type3A_26 : vector<1x256xf32> to vector<2000x256xf32>
    %eq3A_32 = arith.cmpf oeq, %eq3A_30, %eq3A_31 : vector<2000x256xf32>
    %convert_element_type3A_33 = arith.extui %eq3A_32 : vector<2000x256xi1> to vector<2000x256xi32>
    %convert_element_type3A_34 = arith.sitofp %convert_element_type3A_33 : vector<2000x256xi32> to vector<2000x256xf32>
    %get3A_35 = arith.constant 0 : index
    %get3A_36 = arith.constant 0 : index
    %get3A_37 = vector.load %arg11[%get3A_35, %get3A_36] : memref<256x64xf32, #tpu.memory_space<vmem>>, vector<256x64xf32>
    %dot_general3A = arith.constant dense<0.000000e+00> : vector<256x64xf32>
    %dot_general3A_38 = tpu.matmul %convert_element_type3A_34, %max3A_25, %dot_general3A {dimension_numbers = #tpu.dot_dimension_numbers<[0], [0], [1], [1], [0, 1, 1, 1], [], []>, precision = #tpu.contract_precision<fp32>, transpose_lhs_hint = false} : vector<2000x256xf32>, vector<2000x64xf32>, vector<256x64xf32> -> vector<256x64xf32>
    %add3A_39 = arith.addf %get3A_37, %dot_general3A_38 : vector<256x64xf32>
    %swap3A = arith.constant 0 : index
    %swap3A_40 = arith.constant 0 : index
    %swap3A_41 = vector.load %arg11[%swap3A, %swap3A_40] : memref<256x64xf32, #tpu.memory_space<vmem>>, vector<256x64xf32>
    tpu.vector_store %arg11[%swap3A, %swap3A_40], %add3A_39 {strides = array<i32>} : memref<256x64xf32, #tpu.memory_space<vmem>>, vector<256x64xf32>,
    %get3A_42 = arith.constant 0 : index
    %get3A_43 = arith.constant 0 : index
    %get3A_44 = vector.load %arg12[%get3A_42, %get3A_43] : memref<256x1xf32, #tpu.memory_space<vmem>>, vector<256x1xf32>
    %broadcast_in_dim3A = arith.constant 1.000000e+00 : f32
    %broadcast_in_dim3A_45 = vector.broadcast %broadcast_in_dim3A : f32 to vector<2000x1xf32>
    %dot_general3A_46 = arith.constant dense<0.000000e+00> : vector<256x1xf32>
    %dot_general3A_47 = tpu.matmul %convert_element_type3A_34, %broadcast_in_dim3A_45, %dot_general3A_46 {dimension_numbers = #tpu.dot_dimension_numbers<[0], [0], [1], [1], [0, 1, 1, 1], [], []>, precision = #tpu.contract_precision<fp32>, transpose_lhs_hint = false} : vector<2000x256xf32>, vector<2000x1xf32>, vector<256x1xf32> -> vector<256x1xf32>
    %add3A_48 = arith.addf %get3A_44, %dot_general3A_47 : vector<256x1xf32>
    %swap3A_49 = arith.constant 0 : index
    %swap3A_50 = arith.constant 0 : index
    %swap3A_51 = vector.load %arg12[%swap3A_49, %swap3A_50] : memref<256x1xf32, #tpu.memory_space<vmem>>, vector<256x1xf32>
    tpu.vector_store %arg12[%swap3A_49, %swap3A_50], %add3A_48 {strides = array<i32>} : memref<256x1xf32, #tpu.memory_space<vmem>>, vector<256x1xf32>,
    %eq3A_52 = arith.constant 4 : i32
    %eq3A_53 = arith.cmpi eq, %arg0, %eq3A_52 : i32
    %convert_element_type3A_54 = arith.extui %eq3A_53 : i1 to i32
    %cond3A_55 = arith.constant 0 : i32
    %cond3A_56 = arith.cmpi ne, %convert_element_type3A_54, %cond3A_55 : i32
    scf.if %cond3A_56 {
      %get3A_57 = arith.constant 0 : index
      %get3A_58 = arith.constant 0 : index
      %get3A_59 = vector.load %arg11[%get3A_57, %get3A_58] : memref<256x64xf32, #tpu.memory_space<vmem>>, vector<256x64xf32>
      %get3A_60 = arith.constant 0 : index
      %get3A_61 = arith.constant 0 : index
      %get3A_62 = vector.load %arg12[%get3A_60, %get3A_61] : memref<256x1xf32, #tpu.memory_space<vmem>>, vector<256x1xf32>
      %max3A_63 = arith.constant 1.000000e+00 : f32
      %max3A_64 = vector.broadcast %max3A_63 : f32 to vector<256x1xf32>
      %max3A_65 = arith.maximumf %get3A_62, %max3A_64 : vector<256x1xf32>
      %div3A = vector.broadcast %max3A_65 : vector<256x1xf32> to vector<256x64xf32>
      %div3A_66 = arith.divf %get3A_59, %div3A : vector<256x64xf32>
      %get3A_67 = arith.constant 0 : index
      %get3A_68 = arith.constant 0 : index
      %get3A_69 = vector.load %arg6[%get3A_67, %get3A_68] : memref<64x64xf32, #tpu.memory_space<vmem>>, vector<64x64xf32>
      %dot_general3A_70 = arith.constant dense<0.000000e+00> : vector<256x64xf32>
      %dot_general3A_71 = tpu.matmul %div3A_66, %get3A_69, %dot_general3A_70 {dimension_numbers = #tpu.dot_dimension_numbers<[1], [0], [0], [1], [0, 0, 1, 1], [], []>, precision = #tpu.contract_precision<fp32>, transpose_lhs_hint = false} : vector<256x64xf32>, vector<64x64xf32>, vector<256x64xf32> -> vector<256x64xf32>
      %get3A_72 = arith.constant 0 : index
      %get3A_73 = arith.constant 0 : index
      %get3A_74 = vector.load %arg7[%get3A_72, %get3A_73] : memref<1x64xf32, #tpu.memory_space<vmem>>, vector<1x64xf32>
      %add3A_75 = vector.broadcast %get3A_74 : vector<1x64xf32> to vector<256x64xf32>
      %add3A_76 = arith.addf %dot_general3A_71, %add3A_75 : vector<256x64xf32>
      %max3A_77 = arith.constant 0.000000e+00 : f32
      %max3A_78 = vector.broadcast %max3A_77 : f32 to vector<256x64xf32>
      %max3A_79 = arith.maximumf %add3A_76, %max3A_78 : vector<256x64xf32>
      %get3A_80 = arith.constant 0 : index
      %get3A_81 = arith.constant 0 : index
      %get3A_82 = vector.load %arg8[%get3A_80, %get3A_81] : memref<64x1xf32, #tpu.memory_space<vmem>>, vector<64x1xf32>
      %dot_general3A_83 = arith.constant dense<0.000000e+00> : vector<256x1xf32>
      %dot_general3A_84 = tpu.matmul %max3A_79, %get3A_82, %dot_general3A_83 {dimension_numbers = #tpu.dot_dimension_numbers<[1], [0], [0], [1], [0, 0, 1, 1], [], []>, precision = #tpu.contract_precision<fp32>, transpose_lhs_hint = false} : vector<256x64xf32>, vector<64x1xf32>, vector<256x1xf32> -> vector<256x1xf32>
      %get3A_85 = arith.constant 0 : index
      %get3A_86 = arith.constant 0 : index
      %get3A_87 = vector.load %arg9[%get3A_85, %get3A_86] : memref<1x1xf32, #tpu.memory_space<vmem>>, vector<1x1xf32>
      %add3A_88 = vector.broadcast %get3A_87 : vector<1x1xf32> to vector<256x1xf32>
      %add3A_89 = arith.addf %dot_general3A_84, %add3A_88 : vector<256x1xf32>
      %swap3A_90 = arith.constant 0 : index
      %swap3A_91 = arith.constant 0 : index
      %swap3A_92 = vector.load %arg10[%swap3A_90, %swap3A_91] : memref<256x1xf32, #tpu.memory_space<vmem>>, vector<256x1xf32>
      tpu.vector_store %arg10[%swap3A_90, %swap3A_91], %add3A_89 {strides = array<i32>} : memref<256x1xf32, #tpu.memory_space<vmem>>, vector<256x1xf32>,
    } else {
    }
    return
  }
  func.func @transform_0(%arg0: i32) -> (i32, i32, i32) {
    %c0_i32 = arith.constant 0 : i32
    %c0_i32_0 = arith.constant 0 : i32
    %c0_i32_1 = arith.constant 0 : i32
    return %c0_i32, %arg0, %c0_i32_0 : i32, i32, i32
  }
  func.func @transform_1(%arg0: i32) -> (i32, i32) {
    %c0_i32 = arith.constant 0 : i32
    %c0_i32_0 = arith.constant 0 : i32
    return %arg0, %c0_i32 : i32, i32
  }
  func.func @transform_2(%arg0: i32) -> (i32, i32) {
    %c0_i32 = arith.constant 0 : i32
    %c0_i32_0 = arith.constant 0 : i32
    return %arg0, %c0_i32 : i32, i32
  }
  func.func @transform_3(%arg0: i32) -> (i32, i32) {
    %c0_i32 = arith.constant 0 : i32
    %c0_i32_0 = arith.constant 0 : i32
    %c0_i32_1 = arith.constant 0 : i32
    return %c0_i32, %c0_i32_0 : i32, i32
  }
  func.func @transform_4(%arg0: i32) -> (i32, i32) {
    %c0_i32 = arith.constant 0 : i32
    %c0_i32_0 = arith.constant 0 : i32
    return %arg0, %c0_i32 : i32, i32
  }
  func.func @transform_5(%arg0: i32) -> (i32, i32) {
    %c0_i32 = arith.constant 0 : i32
    %c0_i32_0 = arith.constant 0 : i32
    %c0_i32_1 = arith.constant 0 : i32
    return %c0_i32, %c0_i32_0 : i32, i32
  }
  func.func @transform_6(%arg0: i32) -> (i32, i32) {
    %c0_i32 = arith.constant 0 : i32
    %c0_i32_0 = arith.constant 0 : i32
    %c0_i32_1 = arith.constant 0 : i32
    return %c0_i32, %c0_i32_0 : i32, i32
  }
  func.func @transform_7(%arg0: i32) -> (i32, i32) {
    %c0_i32 = arith.constant 0 : i32
    %c0_i32_0 = arith.constant 0 : i32
    %c0_i32_1 = arith.constant 0 : i32
    return %c0_i32, %c0_i32_0 : i32, i32
  }
  func.func @transform_8(%arg0: i32) -> (i32, i32) {
    %c0_i32 = arith.constant 0 : i32
    %c0_i32_0 = arith.constant 0 : i32
    %c0_i32_1 = arith.constant 0 : i32
    return %c0_i32, %c0_i32_0 : i32, i32
  }
  func.func @transform_9(%arg0: i32) -> (i32, i32) {
    %c0_i32 = arith.constant 0 : i32
    %c0_i32_0 = arith.constant 0 : i32
    %c0_i32_1 = arith.constant 0 : i32
    return %c0_i32, %c0_i32_0 : i32, i32
  }
}

</mosaic_0001>

<sc_bundles>
// kernel: kernel.11.cloned.1.call-start
scs
__scs_entry_jumppad:
0x0: {  	(pc) =	sbr.rel $0x88, $3  }
0x1: {  	(tag) =	ssettag $0x0;
	lr =	simm.s32 $0x1  }
0x2: {  	[smem:$0x3F92] =	sst lr;
	_ =	strace $0xD0000000  }
0x3: {  	_ = 	snop  }
0x4: {  	_ = 	snop  }
0x5: {  	_ = 	snop  }
0x6: {  	_ = 	snop  }
0x7: {  	_ = 	snop  }
__scs_overlays_trampoline_lowered:
0x8: {  	[smem:$0x3FA1] =	sst s0  }
0x9: {  	[smem:$0x3FA2] =	sst s1  }
0xa: {  	[smem:$0x3FA3] =	sst s2  }
0xb: {  	[smem:$0x3FA4] =	sst s3  }
0xc: {  	[smem:$0x3FA5] =	sst s4  }
0xd: {  	[smem:$0x3FA6] =	sst s5  }
0xe: {  	[smem:$0x3FA7] =	sst s6  }
0xf: {  	[smem:$0x3FA8] =	sst s7  }
0x10: {  	[smem:$0x3FA9] =	sst s8  }
0x11: {  	[smem:$0x3FAA] =	sst s9;
	s0 =	simm.s32 @!p0 $0x0  }
0x12: {  	s1 =	sld [smem:$0x3F90];
	s0 =	simm.s32 @p0 $0x1  }
0x13: {  	[smem:$0x3FAB] =	sst s0;
	s0 =	simm.s32 @!p1 $0x0  }
0x14: {  	s2 =	sld [smem:$0x3F8F];
	s0 =	simm.s32 @p1 $0x1  }
0x15: {  	[smem:$0x3FAC] =	sst s0;
	s0 =	simm.s32 @!p2 $0x0  }
0x16: {  	s3 =	sld [smem:$0x3FDB];
	s0 =	simm.s32 @p2 $0x1  }
0x17: {  	s4 =	simm.s32 $0x1BF5;
	[smem:$0x3FAE] =	sst s0  }
0x18: {  	s0 =	sld [smem:$0x3F91];
	_ =	swait.ge [sflag:s4], $0x0  }
0x19: {  	s7 =	sld [smem:$0x3F92]  }
0x1a: {  	s8 =	sadd.s32 $0xFFFFE003, lr  }
0x1b: {  	s9 =	sadd.s32 $0xFFFFFEF7, lr;
	s5 =	simm.s32 $0xFFFFFFFF;
	p2 =	slt.u32 s8, $0xFFFFF086  }
0x1c: {  	p1 =	slt.u32 s9, $0xF7A;
	s5 =	simm.s32 @!p2 $0x0  }
0x1d: {  	s5 =	simm.s32 @p1 $0x1;
	p0 =	seq.s32 s7, s2  }
0x1e: {  	s7 =	smul.u32 @!p0 $0xF7A, s2;
	p2 =	seq.s32 @!p0 s5, $0x0  }
0x1f: {  	s9 =	smul.u32 $0xF7A, s1;
	s8 =	simm.s32 @!p0 $0x1BF5;
	p2 =	por !p2, p0  }
0x20: {  	[sflag:s8] =	ssyncset.s32 @!p0 $0xFFFFF086;
	s6 =	sadd.s32 @!p0 s3, s7;
	s7 =	simm.s32 @!p0 $0x108  }
0x21: {  	s3 =	sadd.s32 s3, s9;
	s6 =	sadd.s32 @!p0 $0x88, s6;
	s7 =	simm.s32 @p2 $0x1082  }
0x22: {  	[simem:s7], [sflag:s8] =	dma.local @!p0 [hbm:s6], $0xF7A  }
0x23: {  	s9 =	sor.u32 $0xD0000000, s2;
	s6 =	simm.s32 $0x108;
	_ =	swait.ge @!p0 [sflag:s8], $0x0  }
0x24: {  	s3 =	sadd.s32 $0x88, s3;
	s6 =	simm.s32 @!p1 $0x1082;
	[sflag:s4] =	ssyncset.s32 $0xFFFFF086  }
0x25: {  	[simem:s6], [sflag:s4] =	dma.local [hbm:s3], $0xF7A  }
0x26: {  	[smem:$0x3F92] =	sst s1;
	(tag) =	ssettag s2;
	_ =	strace s9  }
0x27: {  	s1 =	sld [smem:$0x3FA2]  }
0x28: {  	s2 =	sld [smem:$0x3FA3]  }
0x29: {  	s4 =	sld [smem:$0x3FA5]  }
0x2a: {  	p0 =	seq.s32 s5, $0x0;
	s5 =	sld [smem:$0x3FA6]  }
0x2b: {  	s6 =	sld [smem:$0x3FA7]  }
0x2c: {  	s7 =	sld [smem:$0x3FA8]  }
0x2d: {  	s3 =	simm.s32 $0x108;
	s8 =	sld [smem:$0x3FA9]  }
0x2e: {  	s3 =	simm.s32 @!p0 $0x1082;
	s9 =	sld [smem:$0x3FAA]  }
0x2f: {  	lr =	sadd.s32 s0, s3;
	s0 =	sld [smem:$0x3FA1]  }
0x30: {  	s3 =	sld [smem:$0x3FA4]  }
0x31: {  	[smem:$0x3FAD] =	sst s10  }
0x32: {  	s10 =	sld [smem:$0x3FAB];
	_ =	sdelay $0x3  }
0x33: {  	p0 =	seq.s32 s10, $0x1;
	s10 =	sld [smem:$0x3FAD];
	_ =	sdelay $0x3  }
0x34: {  	[smem:$0x3FAD] =	sst s10  }
0x35: {  	s10 =	sld [smem:$0x3FAC];
	_ =	sdelay $0x3  }
0x36: {  	p1 =	seq.s32 s10, $0x1;
	s10 =	sld [smem:$0x3FAD];
	_ =	sdelay $0x3  }
0x37: {  	[smem:$0x3FAD] =	sst s10  }
0x38: {  	s10 =	sld [smem:$0x3FAE]  }
0x39: {  	_ = 	snop;
	(pc) =	sbr.ind lr, $3  }
0x3a: {  	_ = 	snop  }
0x3b: {  	_ = 	snop  }
0x3c: {  	p2 =	seq.s32 s10, $0x1;
	s10 =	sld [smem:$0x3FAD]  }
0x3d: {  	_ =	shalt  }
0x3e: {  	_ =	shalt  }
0x3f: {  	_ =	shalt  }
0x40: {  	_ =	shalt  }
0x41: {  	_ =	shalt  }
0x42: {  	_ =	shalt  }
0x43: {  	_ =	shalt  }
0x44: {  	_ =	shalt  }
0x45: {  	_ =	shalt  }
0x46: {  	_ =	shalt  }
0x47: {  	_ =	shalt  }
0x48: {  	_ =	shalt  }
0x49: {  	_ =	shalt  }
0x4a: {  	_ =	shalt  }
0x4b: {  	_ =	shalt  }
0x4c: {  	_ =	shalt  }
0x4d: {  	_ =	shalt  }
0x4e: {  	_ =	shalt  }
0x4f: {  	_ =	shalt  }
0x50: {  	_ =	shalt  }
0x51: {  	_ =	shalt  }
0x52: {  	_ =	shalt  }
0x53: {  	_ =	shalt  }
0x54: {  	_ =	shalt  }
0x55: {  	_ =	shalt  }
0x56: {  	_ =	shalt  }
0x57: {  	_ =	shalt  }
0x58: {  	_ =	shalt  }
0x59: {  	_ =	shalt  }
0x5a: {  	_ =	shalt  }
0x5b: {  	_ =	shalt  }
0x5c: {  	_ =	shalt  }
0x5d: {  	_ =	shalt  }
0x5e: {  	_ =	shalt  }
0x5f: {  	_ =	shalt  }
0x60: {  	_ =	shalt  }
0x61: {  	_ =	shalt  }
0x62: {  	_ =	shalt  }
0x63: {  	_ =	shalt  }
0x64: {  	_ =	shalt  }
0x65: {  	_ =	shalt  }
0x66: {  	_ =	shalt  }
0x67: {  	_ =	shalt  }
0x68: {  	_ =	shalt  }
0x69: {  	_ =	shalt  }
0x6a: {  	_ =	shalt  }
0x6b: {  	_ =	shalt  }
0x6c: {  	_ =	shalt  }
0x6d: {  	_ =	shalt  }
0x6e: {  	_ =	shalt  }
0x6f: {  	_ =	shalt  }
0x70: {  	_ =	shalt  }
0x71: {  	_ =	shalt  }
0x72: {  	_ =	shalt  }
0x73: {  	_ =	shalt  }
0x74: {  	_ =	shalt  }
0x75: {  	_ =	shalt  }
0x76: {  	_ =	shalt  }
0x77: {  	_ =	shalt  }
0x78: {  	_ =	shalt  }
0x79: {  	_ =	shalt  }
0x7a: {  	_ =	shalt  }
0x7b: {  	_ =	shalt  }
0x7c: {  	_ =	shalt  }
0x7d: {  	_ =	shalt  }
0x7e: {  	_ =	shalt  }
0x7f: {  	_ =	shalt  }
0x80: {  	_ =	shalt  }
0x81: {  	_ =	shalt  }
0x82: {  	_ =	shalt  }
0x83: {  	_ =	shalt  }
0x84: {  	_ =	shalt  }
0x85: {  	_ =	shalt  }
0x86: {  	_ =	shalt  }
0x87: {  	_ =	shalt  }
.Lfunc_end0:
.L_simem_size_0:
called_computation_lowered:
.L_overlay_start_0:
0x88: {  	s2 =	sld [smem:$0x3FD9]  }
0x89: {  	s3 =	sld [smem:$0x3FFE];
	_ =	sdelay $0x1  }
0x8a: {  	s1 =	srdreg.scid  }
0x8b: {  	s0 =	sand.u32 $0x1, s1  }
0x8c: {  	s16 =	sshll.u32 s0, $0xA;
	s2 =	sadd.s32 s3, s2  }
0x8d: {  	s2 =	sadd.s32 s2, s16  }
0x8e: {  	[smem:$0x3FB9] =	sst s2  }
0x8f: {  	_ = 	snop  }
0x90: {  	(tm) =	ssettm $0x1  }
0x91: {  	s17 =	sld [smem:$0x3FFB];
	_ =	sdelay $0x3  }
0x92: {  	_ =	strace s17  }
0x93: {  	s2 =	sld [smem:$0x3FFC];
	_ =	sdelay $0x3  }
0x94: {  	_ =	strace s2  }
0x95: {  	s2 =	sld [smem:$0x3FFD];
	_ =	sdelay $0x3  }
0x96: {  	_ =	strace s2  }
0x97: {  	_ =	strace $0x8FFFFFFF  }
0x98: {  	s18 =	sld [smem:$0x3FDB];
	_ =	sdelay $0x1  }
0x99: {  	s19 =	simm.s32 $_scs_section_size  }
0x9a: {  	s4 =	simm.s32 $_size__tile_overlayer_lowered;
	s5 =	simm.s32 $_tile_overlayer_lowered  }
0x9b: {  	s22 =	simm.s32 $0x1BFF;
	s21 =	sshll.u32 s5, $0x1;
	s2 =	sadd.s32 s19, s18  }
0x9c: {  	s6 =	simm.s32 $0x0;
	s20 =	sshll.u32 s4, $0x1;
	s4 =	sadd.s32 s21, s2  }
0x9d: {  	[timem:s6], [sflag:s22] =	dma.local [hbm:s4], s20  }
0x9e: {  	_ =	swait.ge [sflag:s22], s20  }
0x9f: {  	s3 =	ssub.s32 $0x0, s20;
	[sflag:s22] =	ssyncset.done $0x0  }
0xa0: {  	[sflag:s22] =	ssyncadd.s32 s3;
	_ =	sdelay $0x1  }
0xa1: {  	s23 =	simm.s32 $0x1B8B  }
0xa2: {  	_ =	swait.ge [sflag:s23], $0x1  }
0xa3: {  	[sflag:s23] =	ssyncset.done $0x0  }
0xa4: {  	s25 =	simm.s32 $0x1B8E;
	s24 =	sld [smem:$0x3FFE];
	[sflag:s23] =	ssyncadd.s32 $0xFFFFFFFF  }
0xa5: {  	s26 =	simm.s32 $execute0_lowered;
	[smem:$0x3FD2] =	sst s25  }
0xa6: {  	s4 =	sshll.u32 s26, $0x1;
	_ =	strace $0x80000046;
	[dreg:$0x1] =	wrdreg $0xFFFFFFFF  }
0xa7: {  	s28 =	simm.s32 $_size_execute0_lowered;
	s2 =	sadd.s32 s2, s4;
	[dreg:$0x0] =	wrdreg $0x0  }
0xa8: {  	s4 =	sshll.u32 s28, $0x1;
	[dreg:$0x2] =	wrdreg s2  }
0xa9: {  	[dreg:$0x3] =	wrdreg s4  }
0xaa: {  	[dreg:$0x4] =	wrdreg $0xC0  }
0xab: {  	_ =	task [dreg:s6], $0x5FFFF  }
0xac: {  	[dreg:$0x1] =	wrdreg $0xFFFFFFFF  }
0xad: {  	[dreg:$0x0] =	wrdreg $0x60  }
0xae: {  	[dreg:$0x2] =	wrdreg s24  }
0xaf: {  	[dreg:$0x3] =	wrdreg $0x68000  }
0xb0: {  	[dreg:$0x4] =	wrdreg $0x9  }
0xb1: {  	_ =	task.clear_ibuf [dreg:s6], $0x5FFFF;
	_ =	strace $0x90000046  }
0xb2: {  	s29 =	simm.s32 $0x9;
	_ =	strace $0x80000048  }
0xb3: {  	_ =	swait.ge [sflag:s29], $0x1  }
0xb4: {  	[sflag:s29] =	ssyncadd.s32 $0xFFFFFFFF  }
0xb5: {  	_ =	strace $0x90000048  }
0xb6: {  	_ =	sfence  }
0xb7: {  	s30 =	sld [smem:$0x0];
	_ =	sdelay $0x2  }
0xb8: {  	s31 =	sshll.u32 s1, $0xD;
	s1 =	sshrl.u32 s1, $0x2  }
0xb9: {  	s3 =	sand.u32 $0x4000, s31;
	s1 =	sadd.s32 s1, s30  }
0xba: {  	s0 =	sor.u32 s3, s0;
	s1 =	sshll.u32 s1, $0x11  }
0xbb: {  	s0 =	sor.u32 s1, s0  }
0xbc: {  	s0 =	sadd.s32 $0x8F2B, s0  }
0xbd: {  	[sflag:s0] =	ssyncadd.remote.s32 $0x1  }
0xbe: {  	_ =	sfence.sel $0xFFFF  }
0xbf: {  	[dreg:$0x0] =	wrdreg $0xFFFFFFFF;
	(pc) =	sbr.abs _section_cstart, $3  }
0xc0: {  	[dreg:$0x1] =	wrdreg $0xFFFFFFFF  }
0xc1: {  	_ =	task.clear_ibuf [dreg:s6], $0x2FFFF;
	_ =	strace $0x9FFFFFFF  }
0xc2: {  	(tm) =	ssettm $0x7FFFFFFF  }
0xc3: {  	_ =	shalt  }
tec
execute0_lowered:
.L_overlay_start_1:
0x0: {  	(tag) =	ssettag $0x1  }
0x1: {  	s7 =	rddreg [dreg:$0x0]  }
0x2: {  	s0 =	srdreg.scid;
	s2 =	rddreg [dreg:$0x1]  }
0x3: {  	s3 =	simm.s32 $0x0;
	s13 =	simm.s32 $0x80;
	s6 =	sand.u32 $0x1, s0  }
0x4: {  	s14 =	simm.s32 $0x0;
	s0 =	stileid.u32;
	s5 =	smul.u32 $0x140000, s6  }
0x5: {  	[smem:$0x7FF] =	sst s3;
	s1 =	sshll.u32 s6, $0x4;
	s8 =	smul.u32 $0x14000, s0  }
0x6: {  	s10 =	smul.u32 $0x50000, s0;
	s6 =	ssub.s32 $0x2, s6;
	s11 =	sshll.u32 s0, $0x6  }
0x7: {  	s1 =	sor.u32 s0, s1;
	s31 =	sshrl.u32 s6, $0x1;
	s11 =	sor.u32 $0x1C01, s11  }
0x8: {  	s4 =	smul.u32 $0x500, s1;
	s1 =	rddreg [dreg:$0x2];
	_ =	strace $0x80000047  }
0x9: {  	s8 =	sadd.s32 s8, s5;
	s5 =	sadd.s32 $0x18600, s7;
	s10 =	sshrl.u32 s10, $0x2  }
0xa: {  	s8 =	sshrl.u32 s8, $0x3;
	s12 =	sadd.s32 s10, s2;
	s10 =	simm.s32 $0x2800  }
0xb: {  	s9 =	sadd.s32 s4, s7;
	s4 =	sadd.s32 $0x17E00, s7;
	s7 =	sadd.s32 s8, s7  }
0xc: {  	s8 =	ssub.s32 s6, s31;
	s12 =	sshrl.u32 s12, $0x3;
	s6 =	sadd.s32 $0xDE00, s9  }
0xd: {  	s7 =	sadd.s32 $0x1AE00, s7;
	s8 =	smax.u32 s8, $0x1;
	s9 =	simm.s32 $0x1  }
.LBB2_1:
0xe: {  	[tilespmem:s3], [sflag:$0x1] =	stream.linear.gather [hbm4b:s6+s3], $0x2800, $0x38;
	[tilespmem:$0x1A800] =	vst v63  }
0xf: {  	_ =	swait.ge [sflag:s9], $0x2800  }
0x10: {  	[sflag:s9] =	ssyncset.done $0x0  }
0x11: {  	[sflag:s9] =	ssyncadd.s32 $0xFFFFD800  }
0x12: {  	[tilespmem:s10], [sflag:$0x1] =	stream.linear.gather [hbm4b:s4+s3], $0x4000, $0x38;
	[tilespmem:$0x1A800] =	vst v63  }
0x13: {  	_ =	swait.ge [sflag:s9], $0x4000  }
0x14: {  	[sflag:s9] =	ssyncset.done $0x0  }
0x15: {  	[sflag:s9] =	ssyncadd.s32 $0xFFFFC000  }
0x16: {  	[spmem:s12], [sflag:s11] =	dma.local [hbm:s5], $0x2800  }
0x17: {  	_ =	swait.ge [sflag:s9], $0x2800  }
0x18: {  	[sflag:s9] =	ssyncset.done $0x0  }
0x19: {  	[sflag:s9] =	ssyncadd.s32 $0xFFFFD800  }
0x1a: {  	s15 =	simm.s32 $0x0;
	[bflag:$0x0] =	sbarrier.arrive $0xFFFF  }
0x1b: {  	[spmem:s2] =	stream.indirect.scatter.add.f32 [tilespmem:s10], [sflag:$0x1], $0x80, s15, s13, $0xb8;
	[tilespmem:$0x1A800] =	vst v63  }
0x1c: {  	_ =	swait.ge [sflag:s9], $0x4000  }
0x1d: {  	s15 =	simm.s32 $0x200;
	[sflag:s9] =	ssyncset.done $0x0  }
.LBB2_2:
0x1e: {  	s16 =	sshra.s32 s15, $0x2;
	[sflag:s9] =	ssyncadd.s32 $0xFFFFC000;
	p0 =	sne.s32 s15, $0x9E00  }
0x1f: {  	[spmem:s2] =	stream.indirect.scatter.add.f32 [tilespmem:s10], [sflag:$0x1], $0x80, s16, s13, $0xb8;
	[tilespmem:$0x1A800] =	vst v63  }
.Ltmp0:
0x20: {  	_ = 	snop;
	(pc) =	sbr.rel @p0 .LBB2_2-.Ltmp0, $4  }
0x21: {  	_ = 	snop  }
0x22: {  	s15 =	sadd.s32 $0x200, s15  }
0x23: {  	_ =	swait.ge [sflag:s9], $0x4000  }
0x24: {  	[sflag:s9] =	ssyncset.done $0x0  }
0x25: {  	s14 =	sadd.s32 $0x1, s14  }
0x26: {  	[sflag:s9] =	ssyncadd.s32 $0xFFFFC000;
	p0 =	sne.s32 s14, s8  }
.Ltmp1:
0x27: {  	[bflag:$0x0] =	sbarrier.arrive $0xFFFF;
	(pc) =	sbr.rel @p0 .LBB2_1-.Ltmp1, $4  }
0x28: {  	[hbm:s7], [sflag:s11] =	dma.local [spmem:s12], $0x2800  }
0x29: {  	_ =	swait.ge [sflag:s9], $0x2800  }
0x2a: {  	[sflag:s9] =	ssyncset.done $0x0  }
0x2b: {  	[sflag:s9] =	ssyncadd.s32 $0xFFFFD800  }
0x2c: {  	_ =	sfence.sel $0x180000  }
0x2d: {  	[bflag:$0x0] =	sbarrier.arrive $0xFFFF  }
0x2e: {  	p0 =	sne.s32 s0, $0x0;
	_ =	strace $0x90000047  }
0x2f: {  	s0 =	sadd.s32 @!p0 $0x100000, s1;
	[bflag:$0x2] =	sbarrier.arrive $0xFFFF  }
0x30: {  	[sflag:s0] =	ssyncadd.tile.s32 @!p0 $0x1;
	_ =	shalt  }
.Lfunc_end2:
_tile_overlayer_lowered:
.L_overlay_start_2:
0x31: {  	(tag) =	ssettag $0x2  }
0x32: {  	s0 =	rddreg [dreg:$0x0];
	s2 =	stileid.u32  }
0x33: {  	s1 =	rddreg [dreg:$0x1];
	p0 =	sne.s32 s2, $0x0  }
0x34: {  	s3 =	rddreg [dreg:$0x2];
	[bflag:$0x3] =	sbarrier.arrive $0xFFFF;
	s2 =	simm.s32 @!p0 $0x1C01  }
0x35: {  	[timem:s3], [sflag:s2] =	dma.local @!p0 [hbm:s0], s1  }
0x36: {  	s0 =	simm.s32 @!p0 $0x1  }
0x37: {  	_ =	swait.ge @!p0 [sflag:s0], s1  }
0x38: {  	s1 =	ssub.s32 @!p0 $0x0, s1;
	[sflag:s0] =	ssyncset.done @!p0 $0x0  }
0x39: {  	[sflag:s0] =	ssyncadd.s32 @!p0 s1  }
0x3a: {  	[bflag:$0x3] =	sbarrier.arrive $0xFFFF  }
0x3b: {  	_ =	shalt  }

// kernel: kernel.14.cloned.1.call-start
scs
__scs_entry_jumppad:
0x0: {  	(pc) =	sbr.rel $0x88, $3  }
0x1: {  	(tag) =	ssettag $0x0;
	lr =	simm.s32 $0x1  }
0x2: {  	[smem:$0x3F92] =	sst lr;
	_ =	strace $0xD0000000  }
0x3: {  	_ = 	snop  }
0x4: {  	_ = 	snop  }
0x5: {  	_ = 	snop  }
0x6: {  	_ = 	snop  }
0x7: {  	_ = 	snop  }
__scs_overlays_trampoline_lowered:
0x8: {  	[smem:$0x3FA1] =	sst s0  }
0x9: {  	[smem:$0x3FA2] =	sst s1  }
0xa: {  	[smem:$0x3FA3] =	sst s2  }
0xb: {  	[smem:$0x3FA4] =	sst s3  }
0xc: {  	[smem:$0x3FA5] =	sst s4  }
0xd: {  	[smem:$0x3FA6] =	sst s5  }
0xe: {  	[smem:$0x3FA7] =	sst s6  }
0xf: {  	[smem:$0x3FA8] =	sst s7  }
0x10: {  	[smem:$0x3FA9] =	sst s8  }
0x11: {  	[smem:$0x3FAA] =	sst s9;
	s0 =	simm.s32 @!p0 $0x0  }
0x12: {  	s1 =	sld [smem:$0x3F90];
	s0 =	simm.s32 @p0 $0x1  }
0x13: {  	[smem:$0x3FAB] =	sst s0;
	s0 =	simm.s32 @!p1 $0x0  }
0x14: {  	s2 =	sld [smem:$0x3F8F];
	s0 =	simm.s32 @p1 $0x1  }
0x15: {  	[smem:$0x3FAC] =	sst s0;
	s0 =	simm.s32 @!p2 $0x0  }
0x16: {  	s3 =	sld [smem:$0x3FDB];
	s0 =	simm.s32 @p2 $0x1  }
0x17: {  	s4 =	simm.s32 $0x1BF5;
	[smem:$0x3FAE] =	sst s0  }
0x18: {  	s0 =	sld [smem:$0x3F91];
	_ =	swait.ge [sflag:s4], $0x0  }
0x19: {  	s7 =	sld [smem:$0x3F92]  }
0x1a: {  	s8 =	sadd.s32 $0xFFFFE003, lr  }
0x1b: {  	s9 =	sadd.s32 $0xFFFFFEF7, lr;
	s5 =	simm.s32 $0xFFFFFFFF;
	p2 =	slt.u32 s8, $0xFFFFF086  }
0x1c: {  	p1 =	slt.u32 s9, $0xF7A;
	s5 =	simm.s32 @!p2 $0x0  }
0x1d: {  	s5 =	simm.s32 @p1 $0x1;
	p0 =	seq.s32 s7, s2  }
0x1e: {  	s7 =	smul.u32 @!p0 $0xF7A, s2;
	p2 =	seq.s32 @!p0 s5, $0x0  }
0x1f: {  	s9 =	smul.u32 $0xF7A, s1;
	s8 =	simm.s32 @!p0 $0x1BF5;
	p2 =	por !p2, p0  }
0x20: {  	[sflag:s8] =	ssyncset.s32 @!p0 $0xFFFFF086;
	s6 =	sadd.s32 @!p0 s3, s7;
	s7 =	simm.s32 @!p0 $0x108  }
0x21: {  	s3 =	sadd.s32 s3, s9;
	s6 =	sadd.s32 @!p0 $0x88, s6;
	s7 =	simm.s32 @p2 $0x1082  }
0x22: {  	[simem:s7], [sflag:s8] =	dma.local @!p0 [hbm:s6], $0xF7A  }
0x23: {  	s9 =	sor.u32 $0xD0000000, s2;
	s6 =	simm.s32 $0x108;
	_ =	swait.ge @!p0 [sflag:s8], $0x0  }
0x24: {  	s3 =	sadd.s32 $0x88, s3;
	s6 =	simm.s32 @!p1 $0x1082;
	[sflag:s4] =	ssyncset.s32 $0xFFFFF086  }
0x25: {  	[simem:s6], [sflag:s4] =	dma.local [hbm:s3], $0xF7A  }
0x26: {  	[smem:$0x3F92] =	sst s1;
	(tag) =	ssettag s2;
	_ =	strace s9  }
0x27: {  	s1 =	sld [smem:$0x3FA2]  }
0x28: {  	s2 =	sld [smem:$0x3FA3]  }
0x29: {  	s4 =	sld [smem:$0x3FA5]  }
0x2a: {  	p0 =	seq.s32 s5, $0x0;
	s5 =	sld [smem:$0x3FA6]  }
0x2b: {  	s6 =	sld [smem:$0x3FA7]  }
0x2c: {  	s7 =	sld [smem:$0x3FA8]  }
0x2d: {  	s3 =	simm.s32 $0x108;
	s8 =	sld [smem:$0x3FA9]  }
0x2e: {  	s3 =	simm.s32 @!p0 $0x1082;
	s9 =	sld [smem:$0x3FAA]  }
0x2f: {  	lr =	sadd.s32 s0, s3;
	s0 =	sld [smem:$0x3FA1]  }
0x30: {  	s3 =	sld [smem:$0x3FA4]  }
0x31: {  	[smem:$0x3FAD] =	sst s10  }
0x32: {  	s10 =	sld [smem:$0x3FAB];
	_ =	sdelay $0x3  }
0x33: {  	p0 =	seq.s32 s10, $0x1;
	s10 =	sld [smem:$0x3FAD];
	_ =	sdelay $0x3  }
0x34: {  	[smem:$0x3FAD] =	sst s10  }
0x35: {  	s10 =	sld [smem:$0x3FAC];
	_ =	sdelay $0x3  }
0x36: {  	p1 =	seq.s32 s10, $0x1;
	s10 =	sld [smem:$0x3FAD];
	_ =	sdelay $0x3  }
0x37: {  	[smem:$0x3FAD] =	sst s10  }
0x38: {  	s10 =	sld [smem:$0x3FAE]  }
0x39: {  	_ = 	snop;
	(pc) =	sbr.ind lr, $3  }
0x3a: {  	_ = 	snop  }
0x3b: {  	_ = 	snop  }
0x3c: {  	p2 =	seq.s32 s10, $0x1;
	s10 =	sld [smem:$0x3FAD]  }
0x3d: {  	_ =	shalt  }
0x3e: {  	_ =	shalt  }
0x3f: {  	_ =	shalt  }
0x40: {  	_ =	shalt  }
0x41: {  	_ =	shalt  }
0x42: {  	_ =	shalt  }
0x43: {  	_ =	shalt  }
0x44: {  	_ =	shalt  }
0x45: {  	_ =	shalt  }
0x46: {  	_ =	shalt  }
0x47: {  	_ =	shalt  }
0x48: {  	_ =	shalt  }
0x49: {  	_ =	shalt  }
0x4a: {  	_ =	shalt  }
0x4b: {  	_ =	shalt  }
0x4c: {  	_ =	shalt  }
0x4d: {  	_ =	shalt  }
0x4e: {  	_ =	shalt  }
0x4f: {  	_ =	shalt  }
0x50: {  	_ =	shalt  }
0x51: {  	_ =	shalt  }
0x52: {  	_ =	shalt  }
0x53: {  	_ =	shalt  }
0x54: {  	_ =	shalt  }
0x55: {  	_ =	shalt  }
0x56: {  	_ =	shalt  }
0x57: {  	_ =	shalt  }
0x58: {  	_ =	shalt  }
0x59: {  	_ =	shalt  }
0x5a: {  	_ =	shalt  }
0x5b: {  	_ =	shalt  }
0x5c: {  	_ =	shalt  }
0x5d: {  	_ =	shalt  }
0x5e: {  	_ =	shalt  }
0x5f: {  	_ =	shalt  }
0x60: {  	_ =	shalt  }
0x61: {  	_ =	shalt  }
0x62: {  	_ =	shalt  }
0x63: {  	_ =	shalt  }
0x64: {  	_ =	shalt  }
0x65: {  	_ =	shalt  }
0x66: {  	_ =	shalt  }
0x67: {  	_ =	shalt  }
0x68: {  	_ =	shalt  }
0x69: {  	_ =	shalt  }
0x6a: {  	_ =	shalt  }
0x6b: {  	_ =	shalt  }
0x6c: {  	_ =	shalt  }
0x6d: {  	_ =	shalt  }
0x6e: {  	_ =	shalt  }
0x6f: {  	_ =	shalt  }
0x70: {  	_ =	shalt  }
0x71: {  	_ =	shalt  }
0x72: {  	_ =	shalt  }
0x73: {  	_ =	shalt  }
0x74: {  	_ =	shalt  }
0x75: {  	_ =	shalt  }
0x76: {  	_ =	shalt  }
0x77: {  	_ =	shalt  }
0x78: {  	_ =	shalt  }
0x79: {  	_ =	shalt  }
0x7a: {  	_ =	shalt  }
0x7b: {  	_ =	shalt  }
0x7c: {  	_ =	shalt  }
0x7d: {  	_ =	shalt  }
0x7e: {  	_ =	shalt  }
0x7f: {  	_ =	shalt  }
0x80: {  	_ =	shalt  }
0x81: {  	_ =	shalt  }
0x82: {  	_ =	shalt  }
0x83: {  	_ =	shalt  }
0x84: {  	_ =	shalt  }
0x85: {  	_ =	shalt  }
0x86: {  	_ =	shalt  }
0x87: {  	_ =	shalt  }
.Lfunc_end0:
.L_simem_size_0:
called_computation.1_lowered:
.L_overlay_start_0:
0x88: {  	s2 =	sld [smem:$0x3FD9]  }
0x89: {  	s3 =	sld [smem:$0x3FFE];
	_ =	sdelay $0x1  }
0x8a: {  	s1 =	srdreg.scid  }
0x8b: {  	s0 =	sand.u32 $0x1, s1  }
0x8c: {  	s16 =	sshll.u32 s0, $0xA;
	s2 =	sadd.s32 s3, s2  }
0x8d: {  	s2 =	sadd.s32 s2, s16  }
0x8e: {  	[smem:$0x3FB9] =	sst s2  }
0x8f: {  	_ = 	snop  }
0x90: {  	(tm) =	ssettm $0x1  }
0x91: {  	s17 =	sld [smem:$0x3FFB];
	_ =	sdelay $0x3  }
0x92: {  	_ =	strace s17  }
0x93: {  	s2 =	sld [smem:$0x3FFC];
	_ =	sdelay $0x3  }
0x94: {  	_ =	strace s2  }
0x95: {  	s2 =	sld [smem:$0x3FFD];
	_ =	sdelay $0x3  }
0x96: {  	_ =	strace s2  }
0x97: {  	_ =	strace $0x8FFFFFFF  }
0x98: {  	s18 =	sld [smem:$0x3FDB];
	_ =	sdelay $0x1  }
0x99: {  	s19 =	simm.s32 $_scs_section_size  }
0x9a: {  	s4 =	simm.s32 $_size__tile_overlayer_lowered;
	s5 =	simm.s32 $_tile_overlayer_lowered  }
0x9b: {  	s22 =	simm.s32 $0x1BFF;
	s21 =	sshll.u32 s5, $0x1;
	s2 =	sadd.s32 s19, s18  }
0x9c: {  	s6 =	simm.s32 $0x0;
	s20 =	sshll.u32 s4, $0x1;
	s4 =	sadd.s32 s21, s2  }
0x9d: {  	[timem:s6], [sflag:s22] =	dma.local [hbm:s4], s20  }
0x9e: {  	_ =	swait.ge [sflag:s22], s20  }
0x9f: {  	s3 =	ssub.s32 $0x0, s20;
	[sflag:s22] =	ssyncset.done $0x0  }
0xa0: {  	[sflag:s22] =	ssyncadd.s32 s3;
	_ =	sdelay $0x1  }
0xa1: {  	s23 =	simm.s32 $0x1B8B  }
0xa2: {  	_ =	swait.ge [sflag:s23], $0x1  }
0xa3: {  	[sflag:s23] =	ssyncset.done $0x0  }
0xa4: {  	s25 =	simm.s32 $0x1B8E;
	s24 =	sld [smem:$0x3FFE];
	[sflag:s23] =	ssyncadd.s32 $0xFFFFFFFF  }
0xa5: {  	s26 =	simm.s32 $execute0_lowered;
	[smem:$0x3FD2] =	sst s25  }
0xa6: {  	s4 =	sshll.u32 s26, $0x1;
	_ =	strace $0x80000049;
	[dreg:$0x1] =	wrdreg $0xFFFFFFFF  }
0xa7: {  	s28 =	simm.s32 $_size_execute0_lowered;
	s2 =	sadd.s32 s2, s4;
	[dreg:$0x0] =	wrdreg $0x0  }
0xa8: {  	s4 =	sshll.u32 s28, $0x1;
	[dreg:$0x2] =	wrdreg s2  }
0xa9: {  	[dreg:$0x3] =	wrdreg s4  }
0xaa: {  	[dreg:$0x4] =	wrdreg $0xC0  }
0xab: {  	_ =	task [dreg:s6], $0x5FFFF  }
0xac: {  	[dreg:$0x1] =	wrdreg $0xFFFFFFFF  }
0xad: {  	[dreg:$0x0] =	wrdreg $0x60  }
0xae: {  	[dreg:$0x2] =	wrdreg s24  }
0xaf: {  	[dreg:$0x3] =	wrdreg $0xAC000  }
0xb0: {  	[dreg:$0x4] =	wrdreg $0x9  }
0xb1: {  	_ =	task.clear_ibuf [dreg:s6], $0x5FFFF;
	_ =	strace $0x90000049  }
0xb2: {  	s29 =	simm.s32 $0x9;
	_ =	strace $0x8000004B  }
0xb3: {  	_ =	swait.ge [sflag:s29], $0x1  }
0xb4: {  	[sflag:s29] =	ssyncadd.s32 $0xFFFFFFFF  }
0xb5: {  	_ =	strace $0x9000004B  }
0xb6: {  	_ =	sfence  }
0xb7: {  	s30 =	sld [smem:$0x0];
	_ =	sdelay $0x2  }
0xb8: {  	s31 =	sshll.u32 s1, $0xD;
	s1 =	sshrl.u32 s1, $0x2  }
0xb9: {  	s3 =	sand.u32 $0x4000, s31;
	s1 =	sadd.s32 s1, s30  }
0xba: {  	s0 =	sor.u32 s3, s0;
	s1 =	sshll.u32 s1, $0x11  }
0xbb: {  	s0 =	sor.u32 s1, s0  }
0xbc: {  	s0 =	sadd.s32 $0x8F2B, s0  }
0xbd: {  	[sflag:s0] =	ssyncadd.remote.s32 $0x1  }
0xbe: {  	_ =	sfence.sel $0xFFFF  }
0xbf: {  	[dreg:$0x0] =	wrdreg $0xFFFFFFFF;
	(pc) =	sbr.abs _section_cstart, $3  }
0xc0: {  	[dreg:$0x1] =	wrdreg $0xFFFFFFFF  }
0xc1: {  	_ =	task.clear_ibuf [dreg:s6], $0x2FFFF;
	_ =	strace $0x9FFFFFFF  }
0xc2: {  	(tm) =	ssettm $0x7FFFFFFF  }
0xc3: {  	_ =	shalt  }
tec
execute0_lowered:
.L_overlay_start_1:
0x0: {  	(tag) =	ssettag $0x1  }
0x1: {  	s0 =	srdreg.scid;
	s6 =	rddreg [dreg:$0x0]  }
0x2: {  	s2 =	rddreg [dreg:$0x1];
	s14 =	simm.s32 $0x80;
	s15 =	simm.s32 $0x2C00  }
0x3: {  	s16 =	simm.s32 $0x6C00;
	s17 =	simm.s32 $0x1;
	s18 =	simm.s32 $0x100  }
0x4: {  	s19 =	simm.s32 $0x2;
	s20 =	simm.s32 $0x180;
	s5 =	sand.u32 $0x1, s0  }
0x5: {  	s21 =	simm.s32 $0x200;
	s0 =	stileid.u32;
	s4 =	smul.u32 $0x28000, s5  }
0x6: {  	s22 =	simm.s32 $0x280;
	s23 =	simm.s32 $0x300;
	s7 =	smul.u32 $0x2800, s0  }
0x7: {  	s24 =	simm.s32 $0x380;
	s25 =	simm.s32 $0x0;
	s26 =	smul.u32 $0x140000, s5  }
0x8: {  	s1 =	sshll.u32 s5, $0x4;
	s9 =	smul.u32 $0x14000, s0;
	s29 =	ssub.s32 $0x2, s5  }
0x9: {  	s11 =	smul.u32 $0x50000, s0;
	s5 =	sadd.s32 $0x18600, s6;
	s12 =	sshll.u32 s0, $0x6  }
0xa: {  	s3 =	sor.u32 s0, s1;
	s1 =	rddreg [dreg:$0x2];
	s30 =	sshrl.u32 s29, $0x1  }
0xb: {  	s12 =	sor.u32 $0x1C03, s12;
	s8 =	smul.u32 $0x2800, s3;
	s3 =	simm.s32 $0x0  }
0xc: {  	s4 =	sadd.s32 s7, s4;
	s7 =	sadd.s32 s9, s26;
	s9 =	ssub.s32 s29, s30  }
0xd: {  	s31 =	sshrl.u32 s11, $0x2;
	s11 =	simm.s32 $0x3;
	[smem:$0x7FF] =	sst s3  }
0xe: {  	s4 =	sshrl.u32 s4, $0x3;
	s7 =	sshrl.u32 s7, $0x3;
	s13 =	sadd.s32 s31, s2  }
0xf: {  	_ =	strace $0x8000004A;
	s10 =	sadd.s32 s4, s6;
	s28 =	sshrl.u32 s8, $0x3  }
0x10: {  	s4 =	sadd.s32 $0x1AE00, s6;
	s7 =	sadd.s32 s7, s6;
	s8 =	sadd.s32 s28, s6  }
0x11: {  	s13 =	sshrl.u32 s13, $0x3;
	s7 =	sadd.s32 $0x42000, s7;
	s6 =	sadd.s32 $0xDE00, s8  }
0x12: {  	s8 =	smax.u32 s9, $0x1;
	s9 =	sadd.s32 $0x3E00, s10;
	s10 =	simm.s32 $0x400  }
.LBB2_1:
0x13: {  	[tilespmem:s10], [sflag:$0x3] =	stream.linear.gather [hbm4b:s6+s3], $0x2800, $0x38;
	[tilespmem:$0x1EC00] =	vst v63  }
0x14: {  	_ =	swait.ge [sflag:s11], $0x2800  }
0x15: {  	[sflag:s11] =	ssyncset.done $0x0  }
0x16: {  	[sflag:s11] =	ssyncadd.s32 $0xFFFFD800  }
0x17: {  	[spmem:s13], [sflag:s12] =	dma.local [hbm:s5], $0x2800  }
0x18: {  	_ =	swait.ge [sflag:s11], $0x2800  }
0x19: {  	[sflag:s11] =	ssyncset.done $0x0  }
0x1a: {  	[sflag:s11] =	ssyncadd.s32 $0xFFFFD800  }
0x1b: {  	[bflag:$0x0] =	sbarrier.arrive $0xFFFF  }
0x1c: {  	[tilespmem:s3], [sflag:$0x3] =	stream.linear.gather [hbm4b:s9+s3], $0x400, $0x38;
	[tilespmem:$0x1EC00] =	vst v63  }
0x1d: {  	_ =	swait.ge [sflag:s11], $0x400  }
0x1e: {  	[sflag:s11] =	ssyncset.done $0x0  }
0x1f: {  	[sflag:s11] =	ssyncadd.s32 $0xFFFFFC00  }
0x20: {  	[tilespmem:s15], [sflag:$0x1] =	stream.indirect.gather [hbm4b:s4+s14], $0x80, s3, s14, $0xb8;
	[tilespmem:$0x1EC00] =	vst v63  }
0x21: {  	_ = 	snop  }
0x22: {  	[tilespmem:s16], [sflag:$0x2] =	stream.indirect.gather [hbm4b:s4+s14], $0x80, s14, s14, $0xb8;
	[tilespmem:$0x1EC00] =	vst v63  }
0x23: {  	_ =	swait.ge [sflag:s17], $0x4000  }
0x24: {  	[sflag:s17] =	ssyncset.done $0x0  }
0x25: {  	s26 =	simm.s32 $0x400;
	[sflag:s17] =	ssyncadd.s32 $0xFFFFC000  }
0x26: {  	[spmem:s2] =	stream.indirect.scatter.add.f32 [tilespmem:s15], [sflag:$0x3], $0x80, s26, s14, $0xb8;
	[tilespmem:$0x1EC00] =	vst v63  }
0x27: {  	_ =	swait.ge [sflag:s11], $0x4000  }
0x28: {  	[sflag:s11] =	ssyncset.done $0x0  }
0x29: {  	[sflag:s11] =	ssyncadd.s32 $0xFFFFC000  }
0x2a: {  	[tilespmem:s15], [sflag:$0x1] =	stream.indirect.gather [hbm4b:s4+s14], $0x80, s18, s14, $0xb8;
	[tilespmem:$0x1EC00] =	vst v63  }
0x2b: {  	_ =	swait.ge [sflag:s19], $0x4000  }
0x2c: {  	[sflag:s19] =	ssyncset.done $0x0  }
0x2d: {  	s31 =	simm.s32 $0x480;
	[sflag:s19] =	ssyncadd.s32 $0xFFFFC000  }
0x2e: {  	[spmem:s2] =	stream.indirect.scatter.add.f32 [tilespmem:s16], [sflag:$0x3], $0x80, s31, s14, $0xb8;
	[tilespmem:$0x1EC00] =	vst v63  }
0x2f: {  	_ =	swait.ge [sflag:s11], $0x4000  }
0x30: {  	[sflag:s11] =	ssyncset.done $0x0  }
0x31: {  	[sflag:s11] =	ssyncadd.s32 $0xFFFFC000  }
0x32: {  	[tilespmem:s16], [sflag:$0x2] =	stream.indirect.gather [hbm4b:s4+s14], $0x80, s20, s14, $0xb8;
	[tilespmem:$0x1EC00] =	vst v63  }
0x33: {  	_ =	swait.ge [sflag:s17], $0x4000  }
0x34: {  	[sflag:s17] =	ssyncset.done $0x0  }
0x35: {  	s29 =	simm.s32 $0x500;
	[sflag:s17] =	ssyncadd.s32 $0xFFFFC000  }
0x36: {  	[spmem:s2] =	stream.indirect.scatter.add.f32 [tilespmem:s15], [sflag:$0x3], $0x80, s29, s14, $0xb8;
	[tilespmem:$0x1EC00] =	vst v63  }
0x37: {  	_ =	swait.ge [sflag:s11], $0x4000  }
0x38: {  	[sflag:s11] =	ssyncset.done $0x0  }
0x39: {  	[sflag:s11] =	ssyncadd.s32 $0xFFFFC000  }
0x3a: {  	[tilespmem:s15], [sflag:$0x1] =	stream.indirect.gather [hbm4b:s4+s14], $0x80, s21, s14, $0xb8;
	[tilespmem:$0x1EC00] =	vst v63  }
0x3b: {  	_ =	swait.ge [sflag:s19], $0x4000  }
0x3c: {  	[sflag:s19] =	ssyncset.done $0x0  }
0x3d: {  	s30 =	simm.s32 $0x580;
	[sflag:s19] =	ssyncadd.s32 $0xFFFFC000  }
0x3e: {  	[spmem:s2] =	stream.indirect.scatter.add.f32 [tilespmem:s16], [sflag:$0x3], $0x80, s30, s14, $0xb8;
	[tilespmem:$0x1EC00] =	vst v63  }
0x3f: {  	_ =	swait.ge [sflag:s11], $0x4000  }
0x40: {  	[sflag:s11] =	ssyncset.done $0x0  }
0x41: {  	[sflag:s11] =	ssyncadd.s32 $0xFFFFC000  }
0x42: {  	[tilespmem:s16], [sflag:$0x2] =	stream.indirect.gather [hbm4b:s4+s14], $0x80, s22, s14, $0xb8;
	[tilespmem:$0x1EC00] =	vst v63  }
0x43: {  	_ =	swait.ge [sflag:s17], $0x4000  }
0x44: {  	[sflag:s17] =	ssyncset.done $0x0  }
0x45: {  	s31 =	simm.s32 $0x600;
	[sflag:s17] =	ssyncadd.s32 $0xFFFFC000  }
0x46: {  	[spmem:s2] =	stream.indirect.scatter.add.f32 [tilespmem:s15], [sflag:$0x3], $0x80, s31, s14, $0xb8;
	[tilespmem:$0x1EC00] =	vst v63  }
0x47: {  	_ =	swait.ge [sflag:s11], $0x4000  }
0x48: {  	[sflag:s11] =	ssyncset.done $0x0  }
0x49: {  	[sflag:s11] =	ssyncadd.s32 $0xFFFFC000  }
0x4a: {  	[tilespmem:s15], [sflag:$0x1] =	stream.indirect.gather [hbm4b:s4+s14], $0x80, s23, s14, $0xb8;
	[tilespmem:$0x1EC00] =	vst v63  }
0x4b: {  	_ =	swait.ge [sflag:s19], $0x4000  }
0x4c: {  	[sflag:s19] =	ssyncset.done $0x0  }
0x4d: {  	s29 =	simm.s32 $0x680;
	[sflag:s19] =	ssyncadd.s32 $0xFFFFC000  }
0x4e: {  	[spmem:s2] =	stream.indirect.scatter.add.f32 [tilespmem:s16], [sflag:$0x3], $0x80, s29, s14, $0xb8;
	[tilespmem:$0x1EC00] =	vst v63  }
0x4f: {  	_ =	swait.ge [sflag:s11], $0x4000  }
0x50: {  	[sflag:s11] =	ssyncset.done $0x0  }
0x51: {  	[sflag:s11] =	ssyncadd.s32 $0xFFFFC000  }
0x52: {  	[tilespmem:s16], [sflag:$0x2] =	stream.indirect.gather [hbm4b:s4+s14], $0x80, s24, s14, $0xb8;
	[tilespmem:$0x1EC00] =	vst v63  }
0x53: {  	_ =	swait.ge [sflag:s17], $0x4000  }
0x54: {  	[sflag:s17] =	ssyncset.done $0x0  }
0x55: {  	s30 =	simm.s32 $0x700;
	[sflag:s17] =	ssyncadd.s32 $0xFFFFC000  }
0x56: {  	[spmem:s2] =	stream.indirect.scatter.add.f32 [tilespmem:s15], [sflag:$0x3], $0x80, s30, s14, $0xb8;
	[tilespmem:$0x1EC00] =	vst v63  }
0x57: {  	_ =	swait.ge [sflag:s11], $0x4000  }
0x58: {  	[sflag:s11] =	ssyncset.done $0x0  }
0x59: {  	[sflag:s11] =	ssyncadd.s32 $0xFFFFC000  }
0x5a: {  	_ =	swait.ge [sflag:s19], $0x4000  }
0x5b: {  	[sflag:s19] =	ssyncset.done $0x0  }
0x5c: {  	s31 =	simm.s32 $0x780;
	[sflag:s19] =	ssyncadd.s32 $0xFFFFC000  }
0x5d: {  	[spmem:s2] =	stream.indirect.scatter.add.f32 [tilespmem:s16], [sflag:$0x3], $0x80, s31, s14, $0xb8;
	[tilespmem:$0x1EC00] =	vst v63  }
0x5e: {  	_ =	swait.ge [sflag:s11], $0x4000  }
0x5f: {  	s28 =	smov.u32 s9;
	s26 =	simm.s32 $0x1000;
	[sflag:s11] =	ssyncset.done $0x0  }
.LBB2_2:
0x60: {  	p0 =	sne.s32 s26, $0x9000;
	[sflag:s11] =	ssyncadd.s32 $0xFFFFC000;
	s28 =	sadd.s32 $0x80, s28  }
0x61: {  	[tilespmem:s3], [sflag:$0x3] =	stream.linear.gather [hbm4b:s28+s3], $0x400, $0x38;
	[tilespmem:$0x1EC00] =	vst v63  }
0x62: {  	s29 =	smov.u32 s26;
	s26 =	sadd.s32 $0x1000, s26;
	_ =	swait.ge [sflag:s11], $0x400  }
0x63: {  	[sflag:s11] =	ssyncset.done $0x0  }
0x64: {  	[sflag:s11] =	ssyncadd.s32 $0xFFFFFC00  }
0x65: {  	[tilespmem:s15], [sflag:$0x1] =	stream.indirect.gather [hbm4b:s4+s14], $0x80, s3, s14, $0xb8;
	[tilespmem:$0x1EC00] =	vst v63  }
0x66: {  	_ = 	snop  }
0x67: {  	[tilespmem:s16], [sflag:$0x2] =	stream.indirect.gather [hbm4b:s4+s14], $0x80, s14, s14, $0xb8;
	[tilespmem:$0x1EC00] =	vst v63  }
0x68: {  	_ =	swait.ge [sflag:s17], $0x4000  }
0x69: {  	s29 =	sshra.s32 s29, $0x2;
	[sflag:s17] =	ssyncset.done $0x0  }
0x6a: {  	s30 =	sadd.s32 $0x400, s29;
	[sflag:s17] =	ssyncadd.s32 $0xFFFFC000  }
0x6b: {  	[spmem:s2] =	stream.indirect.scatter.add.f32 [tilespmem:s15], [sflag:$0x3], $0x80, s30, s14, $0xb8;
	[tilespmem:$0x1EC00] =	vst v63  }
0x6c: {  	_ =	swait.ge [sflag:s11], $0x4000  }
0x6d: {  	[sflag:s11] =	ssyncset.done $0x0  }
0x6e: {  	[sflag:s11] =	ssyncadd.s32 $0xFFFFC000  }
0x6f: {  	[tilespmem:s15], [sflag:$0x1] =	stream.indirect.gather [hbm4b:s4+s14], $0x80, s18, s14, $0xb8;
	[tilespmem:$0x1EC00] =	vst v63  }
0x70: {  	_ =	swait.ge [sflag:s19], $0x4000  }
0x71: {  	[sflag:s19] =	ssyncset.done $0x0  }
0x72: {  	s30 =	sadd.s32 $0x480, s29;
	[sflag:s19] =	ssyncadd.s32 $0xFFFFC000  }
0x73: {  	[spmem:s2] =	stream.indirect.scatter.add.f32 [tilespmem:s16], [sflag:$0x3], $0x80, s30, s14, $0xb8;
	[tilespmem:$0x1EC00] =	vst v63  }
0x74: {  	_ =	swait.ge [sflag:s11], $0x4000  }
0x75: {  	[sflag:s11] =	ssyncset.done $0x0  }
0x76: {  	[sflag:s11] =	ssyncadd.s32 $0xFFFFC000  }
0x77: {  	[tilespmem:s16], [sflag:$0x2] =	stream.indirect.gather [hbm4b:s4+s14], $0x80, s20, s14, $0xb8;
	[tilespmem:$0x1EC00] =	vst v63  }
0x78: {  	_ =	swait.ge [sflag:s17], $0x4000  }
0x79: {  	[sflag:s17] =	ssyncset.done $0x0  }
0x7a: {  	s30 =	sadd.s32 $0x500, s29;
	[sflag:s17] =	ssyncadd.s32 $0xFFFFC000  }
0x7b: {  	[spmem:s2] =	stream.indirect.scatter.add.f32 [tilespmem:s15], [sflag:$0x3], $0x80, s30, s14, $0xb8;
	[tilespmem:$0x1EC00] =	vst v63  }
0x7c: {  	_ =	swait.ge [sflag:s11], $0x4000  }
0x7d: {  	[sflag:s11] =	ssyncset.done $0x0  }
0x7e: {  	[sflag:s11] =	ssyncadd.s32 $0xFFFFC000  }
0x7f: {  	[tilespmem:s15], [sflag:$0x1] =	stream.indirect.gather [hbm4b:s4+s14], $0x80, s21, s14, $0xb8;
	[tilespmem:$0x1EC00] =	vst v63  }
0x80: {  	_ =	swait.ge [sflag:s19], $0x4000  }
0x81: {  	[sflag:s19] =	ssyncset.done $0x0  }
0x82: {  	s30 =	sadd.s32 $0x580, s29;
	[sflag:s19] =	ssyncadd.s32 $0xFFFFC000  }
0x83: {  	[spmem:s2] =	stream.indirect.scatter.add.f32 [tilespmem:s16], [sflag:$0x3], $0x80, s30, s14, $0xb8;
	[tilespmem:$0x1EC00] =	vst v63  }
0x84: {  	_ =	swait.ge [sflag:s11], $0x4000  }
0x85: {  	[sflag:s11] =	ssyncset.done $0x0  }
0x86: {  	[sflag:s11] =	ssyncadd.s32 $0xFFFFC000  }
0x87: {  	[tilespmem:s16], [sflag:$0x2] =	stream.indirect.gather [hbm4b:s4+s14], $0x80, s22, s14, $0xb8;
	[tilespmem:$0x1EC00] =	vst v63  }
0x88: {  	_ =	swait.ge [sflag:s17], $0x4000  }
0x89: {  	[sflag:s17] =	ssyncset.done $0x0  }
0x8a: {  	s30 =	sadd.s32 $0x600, s29;
	[sflag:s17] =	ssyncadd.s32 $0xFFFFC000  }
0x8b: {  	[spmem:s2] =	stream.indirect.scatter.add.f32 [tilespmem:s15], [sflag:$0x3], $0x80, s30, s14, $0xb8;
	[tilespmem:$0x1EC00] =	vst v63  }
0x8c: {  	_ =	swait.ge [sflag:s11], $0x4000  }
0x8d: {  	[sflag:s11] =	ssyncset.done $0x0  }
0x8e: {  	[sflag:s11] =	ssyncadd.s32 $0xFFFFC000  }
0x8f: {  	[tilespmem:s15], [sflag:$0x1] =	stream.indirect.gather [hbm4b:s4+s14], $0x80, s23, s14, $0xb8;
	[tilespmem:$0x1EC00] =	vst v63  }
0x90: {  	_ =	swait.ge [sflag:s19], $0x4000  }
0x91: {  	[sflag:s19] =	ssyncset.done $0x0  }
0x92: {  	s30 =	sadd.s32 $0x680, s29;
	[sflag:s19] =	ssyncadd.s32 $0xFFFFC000  }
0x93: {  	[spmem:s2] =	stream.indirect.scatter.add.f32 [tilespmem:s16], [sflag:$0x3], $0x80, s30, s14, $0xb8;
	[tilespmem:$0x1EC00] =	vst v63  }
0x94: {  	_ =	swait.ge [sflag:s11], $0x4000  }
0x95: {  	[sflag:s11] =	ssyncset.done $0x0  }
0x96: {  	[sflag:s11] =	ssyncadd.s32 $0xFFFFC000  }
0x97: {  	[tilespmem:s16], [sflag:$0x2] =	stream.indirect.gather [hbm4b:s4+s14], $0x80, s24, s14, $0xb8;
	[tilespmem:$0x1EC00] =	vst v63  }
0x98: {  	_ =	swait.ge [sflag:s17], $0x4000  }
0x99: {  	[sflag:s17] =	ssyncset.done $0x0  }
0x9a: {  	s30 =	sadd.s32 $0x700, s29;
	[sflag:s17] =	ssyncadd.s32 $0xFFFFC000  }
0x9b: {  	[spmem:s2] =	stream.indirect.scatter.add.f32 [tilespmem:s15], [sflag:$0x3], $0x80, s30, s14, $0xb8;
	[tilespmem:$0x1EC00] =	vst v63  }
0x9c: {  	_ =	swait.ge [sflag:s11], $0x4000  }
0x9d: {  	[sflag:s11] =	ssyncset.done $0x0  }
0x9e: {  	[sflag:s11] =	ssyncadd.s32 $0xFFFFC000  }
0x9f: {  	_ =	swait.ge [sflag:s19], $0x4000  }
.Ltmp0:
0xa0: {  	[sflag:s19] =	ssyncset.done $0x0;
	(pc) =	sbr.rel @p0 .LBB2_2-.Ltmp0, $4  }
0xa1: {  	s29 =	sadd.s32 $0x780, s29;
	[sflag:s19] =	ssyncadd.s32 $0xFFFFC000  }
0xa2: {  	[spmem:s2] =	stream.indirect.scatter.add.f32 [tilespmem:s16], [sflag:$0x3], $0x80, s29, s14, $0xb8;
	[tilespmem:$0x1EC00] =	vst v63  }
0xa3: {  	_ =	swait.ge [sflag:s11], $0x4000  }
0xa4: {  	[sflag:s11] =	ssyncset.done $0x0  }
0xa5: {  	s25 =	sadd.s32 $0x1, s25  }
0xa6: {  	[sflag:s11] =	ssyncadd.s32 $0xFFFFC000;
	p0 =	sne.s32 s25, s8  }
.Ltmp1:
0xa7: {  	[bflag:$0x0] =	sbarrier.arrive $0xFFFF;
	(pc) =	sbr.rel @p0 .LBB2_1-.Ltmp1, $4  }
0xa8: {  	[hbm:s7], [sflag:s12] =	dma.local [spmem:s13], $0x2800  }
0xa9: {  	_ =	swait.ge [sflag:s11], $0x2800  }
0xaa: {  	[sflag:s11] =	ssyncset.done $0x0  }
0xab: {  	[sflag:s11] =	ssyncadd.s32 $0xFFFFD800  }
0xac: {  	_ =	sfence.sel $0x180000  }
0xad: {  	[bflag:$0x0] =	sbarrier.arrive $0xFFFF  }
0xae: {  	p0 =	sne.s32 s0, $0x0;
	_ =	strace $0x9000004A  }
0xaf: {  	s0 =	sadd.s32 @!p0 $0x100000, s1;
	[bflag:$0x2] =	sbarrier.arrive $0xFFFF  }
0xb0: {  	[sflag:s0] =	ssyncadd.tile.s32 @!p0 $0x1;
	_ =	shalt  }
.Lfunc_end2:
_tile_overlayer_lowered:
.L_overlay_start_2:
0xb1: {  	(tag) =	ssettag $0x2  }
0xb2: {  	s0 =	rddreg [dreg:$0x0];
	s2 =	stileid.u32  }
0xb3: {  	s1 =	rddreg [dreg:$0x1];
	p0 =	sne.s32 s2, $0x0  }
0xb4: {  	s3 =	rddreg [dreg:$0x2];
	[bflag:$0x3] =	sbarrier.arrive $0xFFFF;
	s2 =	simm.s32 @!p0 $0x1C03  }
0xb5: {  	[timem:s3], [sflag:s2] =	dma.local @!p0 [hbm:s0], s1  }
0xb6: {  	s0 =	simm.s32 @!p0 $0x3  }
0xb7: {  	_ =	swait.ge @!p0 [sflag:s0], s1  }
0xb8: {  	s1 =	ssub.s32 @!p0 $0x0, s1;
	[sflag:s0] =	ssyncset.done @!p0 $0x0  }
0xb9: {  	[sflag:s0] =	ssyncadd.s32 @!p0 s1  }
0xba: {  	[bflag:$0x3] =	sbarrier.arrive $0xFFFF  }
0xbb: {  	_ =	shalt  }

// kernel: kernel.17.cloned.1.call-start
scs
__scs_entry_jumppad:
0x0: {  	(pc) =	sbr.rel $0x88, $3  }
0x1: {  	(tag) =	ssettag $0x0;
	lr =	simm.s32 $0x1  }
0x2: {  	[smem:$0x3F92] =	sst lr;
	_ =	strace $0xD0000000  }
0x3: {  	_ = 	snop  }
0x4: {  	_ = 	snop  }
0x5: {  	_ = 	snop  }
0x6: {  	_ = 	snop  }
0x7: {  	_ = 	snop  }
__scs_overlays_trampoline_lowered:
0x8: {  	[smem:$0x3FA1] =	sst s0  }
0x9: {  	[smem:$0x3FA2] =	sst s1  }
0xa: {  	[smem:$0x3FA3] =	sst s2  }
0xb: {  	[smem:$0x3FA4] =	sst s3  }
0xc: {  	[smem:$0x3FA5] =	sst s4  }
0xd: {  	[smem:$0x3FA6] =	sst s5  }
0xe: {  	[smem:$0x3FA7] =	sst s6  }
0xf: {  	[smem:$0x3FA8] =	sst s7  }
0x10: {  	[smem:$0x3FA9] =	sst s8  }
0x11: {  	[smem:$0x3FAA] =	sst s9;
	s0 =	simm.s32 @!p0 $0x0  }
0x12: {  	s1 =	sld [smem:$0x3F90];
	s0 =	simm.s32 @p0 $0x1  }
0x13: {  	[smem:$0x3FAB] =	sst s0;
	s0 =	simm.s32 @!p1 $0x0  }
0x14: {  	s2 =	sld [smem:$0x3F8F];
	s0 =	simm.s32 @p1 $0x1  }
0x15: {  	[smem:$0x3FAC] =	sst s0;
	s0 =	simm.s32 @!p2 $0x0  }
0x16: {  	s3 =	sld [smem:$0x3FDB];
	s0 =	simm.s32 @p2 $0x1  }
0x17: {  	s4 =	simm.s32 $0x1BF5;
	[smem:$0x3FAE] =	sst s0  }
0x18: {  	s0 =	sld [smem:$0x3F91];
	_ =	swait.ge [sflag:s4], $0x0  }
0x19: {  	s7 =	sld [smem:$0x3F92]  }
0x1a: {  	s8 =	sadd.s32 $0xFFFFE003, lr  }
0x1b: {  	s9 =	sadd.s32 $0xFFFFFEF7, lr;
	s5 =	simm.s32 $0xFFFFFFFF;
	p2 =	slt.u32 s8, $0xFFFFF086  }
0x1c: {  	p1 =	slt.u32 s9, $0xF7A;
	s5 =	simm.s32 @!p2 $0x0  }
0x1d: {  	s5 =	simm.s32 @p1 $0x1;
	p0 =	seq.s32 s7, s2  }
0x1e: {  	s7 =	smul.u32 @!p0 $0xF7A, s2;
	p2 =	seq.s32 @!p0 s5, $0x0  }
0x1f: {  	s9 =	smul.u32 $0xF7A, s1;
	s8 =	simm.s32 @!p0 $0x1BF5;
	p2 =	por !p2, p0  }
0x20: {  	[sflag:s8] =	ssyncset.s32 @!p0 $0xFFFFF086;
	s6 =	sadd.s32 @!p0 s3, s7;
	s7 =	simm.s32 @!p0 $0x108  }
0x21: {  	s3 =	sadd.s32 s3, s9;
	s6 =	sadd.s32 @!p0 $0x88, s6;
	s7 =	simm.s32 @p2 $0x1082  }
0x22: {  	[simem:s7], [sflag:s8] =	dma.local @!p0 [hbm:s6], $0xF7A  }
0x23: {  	s9 =	sor.u32 $0xD0000000, s2;
	s6 =	simm.s32 $0x108;
	_ =	swait.ge @!p0 [sflag:s8], $0x0  }
0x24: {  	s3 =	sadd.s32 $0x88, s3;
	s6 =	simm.s32 @!p1 $0x1082;
	[sflag:s4] =	ssyncset.s32 $0xFFFFF086  }
0x25: {  	[simem:s6], [sflag:s4] =	dma.local [hbm:s3], $0xF7A  }
0x26: {  	[smem:$0x3F92] =	sst s1;
	(tag) =	ssettag s2;
	_ =	strace s9  }
0x27: {  	s1 =	sld [smem:$0x3FA2]  }
0x28: {  	s2 =	sld [smem:$0x3FA3]  }
0x29: {  	s4 =	sld [smem:$0x3FA5]  }
0x2a: {  	p0 =	seq.s32 s5, $0x0;
	s5 =	sld [smem:$0x3FA6]  }
0x2b: {  	s6 =	sld [smem:$0x3FA7]  }
0x2c: {  	s7 =	sld [smem:$0x3FA8]  }
0x2d: {  	s3 =	simm.s32 $0x108;
	s8 =	sld [smem:$0x3FA9]  }
0x2e: {  	s3 =	simm.s32 @!p0 $0x1082;
	s9 =	sld [smem:$0x3FAA]  }
0x2f: {  	lr =	sadd.s32 s0, s3;
	s0 =	sld [smem:$0x3FA1]  }
0x30: {  	s3 =	sld [smem:$0x3FA4]  }
0x31: {  	[smem:$0x3FAD] =	sst s10  }
0x32: {  	s10 =	sld [smem:$0x3FAB];
	_ =	sdelay $0x3  }
0x33: {  	p0 =	seq.s32 s10, $0x1;
	s10 =	sld [smem:$0x3FAD];
	_ =	sdelay $0x3  }
0x34: {  	[smem:$0x3FAD] =	sst s10  }
0x35: {  	s10 =	sld [smem:$0x3FAC];
	_ =	sdelay $0x3  }
0x36: {  	p1 =	seq.s32 s10, $0x1;
	s10 =	sld [smem:$0x3FAD];
	_ =	sdelay $0x3  }
0x37: {  	[smem:$0x3FAD] =	sst s10  }
0x38: {  	s10 =	sld [smem:$0x3FAE]  }
0x39: {  	_ = 	snop;
	(pc) =	sbr.ind lr, $3  }
0x3a: {  	_ = 	snop  }
0x3b: {  	_ = 	snop  }
0x3c: {  	p2 =	seq.s32 s10, $0x1;
	s10 =	sld [smem:$0x3FAD]  }
0x3d: {  	_ =	shalt  }
0x3e: {  	_ =	shalt  }
0x3f: {  	_ =	shalt  }
0x40: {  	_ =	shalt  }
0x41: {  	_ =	shalt  }
0x42: {  	_ =	shalt  }
0x43: {  	_ =	shalt  }
0x44: {  	_ =	shalt  }
0x45: {  	_ =	shalt  }
0x46: {  	_ =	shalt  }
0x47: {  	_ =	shalt  }
0x48: {  	_ =	shalt  }
0x49: {  	_ =	shalt  }
0x4a: {  	_ =	shalt  }
0x4b: {  	_ =	shalt  }
0x4c: {  	_ =	shalt  }
0x4d: {  	_ =	shalt  }
0x4e: {  	_ =	shalt  }
0x4f: {  	_ =	shalt  }
0x50: {  	_ =	shalt  }
0x51: {  	_ =	shalt  }
0x52: {  	_ =	shalt  }
0x53: {  	_ =	shalt  }
0x54: {  	_ =	shalt  }
0x55: {  	_ =	shalt  }
0x56: {  	_ =	shalt  }
0x57: {  	_ =	shalt  }
0x58: {  	_ =	shalt  }
0x59: {  	_ =	shalt  }
0x5a: {  	_ =	shalt  }
0x5b: {  	_ =	shalt  }
0x5c: {  	_ =	shalt  }
0x5d: {  	_ =	shalt  }
0x5e: {  	_ =	shalt  }
0x5f: {  	_ =	shalt  }
0x60: {  	_ =	shalt  }
0x61: {  	_ =	shalt  }
0x62: {  	_ =	shalt  }
0x63: {  	_ =	shalt  }
0x64: {  	_ =	shalt  }
0x65: {  	_ =	shalt  }
0x66: {  	_ =	shalt  }
0x67: {  	_ =	shalt  }
0x68: {  	_ =	shalt  }
0x69: {  	_ =	shalt  }
0x6a: {  	_ =	shalt  }
0x6b: {  	_ =	shalt  }
0x6c: {  	_ =	shalt  }
0x6d: {  	_ =	shalt  }
0x6e: {  	_ =	shalt  }
0x6f: {  	_ =	shalt  }
0x70: {  	_ =	shalt  }
0x71: {  	_ =	shalt  }
0x72: {  	_ =	shalt  }
0x73: {  	_ =	shalt  }
0x74: {  	_ =	shalt  }
0x75: {  	_ =	shalt  }
0x76: {  	_ =	shalt  }
0x77: {  	_ =	shalt  }
0x78: {  	_ =	shalt  }
0x79: {  	_ =	shalt  }
0x7a: {  	_ =	shalt  }
0x7b: {  	_ =	shalt  }
0x7c: {  	_ =	shalt  }
0x7d: {  	_ =	shalt  }
0x7e: {  	_ =	shalt  }
0x7f: {  	_ =	shalt  }
0x80: {  	_ =	shalt  }
0x81: {  	_ =	shalt  }
0x82: {  	_ =	shalt  }
0x83: {  	_ =	shalt  }
0x84: {  	_ =	shalt  }
0x85: {  	_ =	shalt  }
0x86: {  	_ =	shalt  }
0x87: {  	_ =	shalt  }
.Lfunc_end0:
.L_simem_size_0:
called_computation.2_lowered:
.L_overlay_start_0:
0x88: {  	s2 =	sld [smem:$0x3FD9]  }
0x89: {  	s3 =	sld [smem:$0x3FFE];
	_ =	sdelay $0x1  }
0x8a: {  	s1 =	srdreg.scid  }
0x8b: {  	s0 =	sand.u32 $0x1, s1  }
0x8c: {  	s16 =	sshll.u32 s0, $0xA;
	s2 =	sadd.s32 s3, s2  }
0x8d: {  	s2 =	sadd.s32 s2, s16  }
0x8e: {  	[smem:$0x3FB9] =	sst s2  }
0x8f: {  	_ = 	snop  }
0x90: {  	(tm) =	ssettm $0x1  }
0x91: {  	s17 =	sld [smem:$0x3FFB];
	_ =	sdelay $0x3  }
0x92: {  	_ =	strace s17  }
0x93: {  	s2 =	sld [smem:$0x3FFC];
	_ =	sdelay $0x3  }
0x94: {  	_ =	strace s2  }
0x95: {  	s2 =	sld [smem:$0x3FFD];
	_ =	sdelay $0x3  }
0x96: {  	_ =	strace s2  }
0x97: {  	_ =	strace $0x8FFFFFFF  }
0x98: {  	s18 =	sld [smem:$0x3FDB];
	_ =	sdelay $0x1  }
0x99: {  	s19 =	simm.s32 $_scs_section_size  }
0x9a: {  	s4 =	simm.s32 $_size__tile_overlayer_lowered;
	s5 =	simm.s32 $_tile_overlayer_lowered  }
0x9b: {  	s22 =	simm.s32 $0x1BFF;
	s21 =	sshll.u32 s5, $0x1;
	s2 =	sadd.s32 s19, s18  }
0x9c: {  	s6 =	simm.s32 $0x0;
	s20 =	sshll.u32 s4, $0x1;
	s4 =	sadd.s32 s21, s2  }
0x9d: {  	[timem:s6], [sflag:s22] =	dma.local [hbm:s4], s20  }
0x9e: {  	_ =	swait.ge [sflag:s22], s20  }
0x9f: {  	s3 =	ssub.s32 $0x0, s20;
	[sflag:s22] =	ssyncset.done $0x0  }
0xa0: {  	[sflag:s22] =	ssyncadd.s32 s3;
	_ =	sdelay $0x1  }
0xa1: {  	s23 =	simm.s32 $0x1B8B  }
0xa2: {  	_ =	swait.ge [sflag:s23], $0x1  }
0xa3: {  	[sflag:s23] =	ssyncset.done $0x0  }
0xa4: {  	s25 =	simm.s32 $0x1B8E;
	s24 =	sld [smem:$0x3FFE];
	[sflag:s23] =	ssyncadd.s32 $0xFFFFFFFF  }
0xa5: {  	s26 =	simm.s32 $execute0_lowered;
	[smem:$0x3FD2] =	sst s25  }
0xa6: {  	s4 =	sshll.u32 s26, $0x1;
	_ =	strace $0x8000004C;
	[dreg:$0x1] =	wrdreg $0xFFFFFFFF  }
0xa7: {  	s28 =	simm.s32 $_size_execute0_lowered;
	s2 =	sadd.s32 s2, s4;
	[dreg:$0x0] =	wrdreg $0x0  }
0xa8: {  	s4 =	sshll.u32 s28, $0x1;
	[dreg:$0x2] =	wrdreg s2  }
0xa9: {  	[dreg:$0x3] =	wrdreg s4  }
0xaa: {  	[dreg:$0x4] =	wrdreg $0xC0  }
0xab: {  	_ =	task [dreg:s6], $0x5FFFF  }
0xac: {  	[dreg:$0x1] =	wrdreg $0xFFFFFFFF  }
0xad: {  	[dreg:$0x0] =	wrdreg $0x60  }
0xae: {  	[dreg:$0x2] =	wrdreg s24  }
0xaf: {  	[dreg:$0x3] =	wrdreg $0xAC000  }
0xb0: {  	[dreg:$0x4] =	wrdreg $0x9  }
0xb1: {  	_ =	task.clear_ibuf [dreg:s6], $0x5FFFF;
	_ =	strace $0x9000004C  }
0xb2: {  	s29 =	simm.s32 $0x9;
	_ =	strace $0x8000004E  }
0xb3: {  	_ =	swait.ge [sflag:s29], $0x1  }
0xb4: {  	[sflag:s29] =	ssyncadd.s32 $0xFFFFFFFF  }
0xb5: {  	_ =	strace $0x9000004E  }
0xb6: {  	_ =	sfence  }
0xb7: {  	s30 =	sld [smem:$0x0];
	_ =	sdelay $0x2  }
0xb8: {  	s31 =	sshll.u32 s1, $0xD;
	s1 =	sshrl.u32 s1, $0x2  }
0xb9: {  	s3 =	sand.u32 $0x4000, s31;
	s1 =	sadd.s32 s1, s30  }
0xba: {  	s0 =	sor.u32 s3, s0;
	s1 =	sshll.u32 s1, $0x11  }
0xbb: {  	s0 =	sor.u32 s1, s0  }
0xbc: {  	s0 =	sadd.s32 $0x8F2B, s0  }
0xbd: {  	[sflag:s0] =	ssyncadd.remote.s32 $0x1  }
0xbe: {  	_ =	sfence.sel $0xFFFF  }
0xbf: {  	[dreg:$0x0] =	wrdreg $0xFFFFFFFF;
	(pc) =	sbr.abs _section_cstart, $3  }
0xc0: {  	[dreg:$0x1] =	wrdreg $0xFFFFFFFF  }
0xc1: {  	_ =	task.clear_ibuf [dreg:s6], $0x2FFFF;
	_ =	strace $0x9FFFFFFF  }
0xc2: {  	(tm) =	ssettm $0x7FFFFFFF  }
0xc3: {  	_ =	shalt  }
tec
execute0_lowered:
.L_overlay_start_1:
0x0: {  	(tag) =	ssettag $0x1  }
0x1: {  	s0 =	srdreg.scid;
	s6 =	rddreg [dreg:$0x0]  }
0x2: {  	s2 =	rddreg [dreg:$0x1];
	s14 =	simm.s32 $0x80;
	s15 =	simm.s32 $0x2C00  }
0x3: {  	s16 =	simm.s32 $0x6C00;
	s17 =	simm.s32 $0x1;
	s18 =	simm.s32 $0x100  }
0x4: {  	s19 =	simm.s32 $0x2;
	s20 =	simm.s32 $0x180;
	s5 =	sand.u32 $0x1, s0  }
0x5: {  	s21 =	simm.s32 $0x200;
	s0 =	stileid.u32;
	s4 =	smul.u32 $0x28000, s5  }
0x6: {  	s22 =	simm.s32 $0x280;
	s23 =	simm.s32 $0x300;
	s7 =	smul.u32 $0x2800, s0  }
0x7: {  	s24 =	simm.s32 $0x380;
	s25 =	simm.s32 $0x0;
	s26 =	smul.u32 $0x140000, s5  }
0x8: {  	s1 =	sshll.u32 s5, $0x4;
	s9 =	smul.u32 $0x14000, s0;
	s29 =	ssub.s32 $0x2, s5  }
0x9: {  	s11 =	smul.u32 $0x50000, s0;
	s5 =	sadd.s32 $0x18600, s6;
	s12 =	sshll.u32 s0, $0x6  }
0xa: {  	s3 =	sor.u32 s0, s1;
	s1 =	rddreg [dreg:$0x2];
	s30 =	sshrl.u32 s29, $0x1  }
0xb: {  	s12 =	sor.u32 $0x1C03, s12;
	s8 =	smul.u32 $0x2800, s3;
	s3 =	simm.s32 $0x0  }
0xc: {  	s4 =	sadd.s32 s7, s4;
	s7 =	sadd.s32 s9, s26;
	s9 =	ssub.s32 s29, s30  }
0xd: {  	s31 =	sshrl.u32 s11, $0x2;
	s11 =	simm.s32 $0x3;
	[smem:$0x7FF] =	sst s3  }
0xe: {  	s4 =	sshrl.u32 s4, $0x3;
	s7 =	sshrl.u32 s7, $0x3;
	s13 =	sadd.s32 s31, s2  }
0xf: {  	_ =	strace $0x8000004D;
	s10 =	sadd.s32 s4, s6;
	s28 =	sshrl.u32 s8, $0x3  }
0x10: {  	s4 =	sadd.s32 $0x1AE00, s6;
	s7 =	sadd.s32 s7, s6;
	s8 =	sadd.s32 s28, s6  }
0x11: {  	s13 =	sshrl.u32 s13, $0x3;
	s7 =	sadd.s32 $0x42000, s7;
	s6 =	sadd.s32 $0xDE00, s8  }
0x12: {  	s8 =	smax.u32 s9, $0x1;
	s9 =	sadd.s32 $0x3E00, s10;
	s10 =	simm.s32 $0x400  }
.LBB2_1:
0x13: {  	[tilespmem:s10], [sflag:$0x3] =	stream.linear.gather [hbm4b:s6+s3], $0x2800, $0x38;
	[tilespmem:$0x1EC00] =	vst v63  }
0x14: {  	_ =	swait.ge [sflag:s11], $0x2800  }
0x15: {  	[sflag:s11] =	ssyncset.done $0x0  }
0x16: {  	[sflag:s11] =	ssyncadd.s32 $0xFFFFD800  }
0x17: {  	[spmem:s13], [sflag:s12] =	dma.local [hbm:s5], $0x2800  }
0x18: {  	_ =	swait.ge [sflag:s11], $0x2800  }
0x19: {  	[sflag:s11] =	ssyncset.done $0x0  }
0x1a: {  	[sflag:s11] =	ssyncadd.s32 $0xFFFFD800  }
0x1b: {  	[bflag:$0x0] =	sbarrier.arrive $0xFFFF  }
0x1c: {  	[tilespmem:s3], [sflag:$0x3] =	stream.linear.gather [hbm4b:s9+s3], $0x400, $0x38;
	[tilespmem:$0x1EC00] =	vst v63  }
0x1d: {  	_ =	swait.ge [sflag:s11], $0x400  }
0x1e: {  	[sflag:s11] =	ssyncset.done $0x0  }
0x1f: {  	[sflag:s11] =	ssyncadd.s32 $0xFFFFFC00  }
0x20: {  	[tilespmem:s15], [sflag:$0x1] =	stream.indirect.gather [hbm4b:s4+s14], $0x80, s3, s14, $0xb8;
	[tilespmem:$0x1EC00] =	vst v63  }
0x21: {  	_ = 	snop  }
0x22: {  	[tilespmem:s16], [sflag:$0x2] =	stream.indirect.gather [hbm4b:s4+s14], $0x80, s14, s14, $0xb8;
	[tilespmem:$0x1EC00] =	vst v63  }
0x23: {  	_ =	swait.ge [sflag:s17], $0x4000  }
0x24: {  	[sflag:s17] =	ssyncset.done $0x0  }
0x25: {  	s26 =	simm.s32 $0x400;
	[sflag:s17] =	ssyncadd.s32 $0xFFFFC000  }
0x26: {  	[spmem:s2] =	stream.indirect.scatter.add.f32 [tilespmem:s15], [sflag:$0x3], $0x80, s26, s14, $0xb8;
	[tilespmem:$0x1EC00] =	vst v63  }
0x27: {  	_ =	swait.ge [sflag:s11], $0x4000  }
0x28: {  	[sflag:s11] =	ssyncset.done $0x0  }
0x29: {  	[sflag:s11] =	ssyncadd.s32 $0xFFFFC000  }
0x2a: {  	[tilespmem:s15], [sflag:$0x1] =	stream.indirect.gather [hbm4b:s4+s14], $0x80, s18, s14, $0xb8;
	[tilespmem:$0x1EC00] =	vst v63  }
0x2b: {  	_ =	swait.ge [sflag:s19], $0x4000  }
0x2c: {  	[sflag:s19] =	ssyncset.done $0x0  }
0x2d: {  	s31 =	simm.s32 $0x480;
	[sflag:s19] =	ssyncadd.s32 $0xFFFFC000  }
0x2e: {  	[spmem:s2] =	stream.indirect.scatter.add.f32 [tilespmem:s16], [sflag:$0x3], $0x80, s31, s14, $0xb8;
	[tilespmem:$0x1EC00] =	vst v63  }
0x2f: {  	_ =	swait.ge [sflag:s11], $0x4000  }
0x30: {  	[sflag:s11] =	ssyncset.done $0x0  }
0x31: {  	[sflag:s11] =	ssyncadd.s32 $0xFFFFC000  }
0x32: {  	[tilespmem:s16], [sflag:$0x2] =	stream.indirect.gather [hbm4b:s4+s14], $0x80, s20, s14, $0xb8;
	[tilespmem:$0x1EC00] =	vst v63  }
0x33: {  	_ =	swait.ge [sflag:s17], $0x4000  }
0x34: {  	[sflag:s17] =	ssyncset.done $0x0  }
0x35: {  	s29 =	simm.s32 $0x500;
	[sflag:s17] =	ssyncadd.s32 $0xFFFFC000  }
0x36: {  	[spmem:s2] =	stream.indirect.scatter.add.f32 [tilespmem:s15], [sflag:$0x3], $0x80, s29, s14, $0xb8;
	[tilespmem:$0x1EC00] =	vst v63  }
0x37: {  	_ =	swait.ge [sflag:s11], $0x4000  }
0x38: {  	[sflag:s11] =	ssyncset.done $0x0  }
0x39: {  	[sflag:s11] =	ssyncadd.s32 $0xFFFFC000  }
0x3a: {  	[tilespmem:s15], [sflag:$0x1] =	stream.indirect.gather [hbm4b:s4+s14], $0x80, s21, s14, $0xb8;
	[tilespmem:$0x1EC00] =	vst v63  }
0x3b: {  	_ =	swait.ge [sflag:s19], $0x4000  }
0x3c: {  	[sflag:s19] =	ssyncset.done $0x0  }
0x3d: {  	s30 =	simm.s32 $0x580;
	[sflag:s19] =	ssyncadd.s32 $0xFFFFC000  }
0x3e: {  	[spmem:s2] =	stream.indirect.scatter.add.f32 [tilespmem:s16], [sflag:$0x3], $0x80, s30, s14, $0xb8;
	[tilespmem:$0x1EC00] =	vst v63  }
0x3f: {  	_ =	swait.ge [sflag:s11], $0x4000  }
0x40: {  	[sflag:s11] =	ssyncset.done $0x0  }
0x41: {  	[sflag:s11] =	ssyncadd.s32 $0xFFFFC000  }
0x42: {  	[tilespmem:s16], [sflag:$0x2] =	stream.indirect.gather [hbm4b:s4+s14], $0x80, s22, s14, $0xb8;
	[tilespmem:$0x1EC00] =	vst v63  }
0x43: {  	_ =	swait.ge [sflag:s17], $0x4000  }
0x44: {  	[sflag:s17] =	ssyncset.done $0x0  }
0x45: {  	s31 =	simm.s32 $0x600;
	[sflag:s17] =	ssyncadd.s32 $0xFFFFC000  }
0x46: {  	[spmem:s2] =	stream.indirect.scatter.add.f32 [tilespmem:s15], [sflag:$0x3], $0x80, s31, s14, $0xb8;
	[tilespmem:$0x1EC00] =	vst v63  }
0x47: {  	_ =	swait.ge [sflag:s11], $0x4000  }
0x48: {  	[sflag:s11] =	ssyncset.done $0x0  }
0x49: {  	[sflag:s11] =	ssyncadd.s32 $0xFFFFC000  }
0x4a: {  	[tilespmem:s15], [sflag:$0x1] =	stream.indirect.gather [hbm4b:s4+s14], $0x80, s23, s14, $0xb8;
	[tilespmem:$0x1EC00] =	vst v63  }
0x4b: {  	_ =	swait.ge [sflag:s19], $0x4000  }
0x4c: {  	[sflag:s19] =	ssyncset.done $0x0  }
0x4d: {  	s29 =	simm.s32 $0x680;
	[sflag:s19] =	ssyncadd.s32 $0xFFFFC000  }
0x4e: {  	[spmem:s2] =	stream.indirect.scatter.add.f32 [tilespmem:s16], [sflag:$0x3], $0x80, s29, s14, $0xb8;
	[tilespmem:$0x1EC00] =	vst v63  }
0x4f: {  	_ =	swait.ge [sflag:s11], $0x4000  }
0x50: {  	[sflag:s11] =	ssyncset.done $0x0  }
0x51: {  	[sflag:s11] =	ssyncadd.s32 $0xFFFFC000  }
0x52: {  	[tilespmem:s16], [sflag:$0x2] =	stream.indirect.gather [hbm4b:s4+s14], $0x80, s24, s14, $0xb8;
	[tilespmem:$0x1EC00] =	vst v63  }
0x53: {  	_ =	swait.ge [sflag:s17], $0x4000  }
0x54: {  	[sflag:s17] =	ssyncset.done $0x0  }
0x55: {  	s30 =	simm.s32 $0x700;
	[sflag:s17] =	ssyncadd.s32 $0xFFFFC000  }
0x56: {  	[spmem:s2] =	stream.indirect.scatter.add.f32 [tilespmem:s15], [sflag:$0x3], $0x80, s30, s14, $0xb8;
	[tilespmem:$0x1EC00] =	vst v63  }
0x57: {  	_ =	swait.ge [sflag:s11], $0x4000  }
0x58: {  	[sflag:s11] =	ssyncset.done $0x0  }
0x59: {  	[sflag:s11] =	ssyncadd.s32 $0xFFFFC000  }
0x5a: {  	_ =	swait.ge [sflag:s19], $0x4000  }
0x5b: {  	[sflag:s19] =	ssyncset.done $0x0  }
0x5c: {  	s31 =	simm.s32 $0x780;
	[sflag:s19] =	ssyncadd.s32 $0xFFFFC000  }
0x5d: {  	[spmem:s2] =	stream.indirect.scatter.add.f32 [tilespmem:s16], [sflag:$0x3], $0x80, s31, s14, $0xb8;
	[tilespmem:$0x1EC00] =	vst v63  }
0x5e: {  	_ =	swait.ge [sflag:s11], $0x4000  }
0x5f: {  	s28 =	smov.u32 s9;
	s26 =	simm.s32 $0x1000;
	[sflag:s11] =	ssyncset.done $0x0  }
.LBB2_2:
0x60: {  	p0 =	sne.s32 s26, $0x9000;
	[sflag:s11] =	ssyncadd.s32 $0xFFFFC000;
	s28 =	sadd.s32 $0x80, s28  }
0x61: {  	[tilespmem:s3], [sflag:$0x3] =	stream.linear.gather [hbm4b:s28+s3], $0x400, $0x38;
	[tilespmem:$0x1EC00] =	vst v63  }
0x62: {  	s29 =	smov.u32 s26;
	s26 =	sadd.s32 $0x1000, s26;
	_ =	swait.ge [sflag:s11], $0x400  }
0x63: {  	[sflag:s11] =	ssyncset.done $0x0  }
0x64: {  	[sflag:s11] =	ssyncadd.s32 $0xFFFFFC00  }
0x65: {  	[tilespmem:s15], [sflag:$0x1] =	stream.indirect.gather [hbm4b:s4+s14], $0x80, s3, s14, $0xb8;
	[tilespmem:$0x1EC00] =	vst v63  }
0x66: {  	_ = 	snop  }
0x67: {  	[tilespmem:s16], [sflag:$0x2] =	stream.indirect.gather [hbm4b:s4+s14], $0x80, s14, s14, $0xb8;
	[tilespmem:$0x1EC00] =	vst v63  }
0x68: {  	_ =	swait.ge [sflag:s17], $0x4000  }
0x69: {  	s29 =	sshra.s32 s29, $0x2;
	[sflag:s17] =	ssyncset.done $0x0  }
0x6a: {  	s30 =	sadd.s32 $0x400, s29;
	[sflag:s17] =	ssyncadd.s32 $0xFFFFC000  }
0x6b: {  	[spmem:s2] =	stream.indirect.scatter.add.f32 [tilespmem:s15], [sflag:$0x3], $0x80, s30, s14, $0xb8;
	[tilespmem:$0x1EC00] =	vst v63  }
0x6c: {  	_ =	swait.ge [sflag:s11], $0x4000  }
0x6d: {  	[sflag:s11] =	ssyncset.done $0x0  }
0x6e: {  	[sflag:s11] =	ssyncadd.s32 $0xFFFFC000  }
0x6f: {  	[tilespmem:s15], [sflag:$0x1] =	stream.indirect.gather [hbm4b:s4+s14], $0x80, s18, s14, $0xb8;
	[tilespmem:$0x1EC00] =	vst v63  }
0x70: {  	_ =	swait.ge [sflag:s19], $0x4000  }
0x71: {  	[sflag:s19] =	ssyncset.done $0x0  }
0x72: {  	s30 =	sadd.s32 $0x480, s29;
	[sflag:s19] =	ssyncadd.s32 $0xFFFFC000  }
0x73: {  	[spmem:s2] =	stream.indirect.scatter.add.f32 [tilespmem:s16], [sflag:$0x3], $0x80, s30, s14, $0xb8;
	[tilespmem:$0x1EC00] =	vst v63  }
0x74: {  	_ =	swait.ge [sflag:s11], $0x4000  }
0x75: {  	[sflag:s11] =	ssyncset.done $0x0  }
0x76: {  	[sflag:s11] =	ssyncadd.s32 $0xFFFFC000  }
0x77: {  	[tilespmem:s16], [sflag:$0x2] =	stream.indirect.gather [hbm4b:s4+s14], $0x80, s20, s14, $0xb8;
	[tilespmem:$0x1EC00] =	vst v63  }
0x78: {  	_ =	swait.ge [sflag:s17], $0x4000  }
0x79: {  	[sflag:s17] =	ssyncset.done $0x0  }
0x7a: {  	s30 =	sadd.s32 $0x500, s29;
	[sflag:s17] =	ssyncadd.s32 $0xFFFFC000  }
0x7b: {  	[spmem:s2] =	stream.indirect.scatter.add.f32 [tilespmem:s15], [sflag:$0x3], $0x80, s30, s14, $0xb8;
	[tilespmem:$0x1EC00] =	vst v63  }
0x7c: {  	_ =	swait.ge [sflag:s11], $0x4000  }
0x7d: {  	[sflag:s11] =	ssyncset.done $0x0  }
0x7e: {  	[sflag:s11] =	ssyncadd.s32 $0xFFFFC000  }
0x7f: {  	[tilespmem:s15], [sflag:$0x1] =	stream.indirect.gather [hbm4b:s4+s14], $0x80, s21, s14, $0xb8;
	[tilespmem:$0x1EC00] =	vst v63  }
0x80: {  	_ =	swait.ge [sflag:s19], $0x4000  }
0x81: {  	[sflag:s19] =	ssyncset.done $0x0  }
0x82: {  	s30 =	sadd.s32 $0x580, s29;
	[sflag:s19] =	ssyncadd.s32 $0xFFFFC000  }
0x83: {  	[spmem:s2] =	stream.indirect.scatter.add.f32 [tilespmem:s16], [sflag:$0x3], $0x80, s30, s14, $0xb8;
	[tilespmem:$0x1EC00] =	vst v63  }
0x84: {  	_ =	swait.ge [sflag:s11], $0x4000  }
0x85: {  	[sflag:s11] =	ssyncset.done $0x0  }
0x86: {  	[sflag:s11] =	ssyncadd.s32 $0xFFFFC000  }
0x87: {  	[tilespmem:s16], [sflag:$0x2] =	stream.indirect.gather [hbm4b:s4+s14], $0x80, s22, s14, $0xb8;
	[tilespmem:$0x1EC00] =	vst v63  }
0x88: {  	_ =	swait.ge [sflag:s17], $0x4000  }
0x89: {  	[sflag:s17] =	ssyncset.done $0x0  }
0x8a: {  	s30 =	sadd.s32 $0x600, s29;
	[sflag:s17] =	ssyncadd.s32 $0xFFFFC000  }
0x8b: {  	[spmem:s2] =	stream.indirect.scatter.add.f32 [tilespmem:s15], [sflag:$0x3], $0x80, s30, s14, $0xb8;
	[tilespmem:$0x1EC00] =	vst v63  }
0x8c: {  	_ =	swait.ge [sflag:s11], $0x4000  }
0x8d: {  	[sflag:s11] =	ssyncset.done $0x0  }
0x8e: {  	[sflag:s11] =	ssyncadd.s32 $0xFFFFC000  }
0x8f: {  	[tilespmem:s15], [sflag:$0x1] =	stream.indirect.gather [hbm4b:s4+s14], $0x80, s23, s14, $0xb8;
	[tilespmem:$0x1EC00] =	vst v63  }
0x90: {  	_ =	swait.ge [sflag:s19], $0x4000  }
0x91: {  	[sflag:s19] =	ssyncset.done $0x0  }
0x92: {  	s30 =	sadd.s32 $0x680, s29;
	[sflag:s19] =	ssyncadd.s32 $0xFFFFC000  }
0x93: {  	[spmem:s2] =	stream.indirect.scatter.add.f32 [tilespmem:s16], [sflag:$0x3], $0x80, s30, s14, $0xb8;
	[tilespmem:$0x1EC00] =	vst v63  }
0x94: {  	_ =	swait.ge [sflag:s11], $0x4000  }
0x95: {  	[sflag:s11] =	ssyncset.done $0x0  }
0x96: {  	[sflag:s11] =	ssyncadd.s32 $0xFFFFC000  }
0x97: {  	[tilespmem:s16], [sflag:$0x2] =	stream.indirect.gather [hbm4b:s4+s14], $0x80, s24, s14, $0xb8;
	[tilespmem:$0x1EC00] =	vst v63  }
0x98: {  	_ =	swait.ge [sflag:s17], $0x4000  }
0x99: {  	[sflag:s17] =	ssyncset.done $0x0  }
0x9a: {  	s30 =	sadd.s32 $0x700, s29;
	[sflag:s17] =	ssyncadd.s32 $0xFFFFC000  }
0x9b: {  	[spmem:s2] =	stream.indirect.scatter.add.f32 [tilespmem:s15], [sflag:$0x3], $0x80, s30, s14, $0xb8;
	[tilespmem:$0x1EC00] =	vst v63  }
0x9c: {  	_ =	swait.ge [sflag:s11], $0x4000  }
0x9d: {  	[sflag:s11] =	ssyncset.done $0x0  }
0x9e: {  	[sflag:s11] =	ssyncadd.s32 $0xFFFFC000  }
0x9f: {  	_ =	swait.ge [sflag:s19], $0x4000  }
.Ltmp0:
0xa0: {  	[sflag:s19] =	ssyncset.done $0x0;
	(pc) =	sbr.rel @p0 .LBB2_2-.Ltmp0, $4  }
0xa1: {  	s29 =	sadd.s32 $0x780, s29;
	[sflag:s19] =	ssyncadd.s32 $0xFFFFC000  }
0xa2: {  	[spmem:s2] =	stream.indirect.scatter.add.f32 [tilespmem:s16], [sflag:$0x3], $0x80, s29, s14, $0xb8;
	[tilespmem:$0x1EC00] =	vst v63  }
0xa3: {  	_ =	swait.ge [sflag:s11], $0x4000  }
0xa4: {  	[sflag:s11] =	ssyncset.done $0x0  }
0xa5: {  	s25 =	sadd.s32 $0x1, s25  }
0xa6: {  	[sflag:s11] =	ssyncadd.s32 $0xFFFFC000;
	p0 =	sne.s32 s25, s8  }
.Ltmp1:
0xa7: {  	[bflag:$0x0] =	sbarrier.arrive $0xFFFF;
	(pc) =	sbr.rel @p0 .LBB2_1-.Ltmp1, $4  }
0xa8: {  	[hbm:s7], [sflag:s12] =	dma.local [spmem:s13], $0x2800  }
0xa9: {  	_ =	swait.ge [sflag:s11], $0x2800  }
0xaa: {  	[sflag:s11] =	ssyncset.done $0x0  }
0xab: {  	[sflag:s11] =	ssyncadd.s32 $0xFFFFD800  }
0xac: {  	_ =	sfence.sel $0x180000  }
0xad: {  	[bflag:$0x0] =	sbarrier.arrive $0xFFFF  }
0xae: {  	p0 =	sne.s32 s0, $0x0;
	_ =	strace $0x9000004D  }
0xaf: {  	s0 =	sadd.s32 @!p0 $0x100000, s1;
	[bflag:$0x2] =	sbarrier.arrive $0xFFFF  }
0xb0: {  	[sflag:s0] =	ssyncadd.tile.s32 @!p0 $0x1;
	_ =	shalt  }
.Lfunc_end2:
_tile_overlayer_lowered:
.L_overlay_start_2:
0xb1: {  	(tag) =	ssettag $0x2  }
0xb2: {  	s0 =	rddreg [dreg:$0x0];
	s2 =	stileid.u32  }
0xb3: {  	s1 =	rddreg [dreg:$0x1];
	p0 =	sne.s32 s2, $0x0  }
0xb4: {  	s3 =	rddreg [dreg:$0x2];
	[bflag:$0x3] =	sbarrier.arrive $0xFFFF;
	s2 =	simm.s32 @!p0 $0x1C03  }
0xb5: {  	[timem:s3], [sflag:s2] =	dma.local @!p0 [hbm:s0], s1  }
0xb6: {  	s0 =	simm.s32 @!p0 $0x3  }
0xb7: {  	_ =	swait.ge @!p0 [sflag:s0], s1  }
0xb8: {  	s1 =	ssub.s32 @!p0 $0x0, s1;
	[sflag:s0] =	ssyncset.done @!p0 $0x0  }
0xb9: {  	[sflag:s0] =	ssyncadd.s32 @!p0 s1  }
0xba: {  	[bflag:$0x3] =	sbarrier.arrive $0xFFFF  }
0xbb: {  	_ =	shalt  }

// kernel: kernel.20.cloned.1.call-start
scs
__scs_entry_jumppad:
0x0: {  	(pc) =	sbr.rel $0x88, $3  }
0x1: {  	(tag) =	ssettag $0x0;
	lr =	simm.s32 $0x1  }
0x2: {  	[smem:$0x3F92] =	sst lr;
	_ =	strace $0xD0000000  }
0x3: {  	_ = 	snop  }
0x4: {  	_ = 	snop  }
0x5: {  	_ = 	snop  }
0x6: {  	_ = 	snop  }
0x7: {  	_ = 	snop  }
__scs_overlays_trampoline_lowered:
0x8: {  	[smem:$0x3FA1] =	sst s0  }
0x9: {  	[smem:$0x3FA2] =	sst s1  }
0xa: {  	[smem:$0x3FA3] =	sst s2  }
0xb: {  	[smem:$0x3FA4] =	sst s3  }
0xc: {  	[smem:$0x3FA5] =	sst s4  }
0xd: {  	[smem:$0x3FA6] =	sst s5  }
0xe: {  	[smem:$0x3FA7] =	sst s6  }
0xf: {  	[smem:$0x3FA8] =	sst s7  }
0x10: {  	[smem:$0x3FA9] =	sst s8  }
0x11: {  	[smem:$0x3FAA] =	sst s9;
	s0 =	simm.s32 @!p0 $0x0  }
0x12: {  	s1 =	sld [smem:$0x3F90];
	s0 =	simm.s32 @p0 $0x1  }
0x13: {  	[smem:$0x3FAB] =	sst s0;
	s0 =	simm.s32 @!p1 $0x0  }
0x14: {  	s2 =	sld [smem:$0x3F8F];
	s0 =	simm.s32 @p1 $0x1  }
0x15: {  	[smem:$0x3FAC] =	sst s0;
	s0 =	simm.s32 @!p2 $0x0  }
0x16: {  	s3 =	sld [smem:$0x3FDB];
	s0 =	simm.s32 @p2 $0x1  }
0x17: {  	s4 =	simm.s32 $0x1BF5;
	[smem:$0x3FAE] =	sst s0  }
0x18: {  	s0 =	sld [smem:$0x3F91];
	_ =	swait.ge [sflag:s4], $0x0  }
0x19: {  	s7 =	sld [smem:$0x3F92]  }
0x1a: {  	s8 =	sadd.s32 $0xFFFFE003, lr  }
0x1b: {  	s9 =	sadd.s32 $0xFFFFFEF7, lr;
	s5 =	simm.s32 $0xFFFFFFFF;
	p2 =	slt.u32 s8, $0xFFFFF086  }
0x1c: {  	p1 =	slt.u32 s9, $0xF7A;
	s5 =	simm.s32 @!p2 $0x0  }
0x1d: {  	s5 =	simm.s32 @p1 $0x1;
	p0 =	seq.s32 s7, s2  }
0x1e: {  	s7 =	smul.u32 @!p0 $0xF7A, s2;
	p2 =	seq.s32 @!p0 s5, $0x0  }
0x1f: {  	s9 =	smul.u32 $0xF7A, s1;
	s8 =	simm.s32 @!p0 $0x1BF5;
	p2 =	por !p2, p0  }
0x20: {  	[sflag:s8] =	ssyncset.s32 @!p0 $0xFFFFF086;
	s6 =	sadd.s32 @!p0 s3, s7;
	s7 =	simm.s32 @!p0 $0x108  }
0x21: {  	s3 =	sadd.s32 s3, s9;
	s6 =	sadd.s32 @!p0 $0x88, s6;
	s7 =	simm.s32 @p2 $0x1082  }
0x22: {  	[simem:s7], [sflag:s8] =	dma.local @!p0 [hbm:s6], $0xF7A  }
0x23: {  	s9 =	sor.u32 $0xD0000000, s2;
	s6 =	simm.s32 $0x108;
	_ =	swait.ge @!p0 [sflag:s8], $0x0  }
0x24: {  	s3 =	sadd.s32 $0x88, s3;
	s6 =	simm.s32 @!p1 $0x1082;
	[sflag:s4] =	ssyncset.s32 $0xFFFFF086  }
0x25: {  	[simem:s6], [sflag:s4] =	dma.local [hbm:s3], $0xF7A  }
0x26: {  	[smem:$0x3F92] =	sst s1;
	(tag) =	ssettag s2;
	_ =	strace s9  }
0x27: {  	s1 =	sld [smem:$0x3FA2]  }
0x28: {  	s2 =	sld [smem:$0x3FA3]  }
0x29: {  	s4 =	sld [smem:$0x3FA5]  }
0x2a: {  	p0 =	seq.s32 s5, $0x0;
	s5 =	sld [smem:$0x3FA6]  }
0x2b: {  	s6 =	sld [smem:$0x3FA7]  }
0x2c: {  	s7 =	sld [smem:$0x3FA8]  }
0x2d: {  	s3 =	simm.s32 $0x108;
	s8 =	sld [smem:$0x3FA9]  }
0x2e: {  	s3 =	simm.s32 @!p0 $0x1082;
	s9 =	sld [smem:$0x3FAA]  }
0x2f: {  	lr =	sadd.s32 s0, s3;
	s0 =	sld [smem:$0x3FA1]  }
0x30: {  	s3 =	sld [smem:$0x3FA4]  }
0x31: {  	[smem:$0x3FAD] =	sst s10  }
0x32: {  	s10 =	sld [smem:$0x3FAB];
	_ =	sdelay $0x3  }
0x33: {  	p0 =	seq.s32 s10, $0x1;
	s10 =	sld [smem:$0x3FAD];
	_ =	sdelay $0x3  }
0x34: {  	[smem:$0x3FAD] =	sst s10  }
0x35: {  	s10 =	sld [smem:$0x3FAC];
	_ =	sdelay $0x3  }
0x36: {  	p1 =	seq.s32 s10, $0x1;
	s10 =	sld [smem:$0x3FAD];
	_ =	sdelay $0x3  }
0x37: {  	[smem:$0x3FAD] =	sst s10  }
0x38: {  	s10 =	sld [smem:$0x3FAE]  }
0x39: {  	_ = 	snop;
	(pc) =	sbr.ind lr, $3  }
0x3a: {  	_ = 	snop  }
0x3b: {  	_ = 	snop  }
0x3c: {  	p2 =	seq.s32 s10, $0x1;
	s10 =	sld [smem:$0x3FAD]  }
0x3d: {  	_ =	shalt  }
0x3e: {  	_ =	shalt  }
0x3f: {  	_ =	shalt  }
0x40: {  	_ =	shalt  }
0x41: {  	_ =	shalt  }
0x42: {  	_ =	shalt  }
0x43: {  	_ =	shalt  }
0x44: {  	_ =	shalt  }
0x45: {  	_ =	shalt  }
0x46: {  	_ =	shalt  }
0x47: {  	_ =	shalt  }
0x48: {  	_ =	shalt  }
0x49: {  	_ =	shalt  }
0x4a: {  	_ =	shalt  }
0x4b: {  	_ =	shalt  }
0x4c: {  	_ =	shalt  }
0x4d: {  	_ =	shalt  }
0x4e: {  	_ =	shalt  }
0x4f: {  	_ =	shalt  }
0x50: {  	_ =	shalt  }
0x51: {  	_ =	shalt  }
0x52: {  	_ =	shalt  }
0x53: {  	_ =	shalt  }
0x54: {  	_ =	shalt  }
0x55: {  	_ =	shalt  }
0x56: {  	_ =	shalt  }
0x57: {  	_ =	shalt  }
0x58: {  	_ =	shalt  }
0x59: {  	_ =	shalt  }
0x5a: {  	_ =	shalt  }
0x5b: {  	_ =	shalt  }
0x5c: {  	_ =	shalt  }
0x5d: {  	_ =	shalt  }
0x5e: {  	_ =	shalt  }
0x5f: {  	_ =	shalt  }
0x60: {  	_ =	shalt  }
0x61: {  	_ =	shalt  }
0x62: {  	_ =	shalt  }
0x63: {  	_ =	shalt  }
0x64: {  	_ =	shalt  }
0x65: {  	_ =	shalt  }
0x66: {  	_ =	shalt  }
0x67: {  	_ =	shalt  }
0x68: {  	_ =	shalt  }
0x69: {  	_ =	shalt  }
0x6a: {  	_ =	shalt  }
0x6b: {  	_ =	shalt  }
0x6c: {  	_ =	shalt  }
0x6d: {  	_ =	shalt  }
0x6e: {  	_ =	shalt  }
0x6f: {  	_ =	shalt  }
0x70: {  	_ =	shalt  }
0x71: {  	_ =	shalt  }
0x72: {  	_ =	shalt  }
0x73: {  	_ =	shalt  }
0x74: {  	_ =	shalt  }
0x75: {  	_ =	shalt  }
0x76: {  	_ =	shalt  }
0x77: {  	_ =	shalt  }
0x78: {  	_ =	shalt  }
0x79: {  	_ =	shalt  }
0x7a: {  	_ =	shalt  }
0x7b: {  	_ =	shalt  }
0x7c: {  	_ =	shalt  }
0x7d: {  	_ =	shalt  }
0x7e: {  	_ =	shalt  }
0x7f: {  	_ =	shalt  }
0x80: {  	_ =	shalt  }
0x81: {  	_ =	shalt  }
0x82: {  	_ =	shalt  }
0x83: {  	_ =	shalt  }
0x84: {  	_ =	shalt  }
0x85: {  	_ =	shalt  }
0x86: {  	_ =	shalt  }
0x87: {  	_ =	shalt  }
.Lfunc_end0:
.L_simem_size_0:
called_computation.3_lowered:
.L_overlay_start_0:
0x88: {  	s2 =	sld [smem:$0x3FD9]  }
0x89: {  	s3 =	sld [smem:$0x3FFE];
	_ =	sdelay $0x1  }
0x8a: {  	s1 =	srdreg.scid  }
0x8b: {  	s0 =	sand.u32 $0x1, s1  }
0x8c: {  	s16 =	sshll.u32 s0, $0xA;
	s2 =	sadd.s32 s3, s2  }
0x8d: {  	s2 =	sadd.s32 s2, s16  }
0x8e: {  	[smem:$0x3FB9] =	sst s2  }
0x8f: {  	_ = 	snop  }
0x90: {  	(tm) =	ssettm $0x1  }
0x91: {  	s17 =	sld [smem:$0x3FFB];
	_ =	sdelay $0x3  }
0x92: {  	_ =	strace s17  }
0x93: {  	s2 =	sld [smem:$0x3FFC];
	_ =	sdelay $0x3  }
0x94: {  	_ =	strace s2  }
0x95: {  	s2 =	sld [smem:$0x3FFD];
	_ =	sdelay $0x3  }
0x96: {  	_ =	strace s2  }
0x97: {  	_ =	strace $0x8FFFFFFF  }
0x98: {  	s18 =	sld [smem:$0x3FDB];
	_ =	sdelay $0x1  }
0x99: {  	s19 =	simm.s32 $_scs_section_size  }
0x9a: {  	s4 =	simm.s32 $_size__tile_overlayer_lowered;
	s5 =	simm.s32 $_tile_overlayer_lowered  }
0x9b: {  	s22 =	simm.s32 $0x1BFF;
	s21 =	sshll.u32 s5, $0x1;
	s2 =	sadd.s32 s19, s18  }
0x9c: {  	s6 =	simm.s32 $0x0;
	s20 =	sshll.u32 s4, $0x1;
	s4 =	sadd.s32 s21, s2  }
0x9d: {  	[timem:s6], [sflag:s22] =	dma.local [hbm:s4], s20  }
0x9e: {  	_ =	swait.ge [sflag:s22], s20  }
0x9f: {  	s3 =	ssub.s32 $0x0, s20;
	[sflag:s22] =	ssyncset.done $0x0  }
0xa0: {  	[sflag:s22] =	ssyncadd.s32 s3;
	_ =	sdelay $0x1  }
0xa1: {  	s23 =	simm.s32 $0x1B8B  }
0xa2: {  	_ =	swait.ge [sflag:s23], $0x1  }
0xa3: {  	[sflag:s23] =	ssyncset.done $0x0  }
0xa4: {  	s25 =	simm.s32 $0x1B8E;
	s24 =	sld [smem:$0x3FFE];
	[sflag:s23] =	ssyncadd.s32 $0xFFFFFFFF  }
0xa5: {  	s26 =	simm.s32 $execute0_lowered;
	[smem:$0x3FD2] =	sst s25  }
0xa6: {  	s4 =	sshll.u32 s26, $0x1;
	_ =	strace $0x8000004F;
	[dreg:$0x1] =	wrdreg $0xFFFFFFFF  }
0xa7: {  	s28 =	simm.s32 $_size_execute0_lowered;
	s2 =	sadd.s32 s2, s4;
	[dreg:$0x0] =	wrdreg $0x0  }
0xa8: {  	s4 =	sshll.u32 s28, $0x1;
	[dreg:$0x2] =	wrdreg s2  }
0xa9: {  	[dreg:$0x3] =	wrdreg s4  }
0xaa: {  	[dreg:$0x4] =	wrdreg $0xC0  }
0xab: {  	_ =	task [dreg:s6], $0x5FFFF  }
0xac: {  	[dreg:$0x1] =	wrdreg $0xFFFFFFFF  }
0xad: {  	[dreg:$0x0] =	wrdreg $0x60  }
0xae: {  	[dreg:$0x2] =	wrdreg s24  }
0xaf: {  	[dreg:$0x3] =	wrdreg $0xAC000  }
0xb0: {  	[dreg:$0x4] =	wrdreg $0x9  }
0xb1: {  	_ =	task.clear_ibuf [dreg:s6], $0x5FFFF;
	_ =	strace $0x9000004F  }
0xb2: {  	s29 =	simm.s32 $0x9;
	_ =	strace $0x80000051  }
0xb3: {  	_ =	swait.ge [sflag:s29], $0x1  }
0xb4: {  	[sflag:s29] =	ssyncadd.s32 $0xFFFFFFFF  }
0xb5: {  	_ =	strace $0x90000051  }
0xb6: {  	_ =	sfence  }
0xb7: {  	s30 =	sld [smem:$0x0];
	_ =	sdelay $0x2  }
0xb8: {  	s31 =	sshll.u32 s1, $0xD;
	s1 =	sshrl.u32 s1, $0x2  }
0xb9: {  	s3 =	sand.u32 $0x4000, s31;
	s1 =	sadd.s32 s1, s30  }
0xba: {  	s0 =	sor.u32 s3, s0;
	s1 =	sshll.u32 s1, $0x11  }
0xbb: {  	s0 =	sor.u32 s1, s0  }
0xbc: {  	s0 =	sadd.s32 $0x8F2B, s0  }
0xbd: {  	[sflag:s0] =	ssyncadd.remote.s32 $0x1  }
0xbe: {  	_ =	sfence.sel $0xFFFF  }
0xbf: {  	[dreg:$0x0] =	wrdreg $0xFFFFFFFF;
	(pc) =	sbr.abs _section_cstart, $3  }
0xc0: {  	[dreg:$0x1] =	wrdreg $0xFFFFFFFF  }
0xc1: {  	_ =	task.clear_ibuf [dreg:s6], $0x2FFFF;
	_ =	strace $0x9FFFFFFF  }
0xc2: {  	(tm) =	ssettm $0x7FFFFFFF  }
0xc3: {  	_ =	shalt  }
tec
execute0_lowered:
.L_overlay_start_1:
0x0: {  	(tag) =	ssettag $0x1  }
0x1: {  	s0 =	srdreg.scid;
	s6 =	rddreg [dreg:$0x0]  }
0x2: {  	s2 =	rddreg [dreg:$0x1];
	s14 =	simm.s32 $0x80;
	s15 =	simm.s32 $0x2C00  }
0x3: {  	s16 =	simm.s32 $0x6C00;
	s17 =	simm.s32 $0x1;
	s18 =	simm.s32 $0x100  }
0x4: {  	s19 =	simm.s32 $0x2;
	s20 =	simm.s32 $0x180;
	s5 =	sand.u32 $0x1, s0  }
0x5: {  	s21 =	simm.s32 $0x200;
	s0 =	stileid.u32;
	s4 =	smul.u32 $0x28000, s5  }
0x6: {  	s22 =	simm.s32 $0x280;
	s23 =	simm.s32 $0x300;
	s7 =	smul.u32 $0x2800, s0  }
0x7: {  	s24 =	simm.s32 $0x380;
	s25 =	simm.s32 $0x0;
	s26 =	smul.u32 $0x140000, s5  }
0x8: {  	s1 =	sshll.u32 s5, $0x4;
	s9 =	smul.u32 $0x14000, s0;
	s29 =	ssub.s32 $0x2, s5  }
0x9: {  	s11 =	smul.u32 $0x50000, s0;
	s5 =	sadd.s32 $0x18600, s6;
	s12 =	sshll.u32 s0, $0x6  }
0xa: {  	s3 =	sor.u32 s0, s1;
	s1 =	rddreg [dreg:$0x2];
	s30 =	sshrl.u32 s29, $0x1  }
0xb: {  	s12 =	sor.u32 $0x1C03, s12;
	s8 =	smul.u32 $0x2800, s3;
	s3 =	simm.s32 $0x0  }
0xc: {  	s4 =	sadd.s32 s7, s4;
	s7 =	sadd.s32 s9, s26;
	s9 =	ssub.s32 s29, s30  }
0xd: {  	s31 =	sshrl.u32 s11, $0x2;
	s11 =	simm.s32 $0x3;
	[smem:$0x7FF] =	sst s3  }
0xe: {  	s4 =	sshrl.u32 s4, $0x3;
	s7 =	sshrl.u32 s7, $0x3;
	s13 =	sadd.s32 s31, s2  }
0xf: {  	_ =	strace $0x80000050;
	s10 =	sadd.s32 s4, s6;
	s28 =	sshrl.u32 s8, $0x3  }
0x10: {  	s4 =	sadd.s32 $0x1AE00, s6;
	s7 =	sadd.s32 s7, s6;
	s8 =	sadd.s32 s28, s6  }
0x11: {  	s13 =	sshrl.u32 s13, $0x3;
	s7 =	sadd.s32 $0x42000, s7;
	s6 =	sadd.s32 $0xDE00, s8  }
0x12: {  	s8 =	smax.u32 s9, $0x1;
	s9 =	sadd.s32 $0x3E00, s10;
	s10 =	simm.s32 $0x400  }
.LBB2_1:
0x13: {  	[tilespmem:s10], [sflag:$0x3] =	stream.linear.gather [hbm4b:s6+s3], $0x2800, $0x38;
	[tilespmem:$0x1EC00] =	vst v63  }
0x14: {  	_ =	swait.ge [sflag:s11], $0x2800  }
0x15: {  	[sflag:s11] =	ssyncset.done $0x0  }
0x16: {  	[sflag:s11] =	ssyncadd.s32 $0xFFFFD800  }
0x17: {  	[spmem:s13], [sflag:s12] =	dma.local [hbm:s5], $0x2800  }
0x18: {  	_ =	swait.ge [sflag:s11], $0x2800  }
0x19: {  	[sflag:s11] =	ssyncset.done $0x0  }
0x1a: {  	[sflag:s11] =	ssyncadd.s32 $0xFFFFD800  }
0x1b: {  	[bflag:$0x0] =	sbarrier.arrive $0xFFFF  }
0x1c: {  	[tilespmem:s3], [sflag:$0x3] =	stream.linear.gather [hbm4b:s9+s3], $0x400, $0x38;
	[tilespmem:$0x1EC00] =	vst v63  }
0x1d: {  	_ =	swait.ge [sflag:s11], $0x400  }
0x1e: {  	[sflag:s11] =	ssyncset.done $0x0  }
0x1f: {  	[sflag:s11] =	ssyncadd.s32 $0xFFFFFC00  }
0x20: {  	[tilespmem:s15], [sflag:$0x1] =	stream.indirect.gather [hbm4b:s4+s14], $0x80, s3, s14, $0xb8;
	[tilespmem:$0x1EC00] =	vst v63  }
0x21: {  	_ = 	snop  }
0x22: {  	[tilespmem:s16], [sflag:$0x2] =	stream.indirect.gather [hbm4b:s4+s14], $0x80, s14, s14, $0xb8;
	[tilespmem:$0x1EC00] =	vst v63  }
0x23: {  	_ =	swait.ge [sflag:s17], $0x4000  }
0x24: {  	[sflag:s17] =	ssyncset.done $0x0  }
0x25: {  	s26 =	simm.s32 $0x400;
	[sflag:s17] =	ssyncadd.s32 $0xFFFFC000  }
0x26: {  	[spmem:s2] =	stream.indirect.scatter.add.f32 [tilespmem:s15], [sflag:$0x3], $0x80, s26, s14, $0xb8;
	[tilespmem:$0x1EC00] =	vst v63  }
0x27: {  	_ =	swait.ge [sflag:s11], $0x4000  }
0x28: {  	[sflag:s11] =	ssyncset.done $0x0  }
0x29: {  	[sflag:s11] =	ssyncadd.s32 $0xFFFFC000  }
0x2a: {  	[tilespmem:s15], [sflag:$0x1] =	stream.indirect.gather [hbm4b:s4+s14], $0x80, s18, s14, $0xb8;
	[tilespmem:$0x1EC00] =	vst v63  }
0x2b: {  	_ =	swait.ge [sflag:s19], $0x4000  }
0x2c: {  	[sflag:s19] =	ssyncset.done $0x0  }
0x2d: {  	s31 =	simm.s32 $0x480;
	[sflag:s19] =	ssyncadd.s32 $0xFFFFC000  }
0x2e: {  	[spmem:s2] =	stream.indirect.scatter.add.f32 [tilespmem:s16], [sflag:$0x3], $0x80, s31, s14, $0xb8;
	[tilespmem:$0x1EC00] =	vst v63  }
0x2f: {  	_ =	swait.ge [sflag:s11], $0x4000  }
0x30: {  	[sflag:s11] =	ssyncset.done $0x0  }
0x31: {  	[sflag:s11] =	ssyncadd.s32 $0xFFFFC000  }
0x32: {  	[tilespmem:s16], [sflag:$0x2] =	stream.indirect.gather [hbm4b:s4+s14], $0x80, s20, s14, $0xb8;
	[tilespmem:$0x1EC00] =	vst v63  }
0x33: {  	_ =	swait.ge [sflag:s17], $0x4000  }
0x34: {  	[sflag:s17] =	ssyncset.done $0x0  }
0x35: {  	s29 =	simm.s32 $0x500;
	[sflag:s17] =	ssyncadd.s32 $0xFFFFC000  }
0x36: {  	[spmem:s2] =	stream.indirect.scatter.add.f32 [tilespmem:s15], [sflag:$0x3], $0x80, s29, s14, $0xb8;
	[tilespmem:$0x1EC00] =	vst v63  }
0x37: {  	_ =	swait.ge [sflag:s11], $0x4000  }
0x38: {  	[sflag:s11] =	ssyncset.done $0x0  }
0x39: {  	[sflag:s11] =	ssyncadd.s32 $0xFFFFC000  }
0x3a: {  	[tilespmem:s15], [sflag:$0x1] =	stream.indirect.gather [hbm4b:s4+s14], $0x80, s21, s14, $0xb8;
	[tilespmem:$0x1EC00] =	vst v63  }
0x3b: {  	_ =	swait.ge [sflag:s19], $0x4000  }
0x3c: {  	[sflag:s19] =	ssyncset.done $0x0  }
0x3d: {  	s30 =	simm.s32 $0x580;
	[sflag:s19] =	ssyncadd.s32 $0xFFFFC000  }
0x3e: {  	[spmem:s2] =	stream.indirect.scatter.add.f32 [tilespmem:s16], [sflag:$0x3], $0x80, s30, s14, $0xb8;
	[tilespmem:$0x1EC00] =	vst v63  }
0x3f: {  	_ =	swait.ge [sflag:s11], $0x4000  }
0x40: {  	[sflag:s11] =	ssyncset.done $0x0  }
0x41: {  	[sflag:s11] =	ssyncadd.s32 $0xFFFFC000  }
0x42: {  	[tilespmem:s16], [sflag:$0x2] =	stream.indirect.gather [hbm4b:s4+s14], $0x80, s22, s14, $0xb8;
	[tilespmem:$0x1EC00] =	vst v63  }
0x43: {  	_ =	swait.ge [sflag:s17], $0x4000  }
0x44: {  	[sflag:s17] =	ssyncset.done $0x0  }
0x45: {  	s31 =	simm.s32 $0x600;
	[sflag:s17] =	ssyncadd.s32 $0xFFFFC000  }
0x46: {  	[spmem:s2] =	stream.indirect.scatter.add.f32 [tilespmem:s15], [sflag:$0x3], $0x80, s31, s14, $0xb8;
	[tilespmem:$0x1EC00] =	vst v63  }
0x47: {  	_ =	swait.ge [sflag:s11], $0x4000  }
0x48: {  	[sflag:s11] =	ssyncset.done $0x0  }
0x49: {  	[sflag:s11] =	ssyncadd.s32 $0xFFFFC000  }
0x4a: {  	[tilespmem:s15], [sflag:$0x1] =	stream.indirect.gather [hbm4b:s4+s14], $0x80, s23, s14, $0xb8;
	[tilespmem:$0x1EC00] =	vst v63  }
0x4b: {  	_ =	swait.ge [sflag:s19], $0x4000  }
0x4c: {  	[sflag:s19] =	ssyncset.done $0x0  }
0x4d: {  	s29 =	simm.s32 $0x680;
	[sflag:s19] =	ssyncadd.s32 $0xFFFFC000  }
0x4e: {  	[spmem:s2] =	stream.indirect.scatter.add.f32 [tilespmem:s16], [sflag:$0x3], $0x80, s29, s14, $0xb8;
	[tilespmem:$0x1EC00] =	vst v63  }
0x4f: {  	_ =	swait.ge [sflag:s11], $0x4000  }
0x50: {  	[sflag:s11] =	ssyncset.done $0x0  }
0x51: {  	[sflag:s11] =	ssyncadd.s32 $0xFFFFC000  }
0x52: {  	[tilespmem:s16], [sflag:$0x2] =	stream.indirect.gather [hbm4b:s4+s14], $0x80, s24, s14, $0xb8;
	[tilespmem:$0x1EC00] =	vst v63  }
0x53: {  	_ =	swait.ge [sflag:s17], $0x4000  }
0x54: {  	[sflag:s17] =	ssyncset.done $0x0  }
0x55: {  	s30 =	simm.s32 $0x700;
	[sflag:s17] =	ssyncadd.s32 $0xFFFFC000  }
0x56: {  	[spmem:s2] =	stream.indirect.scatter.add.f32 [tilespmem:s15], [sflag:$0x3], $0x80, s30, s14, $0xb8;
	[tilespmem:$0x1EC00] =	vst v63  }
0x57: {  	_ =	swait.ge [sflag:s11], $0x4000  }
0x58: {  	[sflag:s11] =	ssyncset.done $0x0  }
0x59: {  	[sflag:s11] =	ssyncadd.s32 $0xFFFFC000  }
0x5a: {  	_ =	swait.ge [sflag:s19], $0x4000  }
0x5b: {  	[sflag:s19] =	ssyncset.done $0x0  }
0x5c: {  	s31 =	simm.s32 $0x780;
	[sflag:s19] =	ssyncadd.s32 $0xFFFFC000  }
0x5d: {  	[spmem:s2] =	stream.indirect.scatter.add.f32 [tilespmem:s16], [sflag:$0x3], $0x80, s31, s14, $0xb8;
	[tilespmem:$0x1EC00] =	vst v63  }
0x5e: {  	_ =	swait.ge [sflag:s11], $0x4000  }
0x5f: {  	s28 =	smov.u32 s9;
	s26 =	simm.s32 $0x1000;
	[sflag:s11] =	ssyncset.done $0x0  }
.LBB2_2:
0x60: {  	p0 =	sne.s32 s26, $0x9000;
	[sflag:s11] =	ssyncadd.s32 $0xFFFFC000;
	s28 =	sadd.s32 $0x80, s28  }
0x61: {  	[tilespmem:s3], [sflag:$0x3] =	stream.linear.gather [hbm4b:s28+s3], $0x400, $0x38;
	[tilespmem:$0x1EC00] =	vst v63  }
0x62: {  	s29 =	smov.u32 s26;
	s26 =	sadd.s32 $0x1000, s26;
	_ =	swait.ge [sflag:s11], $0x400  }
0x63: {  	[sflag:s11] =	ssyncset.done $0x0  }
0x64: {  	[sflag:s11] =	ssyncadd.s32 $0xFFFFFC00  }
0x65: {  	[tilespmem:s15], [sflag:$0x1] =	stream.indirect.gather [hbm4b:s4+s14], $0x80, s3, s14, $0xb8;
	[tilespmem:$0x1EC00] =	vst v63  }
0x66: {  	_ = 	snop  }
0x67: {  	[tilespmem:s16], [sflag:$0x2] =	stream.indirect.gather [hbm4b:s4+s14], $0x80, s14, s14, $0xb8;
	[tilespmem:$0x1EC00] =	vst v63  }
0x68: {  	_ =	swait.ge [sflag:s17], $0x4000  }
0x69: {  	s29 =	sshra.s32 s29, $0x2;
	[sflag:s17] =	ssyncset.done $0x0  }
0x6a: {  	s30 =	sadd.s32 $0x400, s29;
	[sflag:s17] =	ssyncadd.s32 $0xFFFFC000  }
0x6b: {  	[spmem:s2] =	stream.indirect.scatter.add.f32 [tilespmem:s15], [sflag:$0x3], $0x80, s30, s14, $0xb8;
	[tilespmem:$0x1EC00] =	vst v63  }
0x6c: {  	_ =	swait.ge [sflag:s11], $0x4000  }
0x6d: {  	[sflag:s11] =	ssyncset.done $0x0  }
0x6e: {  	[sflag:s11] =	ssyncadd.s32 $0xFFFFC000  }
0x6f: {  	[tilespmem:s15], [sflag:$0x1] =	stream.indirect.gather [hbm4b:s4+s14], $0x80, s18, s14, $0xb8;
	[tilespmem:$0x1EC00] =	vst v63  }
0x70: {  	_ =	swait.ge [sflag:s19], $0x4000  }
0x71: {  	[sflag:s19] =	ssyncset.done $0x0  }
0x72: {  	s30 =	sadd.s32 $0x480, s29;
	[sflag:s19] =	ssyncadd.s32 $0xFFFFC000  }
0x73: {  	[spmem:s2] =	stream.indirect.scatter.add.f32 [tilespmem:s16], [sflag:$0x3], $0x80, s30, s14, $0xb8;
	[tilespmem:$0x1EC00] =	vst v63  }
0x74: {  	_ =	swait.ge [sflag:s11], $0x4000  }
0x75: {  	[sflag:s11] =	ssyncset.done $0x0  }
0x76: {  	[sflag:s11] =	ssyncadd.s32 $0xFFFFC000  }
0x77: {  	[tilespmem:s16], [sflag:$0x2] =	stream.indirect.gather [hbm4b:s4+s14], $0x80, s20, s14, $0xb8;
	[tilespmem:$0x1EC00] =	vst v63  }
0x78: {  	_ =	swait.ge [sflag:s17], $0x4000  }
0x79: {  	[sflag:s17] =	ssyncset.done $0x0  }
0x7a: {  	s30 =	sadd.s32 $0x500, s29;
	[sflag:s17] =	ssyncadd.s32 $0xFFFFC000  }
0x7b: {  	[spmem:s2] =	stream.indirect.scatter.add.f32 [tilespmem:s15], [sflag:$0x3], $0x80, s30, s14, $0xb8;
	[tilespmem:$0x1EC00] =	vst v63  }
0x7c: {  	_ =	swait.ge [sflag:s11], $0x4000  }
0x7d: {  	[sflag:s11] =	ssyncset.done $0x0  }
0x7e: {  	[sflag:s11] =	ssyncadd.s32 $0xFFFFC000  }
0x7f: {  	[tilespmem:s15], [sflag:$0x1] =	stream.indirect.gather [hbm4b:s4+s14], $0x80, s21, s14, $0xb8;
	[tilespmem:$0x1EC00] =	vst v63  }
0x80: {  	_ =	swait.ge [sflag:s19], $0x4000  }
0x81: {  	[sflag:s19] =	ssyncset.done $0x0  }
0x82: {  	s30 =	sadd.s32 $0x580, s29;
	[sflag:s19] =	ssyncadd.s32 $0xFFFFC000  }
0x83: {  	[spmem:s2] =	stream.indirect.scatter.add.f32 [tilespmem:s16], [sflag:$0x3], $0x80, s30, s14, $0xb8;
	[tilespmem:$0x1EC00] =	vst v63  }
0x84: {  	_ =	swait.ge [sflag:s11], $0x4000  }
0x85: {  	[sflag:s11] =	ssyncset.done $0x0  }
0x86: {  	[sflag:s11] =	ssyncadd.s32 $0xFFFFC000  }
0x87: {  	[tilespmem:s16], [sflag:$0x2] =	stream.indirect.gather [hbm4b:s4+s14], $0x80, s22, s14, $0xb8;
	[tilespmem:$0x1EC00] =	vst v63  }
0x88: {  	_ =	swait.ge [sflag:s17], $0x4000  }
0x89: {  	[sflag:s17] =	ssyncset.done $0x0  }
0x8a: {  	s30 =	sadd.s32 $0x600, s29;
	[sflag:s17] =	ssyncadd.s32 $0xFFFFC000  }
0x8b: {  	[spmem:s2] =	stream.indirect.scatter.add.f32 [tilespmem:s15], [sflag:$0x3], $0x80, s30, s14, $0xb8;
	[tilespmem:$0x1EC00] =	vst v63  }
0x8c: {  	_ =	swait.ge [sflag:s11], $0x4000  }
0x8d: {  	[sflag:s11] =	ssyncset.done $0x0  }
0x8e: {  	[sflag:s11] =	ssyncadd.s32 $0xFFFFC000  }
0x8f: {  	[tilespmem:s15], [sflag:$0x1] =	stream.indirect.gather [hbm4b:s4+s14], $0x80, s23, s14, $0xb8;
	[tilespmem:$0x1EC00] =	vst v63  }
0x90: {  	_ =	swait.ge [sflag:s19], $0x4000  }
0x91: {  	[sflag:s19] =	ssyncset.done $0x0  }
0x92: {  	s30 =	sadd.s32 $0x680, s29;
	[sflag:s19] =	ssyncadd.s32 $0xFFFFC000  }
0x93: {  	[spmem:s2] =	stream.indirect.scatter.add.f32 [tilespmem:s16], [sflag:$0x3], $0x80, s30, s14, $0xb8;
	[tilespmem:$0x1EC00] =	vst v63  }
0x94: {  	_ =	swait.ge [sflag:s11], $0x4000  }
0x95: {  	[sflag:s11] =	ssyncset.done $0x0  }
0x96: {  	[sflag:s11] =	ssyncadd.s32 $0xFFFFC000  }
0x97: {  	[tilespmem:s16], [sflag:$0x2] =	stream.indirect.gather [hbm4b:s4+s14], $0x80, s24, s14, $0xb8;
	[tilespmem:$0x1EC00] =	vst v63  }
0x98: {  	_ =	swait.ge [sflag:s17], $0x4000  }
0x99: {  	[sflag:s17] =	ssyncset.done $0x0  }
0x9a: {  	s30 =	sadd.s32 $0x700, s29;
	[sflag:s17] =	ssyncadd.s32 $0xFFFFC000  }
0x9b: {  	[spmem:s2] =	stream.indirect.scatter.add.f32 [tilespmem:s15], [sflag:$0x3], $0x80, s30, s14, $0xb8;
	[tilespmem:$0x1EC00] =	vst v63  }
0x9c: {  	_ =	swait.ge [sflag:s11], $0x4000  }
0x9d: {  	[sflag:s11] =	ssyncset.done $0x0  }
0x9e: {  	[sflag:s11] =	ssyncadd.s32 $0xFFFFC000  }
0x9f: {  	_ =	swait.ge [sflag:s19], $0x4000  }
.Ltmp0:
0xa0: {  	[sflag:s19] =	ssyncset.done $0x0;
	(pc) =	sbr.rel @p0 .LBB2_2-.Ltmp0, $4  }
0xa1: {  	s29 =	sadd.s32 $0x780, s29;
	[sflag:s19] =	ssyncadd.s32 $0xFFFFC000  }
0xa2: {  	[spmem:s2] =	stream.indirect.scatter.add.f32 [tilespmem:s16], [sflag:$0x3], $0x80, s29, s14, $0xb8;
	[tilespmem:$0x1EC00] =	vst v63  }
0xa3: {  	_ =	swait.ge [sflag:s11], $0x4000  }
0xa4: {  	[sflag:s11] =	ssyncset.done $0x0  }
0xa5: {  	s25 =	sadd.s32 $0x1, s25  }
0xa6: {  	[sflag:s11] =	ssyncadd.s32 $0xFFFFC000;
	p0 =	sne.s32 s25, s8  }
.Ltmp1:
0xa7: {  	[bflag:$0x0] =	sbarrier.arrive $0xFFFF;
	(pc) =	sbr.rel @p0 .LBB2_1-.Ltmp1, $4  }
0xa8: {  	[hbm:s7], [sflag:s12] =	dma.local [spmem:s13], $0x2800  }
0xa9: {  	_ =	swait.ge [sflag:s11], $0x2800  }
0xaa: {  	[sflag:s11] =	ssyncset.done $0x0  }
0xab: {  	[sflag:s11] =	ssyncadd.s32 $0xFFFFD800  }
0xac: {  	_ =	sfence.sel $0x180000  }
0xad: {  	[bflag:$0x0] =	sbarrier.arrive $0xFFFF  }
0xae: {  	p0 =	sne.s32 s0, $0x0;
	_ =	strace $0x90000050  }
0xaf: {  	s0 =	sadd.s32 @!p0 $0x100000, s1;
	[bflag:$0x2] =	sbarrier.arrive $0xFFFF  }
0xb0: {  	[sflag:s0] =	ssyncadd.tile.s32 @!p0 $0x1;
	_ =	shalt  }
.Lfunc_end2:
_tile_overlayer_lowered:
.L_overlay_start_2:
0xb1: {  	(tag) =	ssettag $0x2  }
0xb2: {  	s0 =	rddreg [dreg:$0x0];
	s2 =	stileid.u32  }
0xb3: {  	s1 =	rddreg [dreg:$0x1];
	p0 =	sne.s32 s2, $0x0  }
0xb4: {  	s3 =	rddreg [dreg:$0x2];
	[bflag:$0x3] =	sbarrier.arrive $0xFFFF;
	s2 =	simm.s32 @!p0 $0x1C03  }
0xb5: {  	[timem:s3], [sflag:s2] =	dma.local @!p0 [hbm:s0], s1  }
0xb6: {  	s0 =	simm.s32 @!p0 $0x3  }
0xb7: {  	_ =	swait.ge @!p0 [sflag:s0], s1  }
0xb8: {  	s1 =	ssub.s32 @!p0 $0x0, s1;
	[sflag:s0] =	ssyncset.done @!p0 $0x0  }
0xb9: {  	[sflag:s0] =	ssyncadd.s32 @!p0 s1  }
0xba: {  	[bflag:$0x3] =	sbarrier.arrive $0xFFFF  }
0xbb: {  	_ =	shalt  }

</sc_bundles>
